<compile_context>
chip_gen: v7x
topology: tpu7x:2x2x1
jax: 0.10.2.dev20260603
libtpu: 0.0.44.dev20260713+nightly
codegen_flags: <defaults>
</compile_context>

<pallas_src>
import functools

import jax
import jax.numpy as jnp
from jax import lax
from jax.experimental import pallas as pl
from jax.experimental.pallas import tpu as pltpu
from jax.experimental.pallas import tpu_sc as plsc

NUM_GENDERS = 3
NUM_DEVICES = 4

B = 16384
NC, NS = 2, 16
NW = NC * NS
BPW = B // NW
CH = 128
NCHK = BPW // CH

_EMB_DIMS = (16, 16, 8, 4, 8, 8, 8, 4, 4)
_GATHER_DIMS = tuple(max(d, 8) for d in _EMB_DIMS)


def _sc_gather_all(idxs, tables, cross_tables):
    mesh = plsc.VectorSubcoreMesh(core_axis_name="c", subcore_axis_name="s",
                                  num_cores=NC, num_subcores=NS)

    out_type = (
        [jax.ShapeDtypeStruct((B, d), jnp.float32) for d in _GATHER_DIMS]
        + [jax.ShapeDtypeStruct((B, 8), jnp.float32) for _ in range(3)]
    )
    scratch = (
        [pltpu.VMEM((BPW,), jnp.int32) for _ in range(9)]
        + [pltpu.VMEM((BPW,), jnp.int32) for _ in range(3)]
        + [pltpu.VMEM((BPW, d), jnp.float32) for d in _GATHER_DIMS]
        + [pltpu.VMEM((BPW, 8), jnp.float32) for _ in range(3)]
        + [pltpu.SemaphoreType.DMA]
    )

    @functools.partial(
        pl.kernel, mesh=mesh, out_type=out_type, scratch_types=scratch,
        compiler_params=pltpu.CompilerParams(use_tc_tiling_on_sc=False),
    )
    def body(*refs):
        pos = 0
        idx_hbm = refs[pos:pos + 9]; pos += 9
        tab_hbm = refs[pos:pos + 9]; pos += 9
        cross_hbm = refs[pos:pos + 3]; pos += 3
        out_hbm = refs[pos:pos + 12]; pos += 12
        idx_v = refs[pos:pos + 9]; pos += 9
        cid_v = refs[pos:pos + 3]; pos += 3
        row_v = refs[pos:pos + 12]; pos += 12
        sem = refs[pos]

        wid = lax.axis_index("s") * NC + lax.axis_index("c")
        base = wid * BPW

        for f in range(9):
            pltpu.sync_copy(idx_hbm[f].at[pl.ds(base, BPW)], idx_v[f])

        age_v, gen_v, cat_v, hour_v, dev_v = (
            idx_v[2], idx_v[3], idx_v[5], idx_v[7], idx_v[8])

        def cross_body(t, _):
            sl = pl.ds(t * 16, 16)
            g = gen_v[sl]
            cid_v[0][sl] = age_v[sl] * NUM_GENDERS + g
            cid_v[1][sl] = cat_v[sl] * NUM_GENDERS + g
            cid_v[2][sl] = hour_v[sl] * NUM_DEVICES + dev_v[sl]
            return _

        lax.fori_loop(0, BPW // 16, cross_body, None)

        def gather(table, iv, rv):
            descs = []
            for j in range(NCHK):
                descs.append(pltpu.async_copy(
                    table.at[iv.at[pl.ds(j * CH, CH)]],
                    rv.at[pl.ds(j * CH, CH)], sem))
            for d in descs:
                d.wait()

        for f in range(9):
            gather(tab_hbm[f], idx_v[f], row_v[f])
        for c in range(3):
            gather(cross_hbm[c], cid_v[c], row_v[9 + c])

        for f in range(12):
            pltpu.sync_copy(row_v[f], out_hbm[f].at[pl.ds(base, BPW)])

    return body


def _mlp_kernel(u, i, a, g, ci, ca, br, ho, de, pr, f1, f2, f3,
                w1u, w1i, w1a, w1g, w1c, w1ca, w1b, w1h, w1d, w1p, b1,
                w2t, b2, w3t, b3, wdt, bd, wwt, bw, out):
    acc = jnp.dot(u[...], w1u[...], preferred_element_type=jnp.float32)
    acc += jnp.dot(i[...], w1i[...], preferred_element_type=jnp.float32)
    acc += jnp.dot(a[...], w1a[...], preferred_element_type=jnp.float32)
    acc += jnp.dot(g[...], w1g[...], preferred_element_type=jnp.float32)
    acc += jnp.dot(ci[...], w1c[...], preferred_element_type=jnp.float32)
    acc += jnp.dot(ca[...], w1ca[...], preferred_element_type=jnp.float32)
    acc += jnp.dot(br[...], w1b[...], preferred_element_type=jnp.float32)
    acc += jnp.dot(ho[...], w1h[...], preferred_element_type=jnp.float32)
    acc += jnp.dot(de[...], w1d[...], preferred_element_type=jnp.float32)
    acc += pr[...] * w1p[...]
    h = jnp.maximum(acc + b1[...], 0.0)
    h = jnp.maximum(
        jnp.dot(h, w2t[...], preferred_element_type=jnp.float32) + b2[...], 0.0)
    h = jnp.maximum(
        jnp.dot(h, w3t[...], preferred_element_type=jnp.float32) + b3[...], 0.0)
    deep = jnp.dot(h, wdt[...], preferred_element_type=jnp.float32) + bd[...]
    wide_in = jnp.concatenate([f1[...], f2[...], f3[...]], axis=1)
    wide = jnp.dot(wide_in, wwt[...], preferred_element_type=jnp.float32) + bw[...]
    out[...] = deep + wide


def kernel(user_id, item_id, age, gender, city, category, brand, price, hour,
           device, user_table, item_table, age_table, gender_table, city_table,
           category_table, brand_table, hour_table, device_table,
           W1, b1, W2, b2, W3, b3, Wd, bd,
           cross_age_gender, cross_category_gender, cross_hour_device, Ww, bw):
    idxs = [x[:, 0].astype(jnp.int32) for x in
            (user_id, item_id, age, gender, city, category, brand, hour, device)]
    tables = [user_table, item_table, age_table, gender_table, city_table,
              category_table, brand_table, hour_table, device_table]
    cross_tables = [cross_age_gender, cross_category_gender, cross_hour_device]

    for f, (d, gd) in enumerate(zip(_EMB_DIMS, _GATHER_DIMS)):
        if gd != d:
            tables[f] = jnp.pad(tables[f], ((0, 0), (0, gd - d)))
    cross_tables = [jnp.pad(t, ((0, 0), (0, 7))) for t in cross_tables]

    gathered = _sc_gather_all(idxs, tables, cross_tables)(
        *idxs, *tables, *cross_tables)
    embs, feats = gathered[:9], gathered[9:]

    w1_parts = []
    o = 0
    for d, gd in zip(_EMB_DIMS, _GATHER_DIMS):
        w = W1[:, o:o + d].T
        if gd != d:
            w = jnp.pad(w, ((0, gd - d), (0, 0)))
        w1_parts.append(w)
        o += d
    w1p = W1[:, o:o + 1].T
    wwt = jnp.zeros((24, 1), jnp.float32)
    wwt = wwt.at[0, 0].set(Ww[0, 0]).at[8, 0].set(Ww[0, 1]).at[16, 0].set(Ww[0, 2])

    nblk = B // 512
    blk = lambda d: pl.BlockSpec((512, d), lambda n: (n, 0))
    full = lambda sh: pl.BlockSpec(sh, lambda n: (0, 0))

    out = pl.pallas_call(
        _mlp_kernel,
        grid=(nblk,),
        in_specs=(
            [blk(d) for d in _GATHER_DIMS]
            + [blk(1)]
            + [blk(8)] * 3
            + [full(w.shape) for w in w1_parts]
            + [full((1, 256)),
               full((1, 256)),
               full((256, 128)), full((1, 128)),
               full((128, 64)), full((1, 64)),
               full((64, 1)), full((1, 1)),
               full((24, 1)), full((1, 1))]
        ),
        out_specs=blk(1),
        out_shape=jax.ShapeDtypeStruct((B, 1), jnp.float32),
    )(*embs, price, *feats,
      *w1_parts, w1p, b1.reshape(1, 256),
      W2.T, b2.reshape(1, 128), W3.T, b3.reshape(1, 64),
      Wd.T, bd.reshape(1, 1), wwt, bw.reshape(1, 1))

    return out[:, 0]

# --- scband reference (transcript-rebuilt; emitter-appended) ---
"""Pipeline reference for scband-wide-and-deep-model-22273700397290 (READ-ONLY COPY).

The authoritative reference and input builder live on the scoring server;
editing this copy changes nothing except your own understanding.
"""

import jax, jax.numpy as jnp
import numpy as np

NUM_USERS = 1000000
NUM_ITEMS = 100000
NUM_AGES = 10
NUM_GENDERS = 3
NUM_CITIES = 1000
NUM_CATEGORIES = 100
NUM_BRANDS = 10000
NUM_HOURS = 24
NUM_DEVICES = 4
ED = 16
B = 16384


def _k(i):
    return jax.random.fold_in(jax.random.key(0), i)


def setup_inputs():
    inp = {}
    inp["user_id"] = jax.random.randint(_k(0), (B, 1), 0, NUM_USERS)
    inp["item_id"] = jax.random.randint(_k(1), (B, 1), 0, NUM_ITEMS)
    inp["age"] = jax.random.randint(_k(2), (B, 1), 0, NUM_AGES)
    inp["gender"] = jax.random.randint(_k(3), (B, 1), 0, NUM_GENDERS)
    inp["city"] = jax.random.randint(_k(4), (B, 1), 0, NUM_CITIES)
    inp["category"] = jax.random.randint(_k(5), (B, 1), 0, NUM_CATEGORIES)
    inp["brand"] = jax.random.randint(_k(6), (B, 1), 0, NUM_BRANDS)
    inp["price"] = jax.random.uniform(_k(7), (B, 1), dtype=jnp.float32)
    inp["hour"] = jax.random.randint(_k(8), (B, 1), 0, NUM_HOURS)
    inp["device"] = jax.random.randint(_k(9), (B, 1), 0, NUM_DEVICES)
    # embedding tables
    inp["user_table"] = 0.02 * jax.random.normal(_k(10), (NUM_USERS, ED), dtype=jnp.float32)
    inp["item_table"] = 0.02 * jax.random.normal(_k(11), (NUM_ITEMS, ED), dtype=jnp.float32)
    inp["age_table"] = 0.02 * jax.random.normal(_k(12), (NUM_AGES, ED // 2), dtype=jnp.float32)
    inp["gender_table"] = 0.02 * jax.random.normal(_k(13), (NUM_GENDERS, ED // 4), dtype=jnp.float32)
    inp["city_table"] = 0.02 * jax.random.normal(_k(14), (NUM_CITIES, ED // 2), dtype=jnp.float32)
    inp["category_table"] = 0.02 * jax.random.normal(_k(15), (NUM_CATEGORIES, ED // 2), dtype=jnp.float32)
    inp["brand_table"] = 0.02 * jax.random.normal(_k(16), (NUM_BRANDS, ED // 2), dtype=jnp.float32)
    inp["hour_table"] = 0.02 * jax.random.normal(_k(17), (NUM_HOURS, ED // 4), dtype=jnp.float32)
    inp["device_table"] = 0.02 * jax.random.normal(_k(18), (NUM_DEVICES, ED // 4), dtype=jnp.float32)
    # deep MLP: input dim = 2*16 + 4*8 + 3*4 + 1 = 77
    din = ED * 2 + (ED // 2) * 4 + (ED // 4) * 3 + 1
    inp["W1"] = jax.random.normal(_k(19), (256, din), dtype=jnp.float32) * (1.0 / np.sqrt(din))
    inp["b1"] = jnp.zeros((256,), dtype=jnp.float32)
    inp["W2"] = jax.random.normal(_k(20), (128, 256), dtype=jnp.float32) * (1.0 / np.sqrt(256))
    inp["b2"] = jnp.zeros((128,), dtype=jnp.float32)
    inp["W3"] = jax.random.normal(_k(21), (64, 128), dtype=jnp.float32) * (1.0 / np.sqrt(128))
    inp["b3"] = jnp.zeros((64,), dtype=jnp.float32)
    inp["Wd"] = jax.random.normal(_k(22), (1, 64), dtype=jnp.float32) * (1.0 / np.sqrt(64))
    inp["bd"] = jnp.zeros((1,), dtype=jnp.float32)
    # wide cross tables (dim 1)
    inp["cross_age_gender"] = 0.02 * jax.random.normal(_k(23), (NUM_AGES * NUM_GENDERS, 1), dtype=jnp.float32)
    inp["cross_category_gender"] = 0.02 * jax.random.normal(_k(24), (NUM_CATEGORIES * NUM_GENDERS, 1), dtype=jnp.float32)
    inp["cross_hour_device"] = 0.02 * jax.random.normal(_k(25), (NUM_HOURS * NUM_DEVICES, 1), dtype=jnp.float32)
    inp["Ww"] = jax.random.normal(_k(26), (1, 3), dtype=jnp.float32) * (1.0 / np.sqrt(3))
    inp["bw"] = jnp.zeros((1,), dtype=jnp.float32)
    return inp


def reference(user_id, item_id, age, gender, city, category, brand, price, hour, device,
              user_table, item_table, age_table, gender_table, city_table, category_table,
              brand_table, hour_table, device_table,
              W1, b1, W2, b2, W3, b3, Wd, bd,
              cross_age_gender, cross_category_gender, cross_hour_device, Ww, bw):
    # embedding lookups ([B,1] -> gather -> squeeze(1) -> [B, dim])
    user_emb = jnp.take(user_table, user_id[:, 0], axis=0)
    item_emb = jnp.take(item_table, item_id[:, 0], axis=0)
    age_emb = jnp.take(age_table, age[:, 0], axis=0)
    gender_emb = jnp.take(gender_table, gender[:, 0], axis=0)
    city_emb = jnp.take(city_table, city[:, 0], axis=0)
    category_emb = jnp.take(category_table, category[:, 0], axis=0)
    brand_emb = jnp.take(brand_table, brand[:, 0], axis=0)
    hour_emb = jnp.take(hour_table, hour[:, 0], axis=0)
    device_emb = jnp.take(device_table, device[:, 0], axis=0)
    deep_input = jnp.concatenate([user_emb, item_emb, age_emb, gender_emb, city_emb,
                                  category_emb, brand_emb, hour_emb, device_emb, price], axis=1)
    # deep MLP (dropout is identity at inference)
    h = jax.nn.relu(deep_input @ W1.T + b1)
    h = jax.nn.relu(h @ W2.T + b2)
    h = jax.nn.relu(h @ W3.T + b3)
    logit_deep = (h @ Wd.T + bd)[:, 0]
    # wide cross features
    cross_id_1 = (age * NUM_GENDERS + gender)[:, 0]
    cross_id_2 = (category * NUM_GENDERS + gender)[:, 0]
    cross_id_3 = (hour * NUM_DEVICES + device)[:, 0]
    cross_feat_1 = jnp.take(cross_age_gender, cross_id_1, axis=0)[:, 0]
    cross_feat_2 = jnp.take(cross_category_gender, cross_id_2, axis=0)[:, 0]
    cross_feat_3 = jnp.take(cross_hour_device, cross_id_3, axis=0)[:, 0]
    wide_input = jnp.stack([cross_feat_1, cross_feat_2, cross_feat_3], axis=1)
    logit_wide = (wide_input @ Ww.T + bw)[:, 0]
    return logit_wide + logit_deep

if __name__ == "__main__":
    import jax
    _d = setup_inputs()
    print(jax.jit(kernel)(*tuple(_d.values())))

</pallas_src>

<mosaic_0001>
#map = affine_map<(d0, d1) -> (0)>
#map1 = affine_map<(d0, d1) -> (0, 0)>
module attributes {stable_mosaic.version = 14 : i64} {
  func.func @body(%arg0: i32, %arg1: i32, %arg2: memref<16384xi32, #tpu.memory_space<hbm>>, %arg3: memref<16384xi32, #tpu.memory_space<hbm>>, %arg4: memref<16384xi32, #tpu.memory_space<hbm>>, %arg5: memref<16384xi32, #tpu.memory_space<hbm>>, %arg6: memref<16384xi32, #tpu.memory_space<hbm>>, %arg7: memref<16384xi32, #tpu.memory_space<hbm>>, %arg8: memref<16384xi32, #tpu.memory_space<hbm>>, %arg9: memref<16384xi32, #tpu.memory_space<hbm>>, %arg10: memref<16384xi32, #tpu.memory_space<hbm>>, %arg11: memref<1000000x16xf32, #tpu.memory_space<hbm>>, %arg12: memref<100000x16xf32, #tpu.memory_space<hbm>>, %arg13: memref<10x8xf32, #tpu.memory_space<hbm>>, %arg14: memref<3x8xf32, #tpu.memory_space<hbm>>, %arg15: memref<1000x8xf32, #tpu.memory_space<hbm>>, %arg16: memref<100x8xf32, #tpu.memory_space<hbm>>, %arg17: memref<10000x8xf32, #tpu.memory_space<hbm>>, %arg18: memref<24x8xf32, #tpu.memory_space<hbm>>, %arg19: memref<4x8xf32, #tpu.memory_space<hbm>>, %arg20: memref<30x8xf32, #tpu.memory_space<hbm>>, %arg21: memref<300x8xf32, #tpu.memory_space<hbm>>, %arg22: memref<96x8xf32, #tpu.memory_space<hbm>>, %arg23: memref<16384x16xf32, #tpu.memory_space<hbm>>, %arg24: memref<16384x16xf32, #tpu.memory_space<hbm>>, %arg25: memref<16384x8xf32, #tpu.memory_space<hbm>>, %arg26: memref<16384x8xf32, #tpu.memory_space<hbm>>, %arg27: memref<16384x8xf32, #tpu.memory_space<hbm>>, %arg28: memref<16384x8xf32, #tpu.memory_space<hbm>>, %arg29: memref<16384x8xf32, #tpu.memory_space<hbm>>, %arg30: memref<16384x8xf32, #tpu.memory_space<hbm>>, %arg31: memref<16384x8xf32, #tpu.memory_space<hbm>>, %arg32: memref<16384x8xf32, #tpu.memory_space<hbm>>, %arg33: memref<16384x8xf32, #tpu.memory_space<hbm>>, %arg34: memref<16384x8xf32, #tpu.memory_space<hbm>>, %arg35: memref<512xi32, #tpu.memory_space<vmem>>, %arg36: memref<512xi32, #tpu.memory_space<vmem>>, %arg37: memref<512xi32, #tpu.memory_space<vmem>>, %arg38: memref<512xi32, #tpu.memory_space<vmem>>, %arg39: memref<512xi32, #tpu.memory_space<vmem>>, %arg40: memref<512xi32, #tpu.memory_space<vmem>>, %arg41: memref<512xi32, #tpu.memory_space<vmem>>, %arg42: memref<512xi32, #tpu.memory_space<vmem>>, %arg43: memref<512xi32, #tpu.memory_space<vmem>>, %arg44: memref<512xi32, #tpu.memory_space<vmem>>, %arg45: memref<512xi32, #tpu.memory_space<vmem>>, %arg46: memref<512xi32, #tpu.memory_space<vmem>>, %arg47: memref<512x16xf32, #tpu.memory_space<vmem>>, %arg48: memref<512x16xf32, #tpu.memory_space<vmem>>, %arg49: memref<512x8xf32, #tpu.memory_space<vmem>>, %arg50: memref<512x8xf32, #tpu.memory_space<vmem>>, %arg51: memref<512x8xf32, #tpu.memory_space<vmem>>, %arg52: memref<512x8xf32, #tpu.memory_space<vmem>>, %arg53: memref<512x8xf32, #tpu.memory_space<vmem>>, %arg54: memref<512x8xf32, #tpu.memory_space<vmem>>, %arg55: memref<512x8xf32, #tpu.memory_space<vmem>>, %arg56: memref<512x8xf32, #tpu.memory_space<vmem>>, %arg57: memref<512x8xf32, #tpu.memory_space<vmem>>, %arg58: memref<512x8xf32, #tpu.memory_space<vmem>>, %arg59: memref<!tpu.dma_semaphore, #tpu.memory_space<semaphore_mem>>) attributes {dimension_semantics = [#tpu.dimension_semantics<core_parallel>, #tpu.dimension_semantics<subcore_parallel>], iteration_bounds = array<i64: 2, 16>, scalar_prefetch = 0 : i64, scratch_operands = 25 : i64, tpu.core_type = #tpu.core_type<sc_vector_subcore>, window_params = [{transform_indices = #map}, {transform_indices = #map}, {transform_indices = #map}, {transform_indices = #map}, {transform_indices = #map}, {transform_indices = #map}, {transform_indices = #map}, {transform_indices = #map}, {transform_indices = #map}, {transform_indices = #map1}, {transform_indices = #map1}, {transform_indices = #map1}, {transform_indices = #map1}, {transform_indices = #map1}, {transform_indices = #map1}, {transform_indices = #map1}, {transform_indices = #map1}, {transform_indices = #map1}, {transform_indices = #map1}, {transform_indices = #map1}, {transform_indices = #map1}, {transform_indices = #map1}, {transform_indices = #map1}, {transform_indices = #map1}, {transform_indices = #map1}, {transform_indices = #map1}, {transform_indices = #map1}, {transform_indices = #map1}, {transform_indices = #map1}, {transform_indices = #map1}, {transform_indices = #map1}, {transform_indices = #map1}, {transform_indices = #map1}]} {
    %mul3A = arith.constant 2 : i32
    %mul3A_0 = arith.muli %arg1, %mul3A : i32
    %add3A = arith.addi %mul3A_0, %arg0 : i32
    %mul3A_1 = arith.constant 512 : i32
    %mul3A_2 = arith.muli %add3A, %mul3A_1 : i32
    "tpu.region"() ({
      %run_scoped3A = tpu.sem_alloc : memref<!tpu.dma_semaphore, #tpu.memory_space<semaphore_mem>>
      %dma_start3A_773 = tpu.memref_slice %arg2[%mul3A_2] : memref<16384xi32, #tpu.memory_space<hbm>> -> memref<512xi32, #tpu.memory_space<hbm>>
      %dma_start3A_774 = tpu.memref_slice %arg2[%mul3A_2] : memref<16384xi32, #tpu.memory_space<hbm>> -> memref<512xi32, #tpu.memory_space<hbm>>
      tpu.enqueue_dma source(%dma_start3A_774 : memref<512xi32, #tpu.memory_space<hbm>>) target(%arg35 : memref<512xi32, #tpu.memory_space<vmem>>) target_semaphore(%run_scoped3A : memref<!tpu.dma_semaphore, #tpu.memory_space<semaphore_mem>>)
      %dma_wait3A_775 = tpu.memref_slice %arg2[%mul3A_2] : memref<16384xi32, #tpu.memory_space<hbm>> -> memref<512xi32, #tpu.memory_space<hbm>>
      %dma_wait3A_776 = tpu.memref_slice %arg2[%mul3A_2] : memref<16384xi32, #tpu.memory_space<hbm>> -> memref<512xi32, #tpu.memory_space<hbm>>
      tpu.wait_dma2 semaphore(%run_scoped3A : memref<!tpu.dma_semaphore, #tpu.memory_space<semaphore_mem>>) src(%dma_wait3A_776 : memref<512xi32, #tpu.memory_space<hbm>>) dst(%arg35 : memref<512xi32, #tpu.memory_space<vmem>>)
      tpu.yield
    }) : () -> ()
    "tpu.region"() ({
      %run_scoped3A = tpu.sem_alloc : memref<!tpu.dma_semaphore, #tpu.memory_space<semaphore_mem>>
      %dma_start3A_773 = tpu.memref_slice %arg3[%mul3A_2] : memref<16384xi32, #tpu.memory_space<hbm>> -> memref<512xi32, #tpu.memory_space<hbm>>
      %dma_start3A_774 = tpu.memref_slice %arg3[%mul3A_2] : memref<16384xi32, #tpu.memory_space<hbm>> -> memref<512xi32, #tpu.memory_space<hbm>>
      tpu.enqueue_dma source(%dma_start3A_774 : memref<512xi32, #tpu.memory_space<hbm>>) target(%arg36 : memref<512xi32, #tpu.memory_space<vmem>>) target_semaphore(%run_scoped3A : memref<!tpu.dma_semaphore, #tpu.memory_space<semaphore_mem>>)
      %dma_wait3A_775 = tpu.memref_slice %arg3[%mul3A_2] : memref<16384xi32, #tpu.memory_space<hbm>> -> memref<512xi32, #tpu.memory_space<hbm>>
      %dma_wait3A_776 = tpu.memref_slice %arg3[%mul3A_2] : memref<16384xi32, #tpu.memory_space<hbm>> -> memref<512xi32, #tpu.memory_space<hbm>>
      tpu.wait_dma2 semaphore(%run_scoped3A : memref<!tpu.dma_semaphore, #tpu.memory_space<semaphore_mem>>) src(%dma_wait3A_776 : memref<512xi32, #tpu.memory_space<hbm>>) dst(%arg36 : memref<512xi32, #tpu.memory_space<vmem>>)
      tpu.yield
    }) : () -> ()
    "tpu.region"() ({
      %run_scoped3A = tpu.sem_alloc : memref<!tpu.dma_semaphore, #tpu.memory_space<semaphore_mem>>
      %dma_start3A_773 = tpu.memref_slice %arg4[%mul3A_2] : memref<16384xi32, #tpu.memory_space<hbm>> -> memref<512xi32, #tpu.memory_space<hbm>>
      %dma_start3A_774 = tpu.memref_slice %arg4[%mul3A_2] : memref<16384xi32, #tpu.memory_space<hbm>> -> memref<512xi32, #tpu.memory_space<hbm>>
      tpu.enqueue_dma source(%dma_start3A_774 : memref<512xi32, #tpu.memory_space<hbm>>) target(%arg37 : memref<512xi32, #tpu.memory_space<vmem>>) target_semaphore(%run_scoped3A : memref<!tpu.dma_semaphore, #tpu.memory_space<semaphore_mem>>)
      %dma_wait3A_775 = tpu.memref_slice %arg4[%mul3A_2] : memref<16384xi32, #tpu.memory_space<hbm>> -> memref<512xi32, #tpu.memory_space<hbm>>
      %dma_wait3A_776 = tpu.memref_slice %arg4[%mul3A_2] : memref<16384xi32, #tpu.memory_space<hbm>> -> memref<512xi32, #tpu.memory_space<hbm>>
      tpu.wait_dma2 semaphore(%run_scoped3A : memref<!tpu.dma_semaphore, #tpu.memory_space<semaphore_mem>>) src(%dma_wait3A_776 : memref<512xi32, #tpu.memory_space<hbm>>) dst(%arg37 : memref<512xi32, #tpu.memory_space<vmem>>)
      tpu.yield
    }) : () -> ()
    "tpu.region"() ({
      %run_scoped3A = tpu.sem_alloc : memref<!tpu.dma_semaphore, #tpu.memory_space<semaphore_mem>>
      %dma_start3A_773 = tpu.memref_slice %arg5[%mul3A_2] : memref<16384xi32, #tpu.memory_space<hbm>> -> memref<512xi32, #tpu.memory_space<hbm>>
      %dma_start3A_774 = tpu.memref_slice %arg5[%mul3A_2] : memref<16384xi32, #tpu.memory_space<hbm>> -> memref<512xi32, #tpu.memory_space<hbm>>
      tpu.enqueue_dma source(%dma_start3A_774 : memref<512xi32, #tpu.memory_space<hbm>>) target(%arg38 : memref<512xi32, #tpu.memory_space<vmem>>) target_semaphore(%run_scoped3A : memref<!tpu.dma_semaphore, #tpu.memory_space<semaphore_mem>>)
      %dma_wait3A_775 = tpu.memref_slice %arg5[%mul3A_2] : memref<16384xi32, #tpu.memory_space<hbm>> -> memref<512xi32, #tpu.memory_space<hbm>>
      %dma_wait3A_776 = tpu.memref_slice %arg5[%mul3A_2] : memref<16384xi32, #tpu.memory_space<hbm>> -> memref<512xi32, #tpu.memory_space<hbm>>
      tpu.wait_dma2 semaphore(%run_scoped3A : memref<!tpu.dma_semaphore, #tpu.memory_space<semaphore_mem>>) src(%dma_wait3A_776 : memref<512xi32, #tpu.memory_space<hbm>>) dst(%arg38 : memref<512xi32, #tpu.memory_space<vmem>>)
      tpu.yield
    }) : () -> ()
    "tpu.region"() ({
      %run_scoped3A = tpu.sem_alloc : memref<!tpu.dma_semaphore, #tpu.memory_space<semaphore_mem>>
      %dma_start3A_773 = tpu.memref_slice %arg6[%mul3A_2] : memref<16384xi32, #tpu.memory_space<hbm>> -> memref<512xi32, #tpu.memory_space<hbm>>
      %dma_start3A_774 = tpu.memref_slice %arg6[%mul3A_2] : memref<16384xi32, #tpu.memory_space<hbm>> -> memref<512xi32, #tpu.memory_space<hbm>>
      tpu.enqueue_dma source(%dma_start3A_774 : memref<512xi32, #tpu.memory_space<hbm>>) target(%arg39 : memref<512xi32, #tpu.memory_space<vmem>>) target_semaphore(%run_scoped3A : memref<!tpu.dma_semaphore, #tpu.memory_space<semaphore_mem>>)
      %dma_wait3A_775 = tpu.memref_slice %arg6[%mul3A_2] : memref<16384xi32, #tpu.memory_space<hbm>> -> memref<512xi32, #tpu.memory_space<hbm>>
      %dma_wait3A_776 = tpu.memref_slice %arg6[%mul3A_2] : memref<16384xi32, #tpu.memory_space<hbm>> -> memref<512xi32, #tpu.memory_space<hbm>>
      tpu.wait_dma2 semaphore(%run_scoped3A : memref<!tpu.dma_semaphore, #tpu.memory_space<semaphore_mem>>) src(%dma_wait3A_776 : memref<512xi32, #tpu.memory_space<hbm>>) dst(%arg39 : memref<512xi32, #tpu.memory_space<vmem>>)
      tpu.yield
    }) : () -> ()
    "tpu.region"() ({
      %run_scoped3A = tpu.sem_alloc : memref<!tpu.dma_semaphore, #tpu.memory_space<semaphore_mem>>
      %dma_start3A_773 = tpu.memref_slice %arg7[%mul3A_2] : memref<16384xi32, #tpu.memory_space<hbm>> -> memref<512xi32, #tpu.memory_space<hbm>>
      %dma_start3A_774 = tpu.memref_slice %arg7[%mul3A_2] : memref<16384xi32, #tpu.memory_space<hbm>> -> memref<512xi32, #tpu.memory_space<hbm>>
      tpu.enqueue_dma source(%dma_start3A_774 : memref<512xi32, #tpu.memory_space<hbm>>) target(%arg40 : memref<512xi32, #tpu.memory_space<vmem>>) target_semaphore(%run_scoped3A : memref<!tpu.dma_semaphore, #tpu.memory_space<semaphore_mem>>)
      %dma_wait3A_775 = tpu.memref_slice %arg7[%mul3A_2] : memref<16384xi32, #tpu.memory_space<hbm>> -> memref<512xi32, #tpu.memory_space<hbm>>
      %dma_wait3A_776 = tpu.memref_slice %arg7[%mul3A_2] : memref<16384xi32, #tpu.memory_space<hbm>> -> memref<512xi32, #tpu.memory_space<hbm>>
      tpu.wait_dma2 semaphore(%run_scoped3A : memref<!tpu.dma_semaphore, #tpu.memory_space<semaphore_mem>>) src(%dma_wait3A_776 : memref<512xi32, #tpu.memory_space<hbm>>) dst(%arg40 : memref<512xi32, #tpu.memory_space<vmem>>)
      tpu.yield
    }) : () -> ()
    "tpu.region"() ({
      %run_scoped3A = tpu.sem_alloc : memref<!tpu.dma_semaphore, #tpu.memory_space<semaphore_mem>>
      %dma_start3A_773 = tpu.memref_slice %arg8[%mul3A_2] : memref<16384xi32, #tpu.memory_space<hbm>> -> memref<512xi32, #tpu.memory_space<hbm>>
      %dma_start3A_774 = tpu.memref_slice %arg8[%mul3A_2] : memref<16384xi32, #tpu.memory_space<hbm>> -> memref<512xi32, #tpu.memory_space<hbm>>
      tpu.enqueue_dma source(%dma_start3A_774 : memref<512xi32, #tpu.memory_space<hbm>>) target(%arg41 : memref<512xi32, #tpu.memory_space<vmem>>) target_semaphore(%run_scoped3A : memref<!tpu.dma_semaphore, #tpu.memory_space<semaphore_mem>>)
      %dma_wait3A_775 = tpu.memref_slice %arg8[%mul3A_2] : memref<16384xi32, #tpu.memory_space<hbm>> -> memref<512xi32, #tpu.memory_space<hbm>>
      %dma_wait3A_776 = tpu.memref_slice %arg8[%mul3A_2] : memref<16384xi32, #tpu.memory_space<hbm>> -> memref<512xi32, #tpu.memory_space<hbm>>
      tpu.wait_dma2 semaphore(%run_scoped3A : memref<!tpu.dma_semaphore, #tpu.memory_space<semaphore_mem>>) src(%dma_wait3A_776 : memref<512xi32, #tpu.memory_space<hbm>>) dst(%arg41 : memref<512xi32, #tpu.memory_space<vmem>>)
      tpu.yield
    }) : () -> ()
    "tpu.region"() ({
      %run_scoped3A = tpu.sem_alloc : memref<!tpu.dma_semaphore, #tpu.memory_space<semaphore_mem>>
      %dma_start3A_773 = tpu.memref_slice %arg9[%mul3A_2] : memref<16384xi32, #tpu.memory_space<hbm>> -> memref<512xi32, #tpu.memory_space<hbm>>
      %dma_start3A_774 = tpu.memref_slice %arg9[%mul3A_2] : memref<16384xi32, #tpu.memory_space<hbm>> -> memref<512xi32, #tpu.memory_space<hbm>>
      tpu.enqueue_dma source(%dma_start3A_774 : memref<512xi32, #tpu.memory_space<hbm>>) target(%arg42 : memref<512xi32, #tpu.memory_space<vmem>>) target_semaphore(%run_scoped3A : memref<!tpu.dma_semaphore, #tpu.memory_space<semaphore_mem>>)
      %dma_wait3A_775 = tpu.memref_slice %arg9[%mul3A_2] : memref<16384xi32, #tpu.memory_space<hbm>> -> memref<512xi32, #tpu.memory_space<hbm>>
      %dma_wait3A_776 = tpu.memref_slice %arg9[%mul3A_2] : memref<16384xi32, #tpu.memory_space<hbm>> -> memref<512xi32, #tpu.memory_space<hbm>>
      tpu.wait_dma2 semaphore(%run_scoped3A : memref<!tpu.dma_semaphore, #tpu.memory_space<semaphore_mem>>) src(%dma_wait3A_776 : memref<512xi32, #tpu.memory_space<hbm>>) dst(%arg42 : memref<512xi32, #tpu.memory_space<vmem>>)
      tpu.yield
    }) : () -> ()
    "tpu.region"() ({
      %run_scoped3A = tpu.sem_alloc : memref<!tpu.dma_semaphore, #tpu.memory_space<semaphore_mem>>
      %dma_start3A_773 = tpu.memref_slice %arg10[%mul3A_2] : memref<16384xi32, #tpu.memory_space<hbm>> -> memref<512xi32, #tpu.memory_space<hbm>>
      %dma_start3A_774 = tpu.memref_slice %arg10[%mul3A_2] : memref<16384xi32, #tpu.memory_space<hbm>> -> memref<512xi32, #tpu.memory_space<hbm>>
      tpu.enqueue_dma source(%dma_start3A_774 : memref<512xi32, #tpu.memory_space<hbm>>) target(%arg43 : memref<512xi32, #tpu.memory_space<vmem>>) target_semaphore(%run_scoped3A : memref<!tpu.dma_semaphore, #tpu.memory_space<semaphore_mem>>)
      %dma_wait3A_775 = tpu.memref_slice %arg10[%mul3A_2] : memref<16384xi32, #tpu.memory_space<hbm>> -> memref<512xi32, #tpu.memory_space<hbm>>
      %dma_wait3A_776 = tpu.memref_slice %arg10[%mul3A_2] : memref<16384xi32, #tpu.memory_space<hbm>> -> memref<512xi32, #tpu.memory_space<hbm>>
      tpu.wait_dma2 semaphore(%run_scoped3A : memref<!tpu.dma_semaphore, #tpu.memory_space<semaphore_mem>>) src(%dma_wait3A_776 : memref<512xi32, #tpu.memory_space<hbm>>) dst(%arg43 : memref<512xi32, #tpu.memory_space<vmem>>)
      tpu.yield
    }) : () -> ()
    %scan3A = arith.constant 0 : i32
    %scan3A_3 = arith.constant 32 : i32
    %scan3A_4 = arith.addi %scan3A, %scan3A_3 : i32
    %scan3A_5 = arith.constant 1 : i32
    scf.for %scan3A_773 = %scan3A to %scan3A_4 step %scan3A_5  : i32 {
      %mul3A_774 = arith.constant 16 : i32
      %mul3A_775 = arith.muli %scan3A_773, %mul3A_774 : i32
      %get3A = arith.index_cast %mul3A_775 : i32 to index
      %get3A_776 = tpu.vector_load %arg38[%get3A] {strides = array<i32>} : memref<512xi32, #tpu.memory_space<vmem>>, vector<16xi32>,
      %get3A_777 = vector.shape_cast %get3A_776 : vector<16xi32> to vector<16xi32>
      %get3A_778 = arith.index_cast %mul3A_775 : i32 to index
      %get3A_779 = tpu.vector_load %arg37[%get3A_778] {strides = array<i32>} : memref<512xi32, #tpu.memory_space<vmem>>, vector<16xi32>,
      %get3A_780 = vector.shape_cast %get3A_779 : vector<16xi32> to vector<16xi32>
      %mul3A_781 = arith.constant 3 : i32
      %mul3A_782 = vector.broadcast %mul3A_781 : i32 to vector<16xi32>
      %mul3A_783 = arith.muli %get3A_780, %mul3A_782 : vector<16xi32>
      %add3A_784 = arith.addi %mul3A_783, %get3A_777 : vector<16xi32>
      %swap3A = arith.index_cast %mul3A_775 : i32 to index
      %swap3A_785 = tpu.vector_load %arg44[%swap3A] {strides = array<i32>} : memref<512xi32, #tpu.memory_space<vmem>>, vector<16xi32>,
      %swap3A_786 = vector.shape_cast %swap3A_785 : vector<16xi32> to vector<16xi32>
      %swap3A_787 = vector.shape_cast %add3A_784 : vector<16xi32> to vector<16xi32>
      tpu.vector_store %arg44[%swap3A], %swap3A_787 {strides = array<i32>} : memref<512xi32, #tpu.memory_space<vmem>>, vector<16xi32>,
      %get3A_788 = arith.index_cast %mul3A_775 : i32 to index
      %get3A_789 = tpu.vector_load %arg40[%get3A_788] {strides = array<i32>} : memref<512xi32, #tpu.memory_space<vmem>>, vector<16xi32>,
      %get3A_790 = vector.shape_cast %get3A_789 : vector<16xi32> to vector<16xi32>
      %mul3A_791 = arith.constant 3 : i32
      %mul3A_792 = vector.broadcast %mul3A_791 : i32 to vector<16xi32>
      %mul3A_793 = arith.muli %get3A_790, %mul3A_792 : vector<16xi32>
      %add3A_794 = arith.addi %mul3A_793, %get3A_777 : vector<16xi32>
      %swap3A_795 = arith.index_cast %mul3A_775 : i32 to index
      %swap3A_796 = tpu.vector_load %arg45[%swap3A_795] {strides = array<i32>} : memref<512xi32, #tpu.memory_space<vmem>>, vector<16xi32>,
      %swap3A_797 = vector.shape_cast %swap3A_796 : vector<16xi32> to vector<16xi32>
      %swap3A_798 = vector.shape_cast %add3A_794 : vector<16xi32> to vector<16xi32>
      tpu.vector_store %arg45[%swap3A_795], %swap3A_798 {strides = array<i32>} : memref<512xi32, #tpu.memory_space<vmem>>, vector<16xi32>,
      %get3A_799 = arith.index_cast %mul3A_775 : i32 to index
      %get3A_800 = tpu.vector_load %arg42[%get3A_799] {strides = array<i32>} : memref<512xi32, #tpu.memory_space<vmem>>, vector<16xi32>,
      %get3A_801 = vector.shape_cast %get3A_800 : vector<16xi32> to vector<16xi32>
      %mul3A_802 = arith.constant 4 : i32
      %mul3A_803 = vector.broadcast %mul3A_802 : i32 to vector<16xi32>
      %mul3A_804 = arith.muli %get3A_801, %mul3A_803 : vector<16xi32>
      %get3A_805 = arith.index_cast %mul3A_775 : i32 to index
      %get3A_806 = tpu.vector_load %arg43[%get3A_805] {strides = array<i32>} : memref<512xi32, #tpu.memory_space<vmem>>, vector<16xi32>,
      %get3A_807 = vector.shape_cast %get3A_806 : vector<16xi32> to vector<16xi32>
      %add3A_808 = arith.addi %mul3A_804, %get3A_807 : vector<16xi32>
      %swap3A_809 = arith.index_cast %mul3A_775 : i32 to index
      %swap3A_810 = tpu.vector_load %arg46[%swap3A_809] {strides = array<i32>} : memref<512xi32, #tpu.memory_space<vmem>>, vector<16xi32>,
      %swap3A_811 = vector.shape_cast %swap3A_810 : vector<16xi32> to vector<16xi32>
      %swap3A_812 = vector.shape_cast %add3A_808 : vector<16xi32> to vector<16xi32>
      tpu.vector_store %arg46[%swap3A_809], %swap3A_812 {strides = array<i32>} : memref<512xi32, #tpu.memory_space<vmem>>, vector<16xi32>,
    }
    %scan3A_6 = arith.constant 32 : i32
    %dma_start3A = arith.constant 0 : i32
    %dma_start3A_7 = arith.constant 0 : i32
    %dma_start3A_8 = tpu.memref_slice %arg47[%dma_start3A, %dma_start3A_7] : memref<512x16xf32, #tpu.memory_space<vmem>> -> memref<128x16xf32, #tpu.memory_space<vmem>>
    %dma_start3A_9 = arith.constant 0 : i32
    %dma_start3A_10 = tpu.memref_slice %arg35[%dma_start3A_9] : memref<512xi32, #tpu.memory_space<vmem>> -> memref<128xi32, #tpu.memory_space<vmem>>
    %dma_start3A_11 = arith.constant 0 : i32
    %dma_start3A_12 = arith.constant 0 : i32
    %dma_start3A_13 = tpu.memref_slice %arg11[%dma_start3A_11, %dma_start3A_12] : memref<1000000x16xf32, #tpu.memory_space<hbm>> -> memref<1000000x16xf32, #tpu.memory_space<hbm>>
    tpu.enqueue_indirect_dma source(%dma_start3A_13 : memref<1000000x16xf32, #tpu.memory_space<hbm>>) target(%dma_start3A_8 : memref<128x16xf32, #tpu.memory_space<vmem>>) offsets(%dma_start3A_10 : memref<128xi32, #tpu.memory_space<vmem>>) semaphore(%arg59 : memref<!tpu.dma_semaphore, #tpu.memory_space<semaphore_mem>>)
    %dma_start3A_14 = arith.constant 128 : i32
    %dma_start3A_15 = arith.constant 0 : i32
    %dma_start3A_16 = tpu.memref_slice %arg47[%dma_start3A_14, %dma_start3A_15] : memref<512x16xf32, #tpu.memory_space<vmem>> -> memref<128x16xf32, #tpu.memory_space<vmem>>
    %dma_start3A_17 = arith.constant 128 : i32
    %dma_start3A_18 = tpu.memref_slice %arg35[%dma_start3A_17] : memref<512xi32, #tpu.memory_space<vmem>> -> memref<128xi32, #tpu.memory_space<vmem>>
    %dma_start3A_19 = arith.constant 0 : i32
    %dma_start3A_20 = arith.constant 0 : i32
    %dma_start3A_21 = tpu.memref_slice %arg11[%dma_start3A_19, %dma_start3A_20] : memref<1000000x16xf32, #tpu.memory_space<hbm>> -> memref<1000000x16xf32, #tpu.memory_space<hbm>>
    tpu.enqueue_indirect_dma source(%dma_start3A_21 : memref<1000000x16xf32, #tpu.memory_space<hbm>>) target(%dma_start3A_16 : memref<128x16xf32, #tpu.memory_space<vmem>>) offsets(%dma_start3A_18 : memref<128xi32, #tpu.memory_space<vmem>>) semaphore(%arg59 : memref<!tpu.dma_semaphore, #tpu.memory_space<semaphore_mem>>)
    %dma_start3A_22 = arith.constant 256 : i32
    %dma_start3A_23 = arith.constant 0 : i32
    %dma_start3A_24 = tpu.memref_slice %arg47[%dma_start3A_22, %dma_start3A_23] : memref<512x16xf32, #tpu.memory_space<vmem>> -> memref<128x16xf32, #tpu.memory_space<vmem>>
    %dma_start3A_25 = arith.constant 256 : i32
    %dma_start3A_26 = tpu.memref_slice %arg35[%dma_start3A_25] : memref<512xi32, #tpu.memory_space<vmem>> -> memref<128xi32, #tpu.memory_space<vmem>>
    %dma_start3A_27 = arith.constant 0 : i32
    %dma_start3A_28 = arith.constant 0 : i32
    %dma_start3A_29 = tpu.memref_slice %arg11[%dma_start3A_27, %dma_start3A_28] : memref<1000000x16xf32, #tpu.memory_space<hbm>> -> memref<1000000x16xf32, #tpu.memory_space<hbm>>
    tpu.enqueue_indirect_dma source(%dma_start3A_29 : memref<1000000x16xf32, #tpu.memory_space<hbm>>) target(%dma_start3A_24 : memref<128x16xf32, #tpu.memory_space<vmem>>) offsets(%dma_start3A_26 : memref<128xi32, #tpu.memory_space<vmem>>) semaphore(%arg59 : memref<!tpu.dma_semaphore, #tpu.memory_space<semaphore_mem>>)
    %dma_start3A_30 = arith.constant 384 : i32
    %dma_start3A_31 = arith.constant 0 : i32
    %dma_start3A_32 = tpu.memref_slice %arg47[%dma_start3A_30, %dma_start3A_31] : memref<512x16xf32, #tpu.memory_space<vmem>> -> memref<128x16xf32, #tpu.memory_space<vmem>>
    %dma_start3A_33 = arith.constant 384 : i32
    %dma_start3A_34 = tpu.memref_slice %arg35[%dma_start3A_33] : memref<512xi32, #tpu.memory_space<vmem>> -> memref<128xi32, #tpu.memory_space<vmem>>
    %dma_start3A_35 = arith.constant 0 : i32
    %dma_start3A_36 = arith.constant 0 : i32
    %dma_start3A_37 = tpu.memref_slice %arg11[%dma_start3A_35, %dma_start3A_36] : memref<1000000x16xf32, #tpu.memory_space<hbm>> -> memref<1000000x16xf32, #tpu.memory_space<hbm>>
    tpu.enqueue_indirect_dma source(%dma_start3A_37 : memref<1000000x16xf32, #tpu.memory_space<hbm>>) target(%dma_start3A_32 : memref<128x16xf32, #tpu.memory_space<vmem>>) offsets(%dma_start3A_34 : memref<128xi32, #tpu.memory_space<vmem>>) semaphore(%arg59 : memref<!tpu.dma_semaphore, #tpu.memory_space<semaphore_mem>>)
    %dma_wait3A = arith.constant 0 : i32
    %dma_wait3A_38 = arith.constant 0 : i32
    %dma_wait3A_39 = tpu.memref_slice %arg47[%dma_wait3A, %dma_wait3A_38] : memref<512x16xf32, #tpu.memory_space<vmem>> -> memref<128x16xf32, #tpu.memory_space<vmem>>
    %dma_wait3A_40 = arith.constant 0 : i32
    %dma_wait3A_41 = tpu.memref_slice %arg35[%dma_wait3A_40] : memref<512xi32, #tpu.memory_space<vmem>> -> memref<128xi32, #tpu.memory_space<vmem>>
    %dma_wait3A_42 = arith.constant 0 : i32
    %dma_wait3A_43 = arith.constant 0 : i32
    %dma_wait3A_44 = tpu.memref_slice %arg11[%dma_wait3A_42, %dma_wait3A_43] : memref<1000000x16xf32, #tpu.memory_space<hbm>> -> memref<1000000x16xf32, #tpu.memory_space<hbm>>
    tpu.wait_indirect_dma semaphore(%arg59 : memref<!tpu.dma_semaphore, #tpu.memory_space<semaphore_mem>>) src(%dma_wait3A_44 : memref<1000000x16xf32, #tpu.memory_space<hbm>>) dst(%dma_wait3A_39 : memref<128x16xf32, #tpu.memory_space<vmem>>)
    %dma_wait3A_45 = arith.constant 128 : i32
    %dma_wait3A_46 = arith.constant 0 : i32
    %dma_wait3A_47 = tpu.memref_slice %arg47[%dma_wait3A_45, %dma_wait3A_46] : memref<512x16xf32, #tpu.memory_space<vmem>> -> memref<128x16xf32, #tpu.memory_space<vmem>>
    %dma_wait3A_48 = arith.constant 128 : i32
    %dma_wait3A_49 = tpu.memref_slice %arg35[%dma_wait3A_48] : memref<512xi32, #tpu.memory_space<vmem>> -> memref<128xi32, #tpu.memory_space<vmem>>
    %dma_wait3A_50 = arith.constant 0 : i32
    %dma_wait3A_51 = arith.constant 0 : i32
    %dma_wait3A_52 = tpu.memref_slice %arg11[%dma_wait3A_50, %dma_wait3A_51] : memref<1000000x16xf32, #tpu.memory_space<hbm>> -> memref<1000000x16xf32, #tpu.memory_space<hbm>>
    tpu.wait_indirect_dma semaphore(%arg59 : memref<!tpu.dma_semaphore, #tpu.memory_space<semaphore_mem>>) src(%dma_wait3A_52 : memref<1000000x16xf32, #tpu.memory_space<hbm>>) dst(%dma_wait3A_47 : memref<128x16xf32, #tpu.memory_space<vmem>>)
    %dma_wait3A_53 = arith.constant 256 : i32
    %dma_wait3A_54 = arith.constant 0 : i32
    %dma_wait3A_55 = tpu.memref_slice %arg47[%dma_wait3A_53, %dma_wait3A_54] : memref<512x16xf32, #tpu.memory_space<vmem>> -> memref<128x16xf32, #tpu.memory_space<vmem>>
    %dma_wait3A_56 = arith.constant 256 : i32
    %dma_wait3A_57 = tpu.memref_slice %arg35[%dma_wait3A_56] : memref<512xi32, #tpu.memory_space<vmem>> -> memref<128xi32, #tpu.memory_space<vmem>>
    %dma_wait3A_58 = arith.constant 0 : i32
    %dma_wait3A_59 = arith.constant 0 : i32
    %dma_wait3A_60 = tpu.memref_slice %arg11[%dma_wait3A_58, %dma_wait3A_59] : memref<1000000x16xf32, #tpu.memory_space<hbm>> -> memref<1000000x16xf32, #tpu.memory_space<hbm>>
    tpu.wait_indirect_dma semaphore(%arg59 : memref<!tpu.dma_semaphore, #tpu.memory_space<semaphore_mem>>) src(%dma_wait3A_60 : memref<1000000x16xf32, #tpu.memory_space<hbm>>) dst(%dma_wait3A_55 : memref<128x16xf32, #tpu.memory_space<vmem>>)
    %dma_wait3A_61 = arith.constant 384 : i32
    %dma_wait3A_62 = arith.constant 0 : i32
    %dma_wait3A_63 = tpu.memref_slice %arg47[%dma_wait3A_61, %dma_wait3A_62] : memref<512x16xf32, #tpu.memory_space<vmem>> -> memref<128x16xf32, #tpu.memory_space<vmem>>
    %dma_wait3A_64 = arith.constant 384 : i32
    %dma_wait3A_65 = tpu.memref_slice %arg35[%dma_wait3A_64] : memref<512xi32, #tpu.memory_space<vmem>> -> memref<128xi32, #tpu.memory_space<vmem>>
    %dma_wait3A_66 = arith.constant 0 : i32
    %dma_wait3A_67 = arith.constant 0 : i32
    %dma_wait3A_68 = tpu.memref_slice %arg11[%dma_wait3A_66, %dma_wait3A_67] : memref<1000000x16xf32, #tpu.memory_space<hbm>> -> memref<1000000x16xf32, #tpu.memory_space<hbm>>
    tpu.wait_indirect_dma semaphore(%arg59 : memref<!tpu.dma_semaphore, #tpu.memory_space<semaphore_mem>>) src(%dma_wait3A_68 : memref<1000000x16xf32, #tpu.memory_space<hbm>>) dst(%dma_wait3A_63 : memref<128x16xf32, #tpu.memory_space<vmem>>)
    %dma_start3A_69 = arith.constant 0 : i32
    %dma_start3A_70 = arith.constant 0 : i32
    %dma_start3A_71 = tpu.memref_slice %arg48[%dma_start3A_69, %dma_start3A_70] : memref<512x16xf32, #tpu.memory_space<vmem>> -> memref<128x16xf32, #tpu.memory_space<vmem>>
    %dma_start3A_72 = arith.constant 0 : i32
    %dma_start3A_73 = tpu.memref_slice %arg36[%dma_start3A_72] : memref<512xi32, #tpu.memory_space<vmem>> -> memref<128xi32, #tpu.memory_space<vmem>>
    %dma_start3A_74 = arith.constant 0 : i32
    %dma_start3A_75 = arith.constant 0 : i32
    %dma_start3A_76 = tpu.memref_slice %arg12[%dma_start3A_74, %dma_start3A_75] : memref<100000x16xf32, #tpu.memory_space<hbm>> -> memref<100000x16xf32, #tpu.memory_space<hbm>>
    tpu.enqueue_indirect_dma source(%dma_start3A_76 : memref<100000x16xf32, #tpu.memory_space<hbm>>) target(%dma_start3A_71 : memref<128x16xf32, #tpu.memory_space<vmem>>) offsets(%dma_start3A_73 : memref<128xi32, #tpu.memory_space<vmem>>) semaphore(%arg59 : memref<!tpu.dma_semaphore, #tpu.memory_space<semaphore_mem>>)
    %dma_start3A_77 = arith.constant 128 : i32
    %dma_start3A_78 = arith.constant 0 : i32
    %dma_start3A_79 = tpu.memref_slice %arg48[%dma_start3A_77, %dma_start3A_78] : memref<512x16xf32, #tpu.memory_space<vmem>> -> memref<128x16xf32, #tpu.memory_space<vmem>>
    %dma_start3A_80 = arith.constant 128 : i32
    %dma_start3A_81 = tpu.memref_slice %arg36[%dma_start3A_80] : memref<512xi32, #tpu.memory_space<vmem>> -> memref<128xi32, #tpu.memory_space<vmem>>
    %dma_start3A_82 = arith.constant 0 : i32
    %dma_start3A_83 = arith.constant 0 : i32
    %dma_start3A_84 = tpu.memref_slice %arg12[%dma_start3A_82, %dma_start3A_83] : memref<100000x16xf32, #tpu.memory_space<hbm>> -> memref<100000x16xf32, #tpu.memory_space<hbm>>
    tpu.enqueue_indirect_dma source(%dma_start3A_84 : memref<100000x16xf32, #tpu.memory_space<hbm>>) target(%dma_start3A_79 : memref<128x16xf32, #tpu.memory_space<vmem>>) offsets(%dma_start3A_81 : memref<128xi32, #tpu.memory_space<vmem>>) semaphore(%arg59 : memref<!tpu.dma_semaphore, #tpu.memory_space<semaphore_mem>>)
    %dma_start3A_85 = arith.constant 256 : i32
    %dma_start3A_86 = arith.constant 0 : i32
    %dma_start3A_87 = tpu.memref_slice %arg48[%dma_start3A_85, %dma_start3A_86] : memref<512x16xf32, #tpu.memory_space<vmem>> -> memref<128x16xf32, #tpu.memory_space<vmem>>
    %dma_start3A_88 = arith.constant 256 : i32
    %dma_start3A_89 = tpu.memref_slice %arg36[%dma_start3A_88] : memref<512xi32, #tpu.memory_space<vmem>> -> memref<128xi32, #tpu.memory_space<vmem>>
    %dma_start3A_90 = arith.constant 0 : i32
    %dma_start3A_91 = arith.constant 0 : i32
    %dma_start3A_92 = tpu.memref_slice %arg12[%dma_start3A_90, %dma_start3A_91] : memref<100000x16xf32, #tpu.memory_space<hbm>> -> memref<100000x16xf32, #tpu.memory_space<hbm>>
    tpu.enqueue_indirect_dma source(%dma_start3A_92 : memref<100000x16xf32, #tpu.memory_space<hbm>>) target(%dma_start3A_87 : memref<128x16xf32, #tpu.memory_space<vmem>>) offsets(%dma_start3A_89 : memref<128xi32, #tpu.memory_space<vmem>>) semaphore(%arg59 : memref<!tpu.dma_semaphore, #tpu.memory_space<semaphore_mem>>)
    %dma_start3A_93 = arith.constant 384 : i32
    %dma_start3A_94 = arith.constant 0 : i32
    %dma_start3A_95 = tpu.memref_slice %arg48[%dma_start3A_93, %dma_start3A_94] : memref<512x16xf32, #tpu.memory_space<vmem>> -> memref<128x16xf32, #tpu.memory_space<vmem>>
    %dma_start3A_96 = arith.constant 384 : i32
    %dma_start3A_97 = tpu.memref_slice %arg36[%dma_start3A_96] : memref<512xi32, #tpu.memory_space<vmem>> -> memref<128xi32, #tpu.memory_space<vmem>>
    %dma_start3A_98 = arith.constant 0 : i32
    %dma_start3A_99 = arith.constant 0 : i32
    %dma_start3A_100 = tpu.memref_slice %arg12[%dma_start3A_98, %dma_start3A_99] : memref<100000x16xf32, #tpu.memory_space<hbm>> -> memref<100000x16xf32, #tpu.memory_space<hbm>>
    tpu.enqueue_indirect_dma source(%dma_start3A_100 : memref<100000x16xf32, #tpu.memory_space<hbm>>) target(%dma_start3A_95 : memref<128x16xf32, #tpu.memory_space<vmem>>) offsets(%dma_start3A_97 : memref<128xi32, #tpu.memory_space<vmem>>) semaphore(%arg59 : memref<!tpu.dma_semaphore, #tpu.memory_space<semaphore_mem>>)
    %dma_wait3A_101 = arith.constant 0 : i32
    %dma_wait3A_102 = arith.constant 0 : i32
    %dma_wait3A_103 = tpu.memref_slice %arg48[%dma_wait3A_101, %dma_wait3A_102] : memref<512x16xf32, #tpu.memory_space<vmem>> -> memref<128x16xf32, #tpu.memory_space<vmem>>
    %dma_wait3A_104 = arith.constant 0 : i32
    %dma_wait3A_105 = tpu.memref_slice %arg36[%dma_wait3A_104] : memref<512xi32, #tpu.memory_space<vmem>> -> memref<128xi32, #tpu.memory_space<vmem>>
    %dma_wait3A_106 = arith.constant 0 : i32
    %dma_wait3A_107 = arith.constant 0 : i32
    %dma_wait3A_108 = tpu.memref_slice %arg12[%dma_wait3A_106, %dma_wait3A_107] : memref<100000x16xf32, #tpu.memory_space<hbm>> -> memref<100000x16xf32, #tpu.memory_space<hbm>>
    tpu.wait_indirect_dma semaphore(%arg59 : memref<!tpu.dma_semaphore, #tpu.memory_space<semaphore_mem>>) src(%dma_wait3A_108 : memref<100000x16xf32, #tpu.memory_space<hbm>>) dst(%dma_wait3A_103 : memref<128x16xf32, #tpu.memory_space<vmem>>)
    %dma_wait3A_109 = arith.constant 128 : i32
    %dma_wait3A_110 = arith.constant 0 : i32
    %dma_wait3A_111 = tpu.memref_slice %arg48[%dma_wait3A_109, %dma_wait3A_110] : memref<512x16xf32, #tpu.memory_space<vmem>> -> memref<128x16xf32, #tpu.memory_space<vmem>>
    %dma_wait3A_112 = arith.constant 128 : i32
    %dma_wait3A_113 = tpu.memref_slice %arg36[%dma_wait3A_112] : memref<512xi32, #tpu.memory_space<vmem>> -> memref<128xi32, #tpu.memory_space<vmem>>
    %dma_wait3A_114 = arith.constant 0 : i32
    %dma_wait3A_115 = arith.constant 0 : i32
    %dma_wait3A_116 = tpu.memref_slice %arg12[%dma_wait3A_114, %dma_wait3A_115] : memref<100000x16xf32, #tpu.memory_space<hbm>> -> memref<100000x16xf32, #tpu.memory_space<hbm>>
    tpu.wait_indirect_dma semaphore(%arg59 : memref<!tpu.dma_semaphore, #tpu.memory_space<semaphore_mem>>) src(%dma_wait3A_116 : memref<100000x16xf32, #tpu.memory_space<hbm>>) dst(%dma_wait3A_111 : memref<128x16xf32, #tpu.memory_space<vmem>>)
    %dma_wait3A_117 = arith.constant 256 : i32
    %dma_wait3A_118 = arith.constant 0 : i32
    %dma_wait3A_119 = tpu.memref_slice %arg48[%dma_wait3A_117, %dma_wait3A_118] : memref<512x16xf32, #tpu.memory_space<vmem>> -> memref<128x16xf32, #tpu.memory_space<vmem>>
    %dma_wait3A_120 = arith.constant 256 : i32
    %dma_wait3A_121 = tpu.memref_slice %arg36[%dma_wait3A_120] : memref<512xi32, #tpu.memory_space<vmem>> -> memref<128xi32, #tpu.memory_space<vmem>>
    %dma_wait3A_122 = arith.constant 0 : i32
    %dma_wait3A_123 = arith.constant 0 : i32
    %dma_wait3A_124 = tpu.memref_slice %arg12[%dma_wait3A_122, %dma_wait3A_123] : memref<100000x16xf32, #tpu.memory_space<hbm>> -> memref<100000x16xf32, #tpu.memory_space<hbm>>
    tpu.wait_indirect_dma semaphore(%arg59 : memref<!tpu.dma_semaphore, #tpu.memory_space<semaphore_mem>>) src(%dma_wait3A_124 : memref<100000x16xf32, #tpu.memory_space<hbm>>) dst(%dma_wait3A_119 : memref<128x16xf32, #tpu.memory_space<vmem>>)
    %dma_wait3A_125 = arith.constant 384 : i32
    %dma_wait3A_126 = arith.constant 0 : i32
    %dma_wait3A_127 = tpu.memref_slice %arg48[%dma_wait3A_125, %dma_wait3A_126] : memref<512x16xf32, #tpu.memory_space<vmem>> -> memref<128x16xf32, #tpu.memory_space<vmem>>
    %dma_wait3A_128 = arith.constant 384 : i32
    %dma_wait3A_129 = tpu.memref_slice %arg36[%dma_wait3A_128] : memref<512xi32, #tpu.memory_space<vmem>> -> memref<128xi32, #tpu.memory_space<vmem>>
    %dma_wait3A_130 = arith.constant 0 : i32
    %dma_wait3A_131 = arith.constant 0 : i32
    %dma_wait3A_132 = tpu.memref_slice %arg12[%dma_wait3A_130, %dma_wait3A_131] : memref<100000x16xf32, #tpu.memory_space<hbm>> -> memref<100000x16xf32, #tpu.memory_space<hbm>>
    tpu.wait_indirect_dma semaphore(%arg59 : memref<!tpu.dma_semaphore, #tpu.memory_space<semaphore_mem>>) src(%dma_wait3A_132 : memref<100000x16xf32, #tpu.memory_space<hbm>>) dst(%dma_wait3A_127 : memref<128x16xf32, #tpu.memory_space<vmem>>)
    %dma_start3A_133 = arith.constant 0 : i32
    %dma_start3A_134 = arith.constant 0 : i32
    %dma_start3A_135 = tpu.memref_slice %arg49[%dma_start3A_133, %dma_start3A_134] : memref<512x8xf32, #tpu.memory_space<vmem>> -> memref<128x8xf32, #tpu.memory_space<vmem>>
    %dma_start3A_136 = arith.constant 0 : i32
    %dma_start3A_137 = tpu.memref_slice %arg37[%dma_start3A_136] : memref<512xi32, #tpu.memory_space<vmem>> -> memref<128xi32, #tpu.memory_space<vmem>>
    %dma_start3A_138 = arith.constant 0 : i32
    %dma_start3A_139 = arith.constant 0 : i32
    %dma_start3A_140 = tpu.memref_slice %arg13[%dma_start3A_138, %dma_start3A_139] : memref<10x8xf32, #tpu.memory_space<hbm>> -> memref<10x8xf32, #tpu.memory_space<hbm>>
    tpu.enqueue_indirect_dma source(%dma_start3A_140 : memref<10x8xf32, #tpu.memory_space<hbm>>) target(%dma_start3A_135 : memref<128x8xf32, #tpu.memory_space<vmem>>) offsets(%dma_start3A_137 : memref<128xi32, #tpu.memory_space<vmem>>) semaphore(%arg59 : memref<!tpu.dma_semaphore, #tpu.memory_space<semaphore_mem>>)
    %dma_start3A_141 = arith.constant 128 : i32
    %dma_start3A_142 = arith.constant 0 : i32
    %dma_start3A_143 = tpu.memref_slice %arg49[%dma_start3A_141, %dma_start3A_142] : memref<512x8xf32, #tpu.memory_space<vmem>> -> memref<128x8xf32, #tpu.memory_space<vmem>>
    %dma_start3A_144 = arith.constant 128 : i32
    %dma_start3A_145 = tpu.memref_slice %arg37[%dma_start3A_144] : memref<512xi32, #tpu.memory_space<vmem>> -> memref<128xi32, #tpu.memory_space<vmem>>
    %dma_start3A_146 = arith.constant 0 : i32
    %dma_start3A_147 = arith.constant 0 : i32
    %dma_start3A_148 = tpu.memref_slice %arg13[%dma_start3A_146, %dma_start3A_147] : memref<10x8xf32, #tpu.memory_space<hbm>> -> memref<10x8xf32, #tpu.memory_space<hbm>>
    tpu.enqueue_indirect_dma source(%dma_start3A_148 : memref<10x8xf32, #tpu.memory_space<hbm>>) target(%dma_start3A_143 : memref<128x8xf32, #tpu.memory_space<vmem>>) offsets(%dma_start3A_145 : memref<128xi32, #tpu.memory_space<vmem>>) semaphore(%arg59 : memref<!tpu.dma_semaphore, #tpu.memory_space<semaphore_mem>>)
    %dma_start3A_149 = arith.constant 256 : i32
    %dma_start3A_150 = arith.constant 0 : i32
    %dma_start3A_151 = tpu.memref_slice %arg49[%dma_start3A_149, %dma_start3A_150] : memref<512x8xf32, #tpu.memory_space<vmem>> -> memref<128x8xf32, #tpu.memory_space<vmem>>
    %dma_start3A_152 = arith.constant 256 : i32
    %dma_start3A_153 = tpu.memref_slice %arg37[%dma_start3A_152] : memref<512xi32, #tpu.memory_space<vmem>> -> memref<128xi32, #tpu.memory_space<vmem>>
    %dma_start3A_154 = arith.constant 0 : i32
    %dma_start3A_155 = arith.constant 0 : i32
    %dma_start3A_156 = tpu.memref_slice %arg13[%dma_start3A_154, %dma_start3A_155] : memref<10x8xf32, #tpu.memory_space<hbm>> -> memref<10x8xf32, #tpu.memory_space<hbm>>
    tpu.enqueue_indirect_dma source(%dma_start3A_156 : memref<10x8xf32, #tpu.memory_space<hbm>>) target(%dma_start3A_151 : memref<128x8xf32, #tpu.memory_space<vmem>>) offsets(%dma_start3A_153 : memref<128xi32, #tpu.memory_space<vmem>>) semaphore(%arg59 : memref<!tpu.dma_semaphore, #tpu.memory_space<semaphore_mem>>)
    %dma_start3A_157 = arith.constant 384 : i32
    %dma_start3A_158 = arith.constant 0 : i32
    %dma_start3A_159 = tpu.memref_slice %arg49[%dma_start3A_157, %dma_start3A_158] : memref<512x8xf32, #tpu.memory_space<vmem>> -> memref<128x8xf32, #tpu.memory_space<vmem>>
    %dma_start3A_160 = arith.constant 384 : i32
    %dma_start3A_161 = tpu.memref_slice %arg37[%dma_start3A_160] : memref<512xi32, #tpu.memory_space<vmem>> -> memref<128xi32, #tpu.memory_space<vmem>>
    %dma_start3A_162 = arith.constant 0 : i32
    %dma_start3A_163 = arith.constant 0 : i32
    %dma_start3A_164 = tpu.memref_slice %arg13[%dma_start3A_162, %dma_start3A_163] : memref<10x8xf32, #tpu.memory_space<hbm>> -> memref<10x8xf32, #tpu.memory_space<hbm>>
    tpu.enqueue_indirect_dma source(%dma_start3A_164 : memref<10x8xf32, #tpu.memory_space<hbm>>) target(%dma_start3A_159 : memref<128x8xf32, #tpu.memory_space<vmem>>) offsets(%dma_start3A_161 : memref<128xi32, #tpu.memory_space<vmem>>) semaphore(%arg59 : memref<!tpu.dma_semaphore, #tpu.memory_space<semaphore_mem>>)
    %dma_wait3A_165 = arith.constant 0 : i32
    %dma_wait3A_166 = arith.constant 0 : i32
    %dma_wait3A_167 = tpu.memref_slice %arg49[%dma_wait3A_165, %dma_wait3A_166] : memref<512x8xf32, #tpu.memory_space<vmem>> -> memref<128x8xf32, #tpu.memory_space<vmem>>
    %dma_wait3A_168 = arith.constant 0 : i32
    %dma_wait3A_169 = tpu.memref_slice %arg37[%dma_wait3A_168] : memref<512xi32, #tpu.memory_space<vmem>> -> memref<128xi32, #tpu.memory_space<vmem>>
    %dma_wait3A_170 = arith.constant 0 : i32
    %dma_wait3A_171 = arith.constant 0 : i32
    %dma_wait3A_172 = tpu.memref_slice %arg13[%dma_wait3A_170, %dma_wait3A_171] : memref<10x8xf32, #tpu.memory_space<hbm>> -> memref<10x8xf32, #tpu.memory_space<hbm>>
    tpu.wait_indirect_dma semaphore(%arg59 : memref<!tpu.dma_semaphore, #tpu.memory_space<semaphore_mem>>) src(%dma_wait3A_172 : memref<10x8xf32, #tpu.memory_space<hbm>>) dst(%dma_wait3A_167 : memref<128x8xf32, #tpu.memory_space<vmem>>)
    %dma_wait3A_173 = arith.constant 128 : i32
    %dma_wait3A_174 = arith.constant 0 : i32
    %dma_wait3A_175 = tpu.memref_slice %arg49[%dma_wait3A_173, %dma_wait3A_174] : memref<512x8xf32, #tpu.memory_space<vmem>> -> memref<128x8xf32, #tpu.memory_space<vmem>>
    %dma_wait3A_176 = arith.constant 128 : i32
    %dma_wait3A_177 = tpu.memref_slice %arg37[%dma_wait3A_176] : memref<512xi32, #tpu.memory_space<vmem>> -> memref<128xi32, #tpu.memory_space<vmem>>
    %dma_wait3A_178 = arith.constant 0 : i32
    %dma_wait3A_179 = arith.constant 0 : i32
    %dma_wait3A_180 = tpu.memref_slice %arg13[%dma_wait3A_178, %dma_wait3A_179] : memref<10x8xf32, #tpu.memory_space<hbm>> -> memref<10x8xf32, #tpu.memory_space<hbm>>
    tpu.wait_indirect_dma semaphore(%arg59 : memref<!tpu.dma_semaphore, #tpu.memory_space<semaphore_mem>>) src(%dma_wait3A_180 : memref<10x8xf32, #tpu.memory_space<hbm>>) dst(%dma_wait3A_175 : memref<128x8xf32, #tpu.memory_space<vmem>>)
    %dma_wait3A_181 = arith.constant 256 : i32
    %dma_wait3A_182 = arith.constant 0 : i32
    %dma_wait3A_183 = tpu.memref_slice %arg49[%dma_wait3A_181, %dma_wait3A_182] : memref<512x8xf32, #tpu.memory_space<vmem>> -> memref<128x8xf32, #tpu.memory_space<vmem>>
    %dma_wait3A_184 = arith.constant 256 : i32
    %dma_wait3A_185 = tpu.memref_slice %arg37[%dma_wait3A_184] : memref<512xi32, #tpu.memory_space<vmem>> -> memref<128xi32, #tpu.memory_space<vmem>>
    %dma_wait3A_186 = arith.constant 0 : i32
    %dma_wait3A_187 = arith.constant 0 : i32
    %dma_wait3A_188 = tpu.memref_slice %arg13[%dma_wait3A_186, %dma_wait3A_187] : memref<10x8xf32, #tpu.memory_space<hbm>> -> memref<10x8xf32, #tpu.memory_space<hbm>>
    tpu.wait_indirect_dma semaphore(%arg59 : memref<!tpu.dma_semaphore, #tpu.memory_space<semaphore_mem>>) src(%dma_wait3A_188 : memref<10x8xf32, #tpu.memory_space<hbm>>) dst(%dma_wait3A_183 : memref<128x8xf32, #tpu.memory_space<vmem>>)
    %dma_wait3A_189 = arith.constant 384 : i32
    %dma_wait3A_190 = arith.constant 0 : i32
    %dma_wait3A_191 = tpu.memref_slice %arg49[%dma_wait3A_189, %dma_wait3A_190] : memref<512x8xf32, #tpu.memory_space<vmem>> -> memref<128x8xf32, #tpu.memory_space<vmem>>
    %dma_wait3A_192 = arith.constant 384 : i32
    %dma_wait3A_193 = tpu.memref_slice %arg37[%dma_wait3A_192] : memref<512xi32, #tpu.memory_space<vmem>> -> memref<128xi32, #tpu.memory_space<vmem>>
    %dma_wait3A_194 = arith.constant 0 : i32
    %dma_wait3A_195 = arith.constant 0 : i32
    %dma_wait3A_196 = tpu.memref_slice %arg13[%dma_wait3A_194, %dma_wait3A_195] : memref<10x8xf32, #tpu.memory_space<hbm>> -> memref<10x8xf32, #tpu.memory_space<hbm>>
    tpu.wait_indirect_dma semaphore(%arg59 : memref<!tpu.dma_semaphore, #tpu.memory_space<semaphore_mem>>) src(%dma_wait3A_196 : memref<10x8xf32, #tpu.memory_space<hbm>>) dst(%dma_wait3A_191 : memref<128x8xf32, #tpu.memory_space<vmem>>)
    %dma_start3A_197 = arith.constant 0 : i32
    %dma_start3A_198 = arith.constant 0 : i32
    %dma_start3A_199 = tpu.memref_slice %arg50[%dma_start3A_197, %dma_start3A_198] : memref<512x8xf32, #tpu.memory_space<vmem>> -> memref<128x8xf32, #tpu.memory_space<vmem>>
    %dma_start3A_200 = arith.constant 0 : i32
    %dma_start3A_201 = tpu.memref_slice %arg38[%dma_start3A_200] : memref<512xi32, #tpu.memory_space<vmem>> -> memref<128xi32, #tpu.memory_space<vmem>>
    %dma_start3A_202 = arith.constant 0 : i32
    %dma_start3A_203 = arith.constant 0 : i32
    %dma_start3A_204 = tpu.memref_slice %arg14[%dma_start3A_202, %dma_start3A_203] : memref<3x8xf32, #tpu.memory_space<hbm>> -> memref<3x8xf32, #tpu.memory_space<hbm>>
    tpu.enqueue_indirect_dma source(%dma_start3A_204 : memref<3x8xf32, #tpu.memory_space<hbm>>) target(%dma_start3A_199 : memref<128x8xf32, #tpu.memory_space<vmem>>) offsets(%dma_start3A_201 : memref<128xi32, #tpu.memory_space<vmem>>) semaphore(%arg59 : memref<!tpu.dma_semaphore, #tpu.memory_space<semaphore_mem>>)
    %dma_start3A_205 = arith.constant 128 : i32
    %dma_start3A_206 = arith.constant 0 : i32
    %dma_start3A_207 = tpu.memref_slice %arg50[%dma_start3A_205, %dma_start3A_206] : memref<512x8xf32, #tpu.memory_space<vmem>> -> memref<128x8xf32, #tpu.memory_space<vmem>>
    %dma_start3A_208 = arith.constant 128 : i32
    %dma_start3A_209 = tpu.memref_slice %arg38[%dma_start3A_208] : memref<512xi32, #tpu.memory_space<vmem>> -> memref<128xi32, #tpu.memory_space<vmem>>
    %dma_start3A_210 = arith.constant 0 : i32
    %dma_start3A_211 = arith.constant 0 : i32
    %dma_start3A_212 = tpu.memref_slice %arg14[%dma_start3A_210, %dma_start3A_211] : memref<3x8xf32, #tpu.memory_space<hbm>> -> memref<3x8xf32, #tpu.memory_space<hbm>>
    tpu.enqueue_indirect_dma source(%dma_start3A_212 : memref<3x8xf32, #tpu.memory_space<hbm>>) target(%dma_start3A_207 : memref<128x8xf32, #tpu.memory_space<vmem>>) offsets(%dma_start3A_209 : memref<128xi32, #tpu.memory_space<vmem>>) semaphore(%arg59 : memref<!tpu.dma_semaphore, #tpu.memory_space<semaphore_mem>>)
    %dma_start3A_213 = arith.constant 256 : i32
    %dma_start3A_214 = arith.constant 0 : i32
    %dma_start3A_215 = tpu.memref_slice %arg50[%dma_start3A_213, %dma_start3A_214] : memref<512x8xf32, #tpu.memory_space<vmem>> -> memref<128x8xf32, #tpu.memory_space<vmem>>
    %dma_start3A_216 = arith.constant 256 : i32
    %dma_start3A_217 = tpu.memref_slice %arg38[%dma_start3A_216] : memref<512xi32, #tpu.memory_space<vmem>> -> memref<128xi32, #tpu.memory_space<vmem>>
    %dma_start3A_218 = arith.constant 0 : i32
    %dma_start3A_219 = arith.constant 0 : i32
    %dma_start3A_220 = tpu.memref_slice %arg14[%dma_start3A_218, %dma_start3A_219] : memref<3x8xf32, #tpu.memory_space<hbm>> -> memref<3x8xf32, #tpu.memory_space<hbm>>
    tpu.enqueue_indirect_dma source(%dma_start3A_220 : memref<3x8xf32, #tpu.memory_space<hbm>>) target(%dma_start3A_215 : memref<128x8xf32, #tpu.memory_space<vmem>>) offsets(%dma_start3A_217 : memref<128xi32, #tpu.memory_space<vmem>>) semaphore(%arg59 : memref<!tpu.dma_semaphore, #tpu.memory_space<semaphore_mem>>)
    %dma_start3A_221 = arith.constant 384 : i32
    %dma_start3A_222 = arith.constant 0 : i32
    %dma_start3A_223 = tpu.memref_slice %arg50[%dma_start3A_221, %dma_start3A_222] : memref<512x8xf32, #tpu.memory_space<vmem>> -> memref<128x8xf32, #tpu.memory_space<vmem>>
    %dma_start3A_224 = arith.constant 384 : i32
    %dma_start3A_225 = tpu.memref_slice %arg38[%dma_start3A_224] : memref<512xi32, #tpu.memory_space<vmem>> -> memref<128xi32, #tpu.memory_space<vmem>>
    %dma_start3A_226 = arith.constant 0 : i32
    %dma_start3A_227 = arith.constant 0 : i32
    %dma_start3A_228 = tpu.memref_slice %arg14[%dma_start3A_226, %dma_start3A_227] : memref<3x8xf32, #tpu.memory_space<hbm>> -> memref<3x8xf32, #tpu.memory_space<hbm>>
    tpu.enqueue_indirect_dma source(%dma_start3A_228 : memref<3x8xf32, #tpu.memory_space<hbm>>) target(%dma_start3A_223 : memref<128x8xf32, #tpu.memory_space<vmem>>) offsets(%dma_start3A_225 : memref<128xi32, #tpu.memory_space<vmem>>) semaphore(%arg59 : memref<!tpu.dma_semaphore, #tpu.memory_space<semaphore_mem>>)
    %dma_wait3A_229 = arith.constant 0 : i32
    %dma_wait3A_230 = arith.constant 0 : i32
    %dma_wait3A_231 = tpu.memref_slice %arg50[%dma_wait3A_229, %dma_wait3A_230] : memref<512x8xf32, #tpu.memory_space<vmem>> -> memref<128x8xf32, #tpu.memory_space<vmem>>
    %dma_wait3A_232 = arith.constant 0 : i32
    %dma_wait3A_233 = tpu.memref_slice %arg38[%dma_wait3A_232] : memref<512xi32, #tpu.memory_space<vmem>> -> memref<128xi32, #tpu.memory_space<vmem>>
    %dma_wait3A_234 = arith.constant 0 : i32
    %dma_wait3A_235 = arith.constant 0 : i32
    %dma_wait3A_236 = tpu.memref_slice %arg14[%dma_wait3A_234, %dma_wait3A_235] : memref<3x8xf32, #tpu.memory_space<hbm>> -> memref<3x8xf32, #tpu.memory_space<hbm>>
    tpu.wait_indirect_dma semaphore(%arg59 : memref<!tpu.dma_semaphore, #tpu.memory_space<semaphore_mem>>) src(%dma_wait3A_236 : memref<3x8xf32, #tpu.memory_space<hbm>>) dst(%dma_wait3A_231 : memref<128x8xf32, #tpu.memory_space<vmem>>)
    %dma_wait3A_237 = arith.constant 128 : i32
    %dma_wait3A_238 = arith.constant 0 : i32
    %dma_wait3A_239 = tpu.memref_slice %arg50[%dma_wait3A_237, %dma_wait3A_238] : memref<512x8xf32, #tpu.memory_space<vmem>> -> memref<128x8xf32, #tpu.memory_space<vmem>>
    %dma_wait3A_240 = arith.constant 128 : i32
    %dma_wait3A_241 = tpu.memref_slice %arg38[%dma_wait3A_240] : memref<512xi32, #tpu.memory_space<vmem>> -> memref<128xi32, #tpu.memory_space<vmem>>
    %dma_wait3A_242 = arith.constant 0 : i32
    %dma_wait3A_243 = arith.constant 0 : i32
    %dma_wait3A_244 = tpu.memref_slice %arg14[%dma_wait3A_242, %dma_wait3A_243] : memref<3x8xf32, #tpu.memory_space<hbm>> -> memref<3x8xf32, #tpu.memory_space<hbm>>
    tpu.wait_indirect_dma semaphore(%arg59 : memref<!tpu.dma_semaphore, #tpu.memory_space<semaphore_mem>>) src(%dma_wait3A_244 : memref<3x8xf32, #tpu.memory_space<hbm>>) dst(%dma_wait3A_239 : memref<128x8xf32, #tpu.memory_space<vmem>>)
    %dma_wait3A_245 = arith.constant 256 : i32
    %dma_wait3A_246 = arith.constant 0 : i32
    %dma_wait3A_247 = tpu.memref_slice %arg50[%dma_wait3A_245, %dma_wait3A_246] : memref<512x8xf32, #tpu.memory_space<vmem>> -> memref<128x8xf32, #tpu.memory_space<vmem>>
    %dma_wait3A_248 = arith.constant 256 : i32
    %dma_wait3A_249 = tpu.memref_slice %arg38[%dma_wait3A_248] : memref<512xi32, #tpu.memory_space<vmem>> -> memref<128xi32, #tpu.memory_space<vmem>>
    %dma_wait3A_250 = arith.constant 0 : i32
    %dma_wait3A_251 = arith.constant 0 : i32
    %dma_wait3A_252 = tpu.memref_slice %arg14[%dma_wait3A_250, %dma_wait3A_251] : memref<3x8xf32, #tpu.memory_space<hbm>> -> memref<3x8xf32, #tpu.memory_space<hbm>>
    tpu.wait_indirect_dma semaphore(%arg59 : memref<!tpu.dma_semaphore, #tpu.memory_space<semaphore_mem>>) src(%dma_wait3A_252 : memref<3x8xf32, #tpu.memory_space<hbm>>) dst(%dma_wait3A_247 : memref<128x8xf32, #tpu.memory_space<vmem>>)
    %dma_wait3A_253 = arith.constant 384 : i32
    %dma_wait3A_254 = arith.constant 0 : i32
    %dma_wait3A_255 = tpu.memref_slice %arg50[%dma_wait3A_253, %dma_wait3A_254] : memref<512x8xf32, #tpu.memory_space<vmem>> -> memref<128x8xf32, #tpu.memory_space<vmem>>
    %dma_wait3A_256 = arith.constant 384 : i32
    %dma_wait3A_257 = tpu.memref_slice %arg38[%dma_wait3A_256] : memref<512xi32, #tpu.memory_space<vmem>> -> memref<128xi32, #tpu.memory_space<vmem>>
    %dma_wait3A_258 = arith.constant 0 : i32
    %dma_wait3A_259 = arith.constant 0 : i32
    %dma_wait3A_260 = tpu.memref_slice %arg14[%dma_wait3A_258, %dma_wait3A_259] : memref<3x8xf32, #tpu.memory_space<hbm>> -> memref<3x8xf32, #tpu.memory_space<hbm>>
    tpu.wait_indirect_dma semaphore(%arg59 : memref<!tpu.dma_semaphore, #tpu.memory_space<semaphore_mem>>) src(%dma_wait3A_260 : memref<3x8xf32, #tpu.memory_space<hbm>>) dst(%dma_wait3A_255 : memref<128x8xf32, #tpu.memory_space<vmem>>)
    %dma_start3A_261 = arith.constant 0 : i32
    %dma_start3A_262 = arith.constant 0 : i32
    %dma_start3A_263 = tpu.memref_slice %arg51[%dma_start3A_261, %dma_start3A_262] : memref<512x8xf32, #tpu.memory_space<vmem>> -> memref<128x8xf32, #tpu.memory_space<vmem>>
    %dma_start3A_264 = arith.constant 0 : i32
    %dma_start3A_265 = tpu.memref_slice %arg39[%dma_start3A_264] : memref<512xi32, #tpu.memory_space<vmem>> -> memref<128xi32, #tpu.memory_space<vmem>>
    %dma_start3A_266 = arith.constant 0 : i32
    %dma_start3A_267 = arith.constant 0 : i32
    %dma_start3A_268 = tpu.memref_slice %arg15[%dma_start3A_266, %dma_start3A_267] : memref<1000x8xf32, #tpu.memory_space<hbm>> -> memref<1000x8xf32, #tpu.memory_space<hbm>>
    tpu.enqueue_indirect_dma source(%dma_start3A_268 : memref<1000x8xf32, #tpu.memory_space<hbm>>) target(%dma_start3A_263 : memref<128x8xf32, #tpu.memory_space<vmem>>) offsets(%dma_start3A_265 : memref<128xi32, #tpu.memory_space<vmem>>) semaphore(%arg59 : memref<!tpu.dma_semaphore, #tpu.memory_space<semaphore_mem>>)
    %dma_start3A_269 = arith.constant 128 : i32
    %dma_start3A_270 = arith.constant 0 : i32
    %dma_start3A_271 = tpu.memref_slice %arg51[%dma_start3A_269, %dma_start3A_270] : memref<512x8xf32, #tpu.memory_space<vmem>> -> memref<128x8xf32, #tpu.memory_space<vmem>>
    %dma_start3A_272 = arith.constant 128 : i32
    %dma_start3A_273 = tpu.memref_slice %arg39[%dma_start3A_272] : memref<512xi32, #tpu.memory_space<vmem>> -> memref<128xi32, #tpu.memory_space<vmem>>
    %dma_start3A_274 = arith.constant 0 : i32
    %dma_start3A_275 = arith.constant 0 : i32
    %dma_start3A_276 = tpu.memref_slice %arg15[%dma_start3A_274, %dma_start3A_275] : memref<1000x8xf32, #tpu.memory_space<hbm>> -> memref<1000x8xf32, #tpu.memory_space<hbm>>
    tpu.enqueue_indirect_dma source(%dma_start3A_276 : memref<1000x8xf32, #tpu.memory_space<hbm>>) target(%dma_start3A_271 : memref<128x8xf32, #tpu.memory_space<vmem>>) offsets(%dma_start3A_273 : memref<128xi32, #tpu.memory_space<vmem>>) semaphore(%arg59 : memref<!tpu.dma_semaphore, #tpu.memory_space<semaphore_mem>>)
    %dma_start3A_277 = arith.constant 256 : i32
    %dma_start3A_278 = arith.constant 0 : i32
    %dma_start3A_279 = tpu.memref_slice %arg51[%dma_start3A_277, %dma_start3A_278] : memref<512x8xf32, #tpu.memory_space<vmem>> -> memref<128x8xf32, #tpu.memory_space<vmem>>
    %dma_start3A_280 = arith.constant 256 : i32
    %dma_start3A_281 = tpu.memref_slice %arg39[%dma_start3A_280] : memref<512xi32, #tpu.memory_space<vmem>> -> memref<128xi32, #tpu.memory_space<vmem>>
    %dma_start3A_282 = arith.constant 0 : i32
    %dma_start3A_283 = arith.constant 0 : i32
    %dma_start3A_284 = tpu.memref_slice %arg15[%dma_start3A_282, %dma_start3A_283] : memref<1000x8xf32, #tpu.memory_space<hbm>> -> memref<1000x8xf32, #tpu.memory_space<hbm>>
    tpu.enqueue_indirect_dma source(%dma_start3A_284 : memref<1000x8xf32, #tpu.memory_space<hbm>>) target(%dma_start3A_279 : memref<128x8xf32, #tpu.memory_space<vmem>>) offsets(%dma_start3A_281 : memref<128xi32, #tpu.memory_space<vmem>>) semaphore(%arg59 : memref<!tpu.dma_semaphore, #tpu.memory_space<semaphore_mem>>)
    %dma_start3A_285 = arith.constant 384 : i32
    %dma_start3A_286 = arith.constant 0 : i32
    %dma_start3A_287 = tpu.memref_slice %arg51[%dma_start3A_285, %dma_start3A_286] : memref<512x8xf32, #tpu.memory_space<vmem>> -> memref<128x8xf32, #tpu.memory_space<vmem>>
    %dma_start3A_288 = arith.constant 384 : i32
    %dma_start3A_289 = tpu.memref_slice %arg39[%dma_start3A_288] : memref<512xi32, #tpu.memory_space<vmem>> -> memref<128xi32, #tpu.memory_space<vmem>>
    %dma_start3A_290 = arith.constant 0 : i32
    %dma_start3A_291 = arith.constant 0 : i32
    %dma_start3A_292 = tpu.memref_slice %arg15[%dma_start3A_290, %dma_start3A_291] : memref<1000x8xf32, #tpu.memory_space<hbm>> -> memref<1000x8xf32, #tpu.memory_space<hbm>>
    tpu.enqueue_indirect_dma source(%dma_start3A_292 : memref<1000x8xf32, #tpu.memory_space<hbm>>) target(%dma_start3A_287 : memref<128x8xf32, #tpu.memory_space<vmem>>) offsets(%dma_start3A_289 : memref<128xi32, #tpu.memory_space<vmem>>) semaphore(%arg59 : memref<!tpu.dma_semaphore, #tpu.memory_space<semaphore_mem>>)
    %dma_wait3A_293 = arith.constant 0 : i32
    %dma_wait3A_294 = arith.constant 0 : i32
    %dma_wait3A_295 = tpu.memref_slice %arg51[%dma_wait3A_293, %dma_wait3A_294] : memref<512x8xf32, #tpu.memory_space<vmem>> -> memref<128x8xf32, #tpu.memory_space<vmem>>
    %dma_wait3A_296 = arith.constant 0 : i32
    %dma_wait3A_297 = tpu.memref_slice %arg39[%dma_wait3A_296] : memref<512xi32, #tpu.memory_space<vmem>> -> memref<128xi32, #tpu.memory_space<vmem>>
    %dma_wait3A_298 = arith.constant 0 : i32
    %dma_wait3A_299 = arith.constant 0 : i32
    %dma_wait3A_300 = tpu.memref_slice %arg15[%dma_wait3A_298, %dma_wait3A_299] : memref<1000x8xf32, #tpu.memory_space<hbm>> -> memref<1000x8xf32, #tpu.memory_space<hbm>>
    tpu.wait_indirect_dma semaphore(%arg59 : memref<!tpu.dma_semaphore, #tpu.memory_space<semaphore_mem>>) src(%dma_wait3A_300 : memref<1000x8xf32, #tpu.memory_space<hbm>>) dst(%dma_wait3A_295 : memref<128x8xf32, #tpu.memory_space<vmem>>)
    %dma_wait3A_301 = arith.constant 128 : i32
    %dma_wait3A_302 = arith.constant 0 : i32
    %dma_wait3A_303 = tpu.memref_slice %arg51[%dma_wait3A_301, %dma_wait3A_302] : memref<512x8xf32, #tpu.memory_space<vmem>> -> memref<128x8xf32, #tpu.memory_space<vmem>>
    %dma_wait3A_304 = arith.constant 128 : i32
    %dma_wait3A_305 = tpu.memref_slice %arg39[%dma_wait3A_304] : memref<512xi32, #tpu.memory_space<vmem>> -> memref<128xi32, #tpu.memory_space<vmem>>
    %dma_wait3A_306 = arith.constant 0 : i32
    %dma_wait3A_307 = arith.constant 0 : i32
    %dma_wait3A_308 = tpu.memref_slice %arg15[%dma_wait3A_306, %dma_wait3A_307] : memref<1000x8xf32, #tpu.memory_space<hbm>> -> memref<1000x8xf32, #tpu.memory_space<hbm>>
    tpu.wait_indirect_dma semaphore(%arg59 : memref<!tpu.dma_semaphore, #tpu.memory_space<semaphore_mem>>) src(%dma_wait3A_308 : memref<1000x8xf32, #tpu.memory_space<hbm>>) dst(%dma_wait3A_303 : memref<128x8xf32, #tpu.memory_space<vmem>>)
    %dma_wait3A_309 = arith.constant 256 : i32
    %dma_wait3A_310 = arith.constant 0 : i32
    %dma_wait3A_311 = tpu.memref_slice %arg51[%dma_wait3A_309, %dma_wait3A_310] : memref<512x8xf32, #tpu.memory_space<vmem>> -> memref<128x8xf32, #tpu.memory_space<vmem>>
    %dma_wait3A_312 = arith.constant 256 : i32
    %dma_wait3A_313 = tpu.memref_slice %arg39[%dma_wait3A_312] : memref<512xi32, #tpu.memory_space<vmem>> -> memref<128xi32, #tpu.memory_space<vmem>>
    %dma_wait3A_314 = arith.constant 0 : i32
    %dma_wait3A_315 = arith.constant 0 : i32
    %dma_wait3A_316 = tpu.memref_slice %arg15[%dma_wait3A_314, %dma_wait3A_315] : memref<1000x8xf32, #tpu.memory_space<hbm>> -> memref<1000x8xf32, #tpu.memory_space<hbm>>
    tpu.wait_indirect_dma semaphore(%arg59 : memref<!tpu.dma_semaphore, #tpu.memory_space<semaphore_mem>>) src(%dma_wait3A_316 : memref<1000x8xf32, #tpu.memory_space<hbm>>) dst(%dma_wait3A_311 : memref<128x8xf32, #tpu.memory_space<vmem>>)
    %dma_wait3A_317 = arith.constant 384 : i32
    %dma_wait3A_318 = arith.constant 0 : i32
    %dma_wait3A_319 = tpu.memref_slice %arg51[%dma_wait3A_317, %dma_wait3A_318] : memref<512x8xf32, #tpu.memory_space<vmem>> -> memref<128x8xf32, #tpu.memory_space<vmem>>
    %dma_wait3A_320 = arith.constant 384 : i32
    %dma_wait3A_321 = tpu.memref_slice %arg39[%dma_wait3A_320] : memref<512xi32, #tpu.memory_space<vmem>> -> memref<128xi32, #tpu.memory_space<vmem>>
    %dma_wait3A_322 = arith.constant 0 : i32
    %dma_wait3A_323 = arith.constant 0 : i32
    %dma_wait3A_324 = tpu.memref_slice %arg15[%dma_wait3A_322, %dma_wait3A_323] : memref<1000x8xf32, #tpu.memory_space<hbm>> -> memref<1000x8xf32, #tpu.memory_space<hbm>>
    tpu.wait_indirect_dma semaphore(%arg59 : memref<!tpu.dma_semaphore, #tpu.memory_space<semaphore_mem>>) src(%dma_wait3A_324 : memref<1000x8xf32, #tpu.memory_space<hbm>>) dst(%dma_wait3A_319 : memref<128x8xf32, #tpu.memory_space<vmem>>)
    %dma_start3A_325 = arith.constant 0 : i32
    %dma_start3A_326 = arith.constant 0 : i32
    %dma_start3A_327 = tpu.memref_slice %arg52[%dma_start3A_325, %dma_start3A_326] : memref<512x8xf32, #tpu.memory_space<vmem>> -> memref<128x8xf32, #tpu.memory_space<vmem>>
    %dma_start3A_328 = arith.constant 0 : i32
    %dma_start3A_329 = tpu.memref_slice %arg40[%dma_start3A_328] : memref<512xi32, #tpu.memory_space<vmem>> -> memref<128xi32, #tpu.memory_space<vmem>>
    %dma_start3A_330 = arith.constant 0 : i32
    %dma_start3A_331 = arith.constant 0 : i32
    %dma_start3A_332 = tpu.memref_slice %arg16[%dma_start3A_330, %dma_start3A_331] : memref<100x8xf32, #tpu.memory_space<hbm>> -> memref<100x8xf32, #tpu.memory_space<hbm>>
    tpu.enqueue_indirect_dma source(%dma_start3A_332 : memref<100x8xf32, #tpu.memory_space<hbm>>) target(%dma_start3A_327 : memref<128x8xf32, #tpu.memory_space<vmem>>) offsets(%dma_start3A_329 : memref<128xi32, #tpu.memory_space<vmem>>) semaphore(%arg59 : memref<!tpu.dma_semaphore, #tpu.memory_space<semaphore_mem>>)
    %dma_start3A_333 = arith.constant 128 : i32
    %dma_start3A_334 = arith.constant 0 : i32
    %dma_start3A_335 = tpu.memref_slice %arg52[%dma_start3A_333, %dma_start3A_334] : memref<512x8xf32, #tpu.memory_space<vmem>> -> memref<128x8xf32, #tpu.memory_space<vmem>>
    %dma_start3A_336 = arith.constant 128 : i32
    %dma_start3A_337 = tpu.memref_slice %arg40[%dma_start3A_336] : memref<512xi32, #tpu.memory_space<vmem>> -> memref<128xi32, #tpu.memory_space<vmem>>
    %dma_start3A_338 = arith.constant 0 : i32
    %dma_start3A_339 = arith.constant 0 : i32
    %dma_start3A_340 = tpu.memref_slice %arg16[%dma_start3A_338, %dma_start3A_339] : memref<100x8xf32, #tpu.memory_space<hbm>> -> memref<100x8xf32, #tpu.memory_space<hbm>>
    tpu.enqueue_indirect_dma source(%dma_start3A_340 : memref<100x8xf32, #tpu.memory_space<hbm>>) target(%dma_start3A_335 : memref<128x8xf32, #tpu.memory_space<vmem>>) offsets(%dma_start3A_337 : memref<128xi32, #tpu.memory_space<vmem>>) semaphore(%arg59 : memref<!tpu.dma_semaphore, #tpu.memory_space<semaphore_mem>>)
    %dma_start3A_341 = arith.constant 256 : i32
    %dma_start3A_342 = arith.constant 0 : i32
    %dma_start3A_343 = tpu.memref_slice %arg52[%dma_start3A_341, %dma_start3A_342] : memref<512x8xf32, #tpu.memory_space<vmem>> -> memref<128x8xf32, #tpu.memory_space<vmem>>
    %dma_start3A_344 = arith.constant 256 : i32
    %dma_start3A_345 = tpu.memref_slice %arg40[%dma_start3A_344] : memref<512xi32, #tpu.memory_space<vmem>> -> memref<128xi32, #tpu.memory_space<vmem>>
    %dma_start3A_346 = arith.constant 0 : i32
    %dma_start3A_347 = arith.constant 0 : i32
    %dma_start3A_348 = tpu.memref_slice %arg16[%dma_start3A_346, %dma_start3A_347] : memref<100x8xf32, #tpu.memory_space<hbm>> -> memref<100x8xf32, #tpu.memory_space<hbm>>
    tpu.enqueue_indirect_dma source(%dma_start3A_348 : memref<100x8xf32, #tpu.memory_space<hbm>>) target(%dma_start3A_343 : memref<128x8xf32, #tpu.memory_space<vmem>>) offsets(%dma_start3A_345 : memref<128xi32, #tpu.memory_space<vmem>>) semaphore(%arg59 : memref<!tpu.dma_semaphore, #tpu.memory_space<semaphore_mem>>)
    %dma_start3A_349 = arith.constant 384 : i32
    %dma_start3A_350 = arith.constant 0 : i32
    %dma_start3A_351 = tpu.memref_slice %arg52[%dma_start3A_349, %dma_start3A_350] : memref<512x8xf32, #tpu.memory_space<vmem>> -> memref<128x8xf32, #tpu.memory_space<vmem>>
    %dma_start3A_352 = arith.constant 384 : i32
    %dma_start3A_353 = tpu.memref_slice %arg40[%dma_start3A_352] : memref<512xi32, #tpu.memory_space<vmem>> -> memref<128xi32, #tpu.memory_space<vmem>>
    %dma_start3A_354 = arith.constant 0 : i32
    %dma_start3A_355 = arith.constant 0 : i32
    %dma_start3A_356 = tpu.memref_slice %arg16[%dma_start3A_354, %dma_start3A_355] : memref<100x8xf32, #tpu.memory_space<hbm>> -> memref<100x8xf32, #tpu.memory_space<hbm>>
    tpu.enqueue_indirect_dma source(%dma_start3A_356 : memref<100x8xf32, #tpu.memory_space<hbm>>) target(%dma_start3A_351 : memref<128x8xf32, #tpu.memory_space<vmem>>) offsets(%dma_start3A_353 : memref<128xi32, #tpu.memory_space<vmem>>) semaphore(%arg59 : memref<!tpu.dma_semaphore, #tpu.memory_space<semaphore_mem>>)
    %dma_wait3A_357 = arith.constant 0 : i32
    %dma_wait3A_358 = arith.constant 0 : i32
    %dma_wait3A_359 = tpu.memref_slice %arg52[%dma_wait3A_357, %dma_wait3A_358] : memref<512x8xf32, #tpu.memory_space<vmem>> -> memref<128x8xf32, #tpu.memory_space<vmem>>
    %dma_wait3A_360 = arith.constant 0 : i32
    %dma_wait3A_361 = tpu.memref_slice %arg40[%dma_wait3A_360] : memref<512xi32, #tpu.memory_space<vmem>> -> memref<128xi32, #tpu.memory_space<vmem>>
    %dma_wait3A_362 = arith.constant 0 : i32
    %dma_wait3A_363 = arith.constant 0 : i32
    %dma_wait3A_364 = tpu.memref_slice %arg16[%dma_wait3A_362, %dma_wait3A_363] : memref<100x8xf32, #tpu.memory_space<hbm>> -> memref<100x8xf32, #tpu.memory_space<hbm>>
    tpu.wait_indirect_dma semaphore(%arg59 : memref<!tpu.dma_semaphore, #tpu.memory_space<semaphore_mem>>) src(%dma_wait3A_364 : memref<100x8xf32, #tpu.memory_space<hbm>>) dst(%dma_wait3A_359 : memref<128x8xf32, #tpu.memory_space<vmem>>)
    %dma_wait3A_365 = arith.constant 128 : i32
    %dma_wait3A_366 = arith.constant 0 : i32
    %dma_wait3A_367 = tpu.memref_slice %arg52[%dma_wait3A_365, %dma_wait3A_366] : memref<512x8xf32, #tpu.memory_space<vmem>> -> memref<128x8xf32, #tpu.memory_space<vmem>>
    %dma_wait3A_368 = arith.constant 128 : i32
    %dma_wait3A_369 = tpu.memref_slice %arg40[%dma_wait3A_368] : memref<512xi32, #tpu.memory_space<vmem>> -> memref<128xi32, #tpu.memory_space<vmem>>
    %dma_wait3A_370 = arith.constant 0 : i32
    %dma_wait3A_371 = arith.constant 0 : i32
    %dma_wait3A_372 = tpu.memref_slice %arg16[%dma_wait3A_370, %dma_wait3A_371] : memref<100x8xf32, #tpu.memory_space<hbm>> -> memref<100x8xf32, #tpu.memory_space<hbm>>
    tpu.wait_indirect_dma semaphore(%arg59 : memref<!tpu.dma_semaphore, #tpu.memory_space<semaphore_mem>>) src(%dma_wait3A_372 : memref<100x8xf32, #tpu.memory_space<hbm>>) dst(%dma_wait3A_367 : memref<128x8xf32, #tpu.memory_space<vmem>>)
    %dma_wait3A_373 = arith.constant 256 : i32
    %dma_wait3A_374 = arith.constant 0 : i32
    %dma_wait3A_375 = tpu.memref_slice %arg52[%dma_wait3A_373, %dma_wait3A_374] : memref<512x8xf32, #tpu.memory_space<vmem>> -> memref<128x8xf32, #tpu.memory_space<vmem>>
    %dma_wait3A_376 = arith.constant 256 : i32
    %dma_wait3A_377 = tpu.memref_slice %arg40[%dma_wait3A_376] : memref<512xi32, #tpu.memory_space<vmem>> -> memref<128xi32, #tpu.memory_space<vmem>>
    %dma_wait3A_378 = arith.constant 0 : i32
    %dma_wait3A_379 = arith.constant 0 : i32
    %dma_wait3A_380 = tpu.memref_slice %arg16[%dma_wait3A_378, %dma_wait3A_379] : memref<100x8xf32, #tpu.memory_space<hbm>> -> memref<100x8xf32, #tpu.memory_space<hbm>>
    tpu.wait_indirect_dma semaphore(%arg59 : memref<!tpu.dma_semaphore, #tpu.memory_space<semaphore_mem>>) src(%dma_wait3A_380 : memref<100x8xf32, #tpu.memory_space<hbm>>) dst(%dma_wait3A_375 : memref<128x8xf32, #tpu.memory_space<vmem>>)
    %dma_wait3A_381 = arith.constant 384 : i32
    %dma_wait3A_382 = arith.constant 0 : i32
    %dma_wait3A_383 = tpu.memref_slice %arg52[%dma_wait3A_381, %dma_wait3A_382] : memref<512x8xf32, #tpu.memory_space<vmem>> -> memref<128x8xf32, #tpu.memory_space<vmem>>
    %dma_wait3A_384 = arith.constant 384 : i32
    %dma_wait3A_385 = tpu.memref_slice %arg40[%dma_wait3A_384] : memref<512xi32, #tpu.memory_space<vmem>> -> memref<128xi32, #tpu.memory_space<vmem>>
    %dma_wait3A_386 = arith.constant 0 : i32
    %dma_wait3A_387 = arith.constant 0 : i32
    %dma_wait3A_388 = tpu.memref_slice %arg16[%dma_wait3A_386, %dma_wait3A_387] : memref<100x8xf32, #tpu.memory_space<hbm>> -> memref<100x8xf32, #tpu.memory_space<hbm>>
    tpu.wait_indirect_dma semaphore(%arg59 : memref<!tpu.dma_semaphore, #tpu.memory_space<semaphore_mem>>) src(%dma_wait3A_388 : memref<100x8xf32, #tpu.memory_space<hbm>>) dst(%dma_wait3A_383 : memref<128x8xf32, #tpu.memory_space<vmem>>)
    %dma_start3A_389 = arith.constant 0 : i32
    %dma_start3A_390 = arith.constant 0 : i32
    %dma_start3A_391 = tpu.memref_slice %arg53[%dma_start3A_389, %dma_start3A_390] : memref<512x8xf32, #tpu.memory_space<vmem>> -> memref<128x8xf32, #tpu.memory_space<vmem>>
    %dma_start3A_392 = arith.constant 0 : i32
    %dma_start3A_393 = tpu.memref_slice %arg41[%dma_start3A_392] : memref<512xi32, #tpu.memory_space<vmem>> -> memref<128xi32, #tpu.memory_space<vmem>>
    %dma_start3A_394 = arith.constant 0 : i32
    %dma_start3A_395 = arith.constant 0 : i32
    %dma_start3A_396 = tpu.memref_slice %arg17[%dma_start3A_394, %dma_start3A_395] : memref<10000x8xf32, #tpu.memory_space<hbm>> -> memref<10000x8xf32, #tpu.memory_space<hbm>>
    tpu.enqueue_indirect_dma source(%dma_start3A_396 : memref<10000x8xf32, #tpu.memory_space<hbm>>) target(%dma_start3A_391 : memref<128x8xf32, #tpu.memory_space<vmem>>) offsets(%dma_start3A_393 : memref<128xi32, #tpu.memory_space<vmem>>) semaphore(%arg59 : memref<!tpu.dma_semaphore, #tpu.memory_space<semaphore_mem>>)
    %dma_start3A_397 = arith.constant 128 : i32
    %dma_start3A_398 = arith.constant 0 : i32
    %dma_start3A_399 = tpu.memref_slice %arg53[%dma_start3A_397, %dma_start3A_398] : memref<512x8xf32, #tpu.memory_space<vmem>> -> memref<128x8xf32, #tpu.memory_space<vmem>>
    %dma_start3A_400 = arith.constant 128 : i32
    %dma_start3A_401 = tpu.memref_slice %arg41[%dma_start3A_400] : memref<512xi32, #tpu.memory_space<vmem>> -> memref<128xi32, #tpu.memory_space<vmem>>
    %dma_start3A_402 = arith.constant 0 : i32
    %dma_start3A_403 = arith.constant 0 : i32
    %dma_start3A_404 = tpu.memref_slice %arg17[%dma_start3A_402, %dma_start3A_403] : memref<10000x8xf32, #tpu.memory_space<hbm>> -> memref<10000x8xf32, #tpu.memory_space<hbm>>
    tpu.enqueue_indirect_dma source(%dma_start3A_404 : memref<10000x8xf32, #tpu.memory_space<hbm>>) target(%dma_start3A_399 : memref<128x8xf32, #tpu.memory_space<vmem>>) offsets(%dma_start3A_401 : memref<128xi32, #tpu.memory_space<vmem>>) semaphore(%arg59 : memref<!tpu.dma_semaphore, #tpu.memory_space<semaphore_mem>>)
    %dma_start3A_405 = arith.constant 256 : i32
    %dma_start3A_406 = arith.constant 0 : i32
    %dma_start3A_407 = tpu.memref_slice %arg53[%dma_start3A_405, %dma_start3A_406] : memref<512x8xf32, #tpu.memory_space<vmem>> -> memref<128x8xf32, #tpu.memory_space<vmem>>
    %dma_start3A_408 = arith.constant 256 : i32
    %dma_start3A_409 = tpu.memref_slice %arg41[%dma_start3A_408] : memref<512xi32, #tpu.memory_space<vmem>> -> memref<128xi32, #tpu.memory_space<vmem>>
    %dma_start3A_410 = arith.constant 0 : i32
    %dma_start3A_411 = arith.constant 0 : i32
    %dma_start3A_412 = tpu.memref_slice %arg17[%dma_start3A_410, %dma_start3A_411] : memref<10000x8xf32, #tpu.memory_space<hbm>> -> memref<10000x8xf32, #tpu.memory_space<hbm>>
    tpu.enqueue_indirect_dma source(%dma_start3A_412 : memref<10000x8xf32, #tpu.memory_space<hbm>>) target(%dma_start3A_407 : memref<128x8xf32, #tpu.memory_space<vmem>>) offsets(%dma_start3A_409 : memref<128xi32, #tpu.memory_space<vmem>>) semaphore(%arg59 : memref<!tpu.dma_semaphore, #tpu.memory_space<semaphore_mem>>)
    %dma_start3A_413 = arith.constant 384 : i32
    %dma_start3A_414 = arith.constant 0 : i32
    %dma_start3A_415 = tpu.memref_slice %arg53[%dma_start3A_413, %dma_start3A_414] : memref<512x8xf32, #tpu.memory_space<vmem>> -> memref<128x8xf32, #tpu.memory_space<vmem>>
    %dma_start3A_416 = arith.constant 384 : i32
    %dma_start3A_417 = tpu.memref_slice %arg41[%dma_start3A_416] : memref<512xi32, #tpu.memory_space<vmem>> -> memref<128xi32, #tpu.memory_space<vmem>>
    %dma_start3A_418 = arith.constant 0 : i32
    %dma_start3A_419 = arith.constant 0 : i32
    %dma_start3A_420 = tpu.memref_slice %arg17[%dma_start3A_418, %dma_start3A_419] : memref<10000x8xf32, #tpu.memory_space<hbm>> -> memref<10000x8xf32, #tpu.memory_space<hbm>>
    tpu.enqueue_indirect_dma source(%dma_start3A_420 : memref<10000x8xf32, #tpu.memory_space<hbm>>) target(%dma_start3A_415 : memref<128x8xf32, #tpu.memory_space<vmem>>) offsets(%dma_start3A_417 : memref<128xi32, #tpu.memory_space<vmem>>) semaphore(%arg59 : memref<!tpu.dma_semaphore, #tpu.memory_space<semaphore_mem>>)
    %dma_wait3A_421 = arith.constant 0 : i32
    %dma_wait3A_422 = arith.constant 0 : i32
    %dma_wait3A_423 = tpu.memref_slice %arg53[%dma_wait3A_421, %dma_wait3A_422] : memref<512x8xf32, #tpu.memory_space<vmem>> -> memref<128x8xf32, #tpu.memory_space<vmem>>
    %dma_wait3A_424 = arith.constant 0 : i32
    %dma_wait3A_425 = tpu.memref_slice %arg41[%dma_wait3A_424] : memref<512xi32, #tpu.memory_space<vmem>> -> memref<128xi32, #tpu.memory_space<vmem>>
    %dma_wait3A_426 = arith.constant 0 : i32
    %dma_wait3A_427 = arith.constant 0 : i32
    %dma_wait3A_428 = tpu.memref_slice %arg17[%dma_wait3A_426, %dma_wait3A_427] : memref<10000x8xf32, #tpu.memory_space<hbm>> -> memref<10000x8xf32, #tpu.memory_space<hbm>>
    tpu.wait_indirect_dma semaphore(%arg59 : memref<!tpu.dma_semaphore, #tpu.memory_space<semaphore_mem>>) src(%dma_wait3A_428 : memref<10000x8xf32, #tpu.memory_space<hbm>>) dst(%dma_wait3A_423 : memref<128x8xf32, #tpu.memory_space<vmem>>)
    %dma_wait3A_429 = arith.constant 128 : i32
    %dma_wait3A_430 = arith.constant 0 : i32
    %dma_wait3A_431 = tpu.memref_slice %arg53[%dma_wait3A_429, %dma_wait3A_430] : memref<512x8xf32, #tpu.memory_space<vmem>> -> memref<128x8xf32, #tpu.memory_space<vmem>>
    %dma_wait3A_432 = arith.constant 128 : i32
    %dma_wait3A_433 = tpu.memref_slice %arg41[%dma_wait3A_432] : memref<512xi32, #tpu.memory_space<vmem>> -> memref<128xi32, #tpu.memory_space<vmem>>
    %dma_wait3A_434 = arith.constant 0 : i32
    %dma_wait3A_435 = arith.constant 0 : i32
    %dma_wait3A_436 = tpu.memref_slice %arg17[%dma_wait3A_434, %dma_wait3A_435] : memref<10000x8xf32, #tpu.memory_space<hbm>> -> memref<10000x8xf32, #tpu.memory_space<hbm>>
    tpu.wait_indirect_dma semaphore(%arg59 : memref<!tpu.dma_semaphore, #tpu.memory_space<semaphore_mem>>) src(%dma_wait3A_436 : memref<10000x8xf32, #tpu.memory_space<hbm>>) dst(%dma_wait3A_431 : memref<128x8xf32, #tpu.memory_space<vmem>>)
    %dma_wait3A_437 = arith.constant 256 : i32
    %dma_wait3A_438 = arith.constant 0 : i32
    %dma_wait3A_439 = tpu.memref_slice %arg53[%dma_wait3A_437, %dma_wait3A_438] : memref<512x8xf32, #tpu.memory_space<vmem>> -> memref<128x8xf32, #tpu.memory_space<vmem>>
    %dma_wait3A_440 = arith.constant 256 : i32
    %dma_wait3A_441 = tpu.memref_slice %arg41[%dma_wait3A_440] : memref<512xi32, #tpu.memory_space<vmem>> -> memref<128xi32, #tpu.memory_space<vmem>>
    %dma_wait3A_442 = arith.constant 0 : i32
    %dma_wait3A_443 = arith.constant 0 : i32
    %dma_wait3A_444 = tpu.memref_slice %arg17[%dma_wait3A_442, %dma_wait3A_443] : memref<10000x8xf32, #tpu.memory_space<hbm>> -> memref<10000x8xf32, #tpu.memory_space<hbm>>
    tpu.wait_indirect_dma semaphore(%arg59 : memref<!tpu.dma_semaphore, #tpu.memory_space<semaphore_mem>>) src(%dma_wait3A_444 : memref<10000x8xf32, #tpu.memory_space<hbm>>) dst(%dma_wait3A_439 : memref<128x8xf32, #tpu.memory_space<vmem>>)
    %dma_wait3A_445 = arith.constant 384 : i32
    %dma_wait3A_446 = arith.constant 0 : i32
    %dma_wait3A_447 = tpu.memref_slice %arg53[%dma_wait3A_445, %dma_wait3A_446] : memref<512x8xf32, #tpu.memory_space<vmem>> -> memref<128x8xf32, #tpu.memory_space<vmem>>
    %dma_wait3A_448 = arith.constant 384 : i32
    %dma_wait3A_449 = tpu.memref_slice %arg41[%dma_wait3A_448] : memref<512xi32, #tpu.memory_space<vmem>> -> memref<128xi32, #tpu.memory_space<vmem>>
    %dma_wait3A_450 = arith.constant 0 : i32
    %dma_wait3A_451 = arith.constant 0 : i32
    %dma_wait3A_452 = tpu.memref_slice %arg17[%dma_wait3A_450, %dma_wait3A_451] : memref<10000x8xf32, #tpu.memory_space<hbm>> -> memref<10000x8xf32, #tpu.memory_space<hbm>>
    tpu.wait_indirect_dma semaphore(%arg59 : memref<!tpu.dma_semaphore, #tpu.memory_space<semaphore_mem>>) src(%dma_wait3A_452 : memref<10000x8xf32, #tpu.memory_space<hbm>>) dst(%dma_wait3A_447 : memref<128x8xf32, #tpu.memory_space<vmem>>)
    %dma_start3A_453 = arith.constant 0 : i32
    %dma_start3A_454 = arith.constant 0 : i32
    %dma_start3A_455 = tpu.memref_slice %arg54[%dma_start3A_453, %dma_start3A_454] : memref<512x8xf32, #tpu.memory_space<vmem>> -> memref<128x8xf32, #tpu.memory_space<vmem>>
    %dma_start3A_456 = arith.constant 0 : i32
    %dma_start3A_457 = tpu.memref_slice %arg42[%dma_start3A_456] : memref<512xi32, #tpu.memory_space<vmem>> -> memref<128xi32, #tpu.memory_space<vmem>>
    %dma_start3A_458 = arith.constant 0 : i32
    %dma_start3A_459 = arith.constant 0 : i32
    %dma_start3A_460 = tpu.memref_slice %arg18[%dma_start3A_458, %dma_start3A_459] : memref<24x8xf32, #tpu.memory_space<hbm>> -> memref<24x8xf32, #tpu.memory_space<hbm>>
    tpu.enqueue_indirect_dma source(%dma_start3A_460 : memref<24x8xf32, #tpu.memory_space<hbm>>) target(%dma_start3A_455 : memref<128x8xf32, #tpu.memory_space<vmem>>) offsets(%dma_start3A_457 : memref<128xi32, #tpu.memory_space<vmem>>) semaphore(%arg59 : memref<!tpu.dma_semaphore, #tpu.memory_space<semaphore_mem>>)
    %dma_start3A_461 = arith.constant 128 : i32
    %dma_start3A_462 = arith.constant 0 : i32
    %dma_start3A_463 = tpu.memref_slice %arg54[%dma_start3A_461, %dma_start3A_462] : memref<512x8xf32, #tpu.memory_space<vmem>> -> memref<128x8xf32, #tpu.memory_space<vmem>>
    %dma_start3A_464 = arith.constant 128 : i32
    %dma_start3A_465 = tpu.memref_slice %arg42[%dma_start3A_464] : memref<512xi32, #tpu.memory_space<vmem>> -> memref<128xi32, #tpu.memory_space<vmem>>
    %dma_start3A_466 = arith.constant 0 : i32
    %dma_start3A_467 = arith.constant 0 : i32
    %dma_start3A_468 = tpu.memref_slice %arg18[%dma_start3A_466, %dma_start3A_467] : memref<24x8xf32, #tpu.memory_space<hbm>> -> memref<24x8xf32, #tpu.memory_space<hbm>>
    tpu.enqueue_indirect_dma source(%dma_start3A_468 : memref<24x8xf32, #tpu.memory_space<hbm>>) target(%dma_start3A_463 : memref<128x8xf32, #tpu.memory_space<vmem>>) offsets(%dma_start3A_465 : memref<128xi32, #tpu.memory_space<vmem>>) semaphore(%arg59 : memref<!tpu.dma_semaphore, #tpu.memory_space<semaphore_mem>>)
    %dma_start3A_469 = arith.constant 256 : i32
    %dma_start3A_470 = arith.constant 0 : i32
    %dma_start3A_471 = tpu.memref_slice %arg54[%dma_start3A_469, %dma_start3A_470] : memref<512x8xf32, #tpu.memory_space<vmem>> -> memref<128x8xf32, #tpu.memory_space<vmem>>
    %dma_start3A_472 = arith.constant 256 : i32
    %dma_start3A_473 = tpu.memref_slice %arg42[%dma_start3A_472] : memref<512xi32, #tpu.memory_space<vmem>> -> memref<128xi32, #tpu.memory_space<vmem>>
    %dma_start3A_474 = arith.constant 0 : i32
    %dma_start3A_475 = arith.constant 0 : i32
    %dma_start3A_476 = tpu.memref_slice %arg18[%dma_start3A_474, %dma_start3A_475] : memref<24x8xf32, #tpu.memory_space<hbm>> -> memref<24x8xf32, #tpu.memory_space<hbm>>
    tpu.enqueue_indirect_dma source(%dma_start3A_476 : memref<24x8xf32, #tpu.memory_space<hbm>>) target(%dma_start3A_471 : memref<128x8xf32, #tpu.memory_space<vmem>>) offsets(%dma_start3A_473 : memref<128xi32, #tpu.memory_space<vmem>>) semaphore(%arg59 : memref<!tpu.dma_semaphore, #tpu.memory_space<semaphore_mem>>)
    %dma_start3A_477 = arith.constant 384 : i32
    %dma_start3A_478 = arith.constant 0 : i32
    %dma_start3A_479 = tpu.memref_slice %arg54[%dma_start3A_477, %dma_start3A_478] : memref<512x8xf32, #tpu.memory_space<vmem>> -> memref<128x8xf32, #tpu.memory_space<vmem>>
    %dma_start3A_480 = arith.constant 384 : i32
    %dma_start3A_481 = tpu.memref_slice %arg42[%dma_start3A_480] : memref<512xi32, #tpu.memory_space<vmem>> -> memref<128xi32, #tpu.memory_space<vmem>>
    %dma_start3A_482 = arith.constant 0 : i32
    %dma_start3A_483 = arith.constant 0 : i32
    %dma_start3A_484 = tpu.memref_slice %arg18[%dma_start3A_482, %dma_start3A_483] : memref<24x8xf32, #tpu.memory_space<hbm>> -> memref<24x8xf32, #tpu.memory_space<hbm>>
    tpu.enqueue_indirect_dma source(%dma_start3A_484 : memref<24x8xf32, #tpu.memory_space<hbm>>) target(%dma_start3A_479 : memref<128x8xf32, #tpu.memory_space<vmem>>) offsets(%dma_start3A_481 : memref<128xi32, #tpu.memory_space<vmem>>) semaphore(%arg59 : memref<!tpu.dma_semaphore, #tpu.memory_space<semaphore_mem>>)
    %dma_wait3A_485 = arith.constant 0 : i32
    %dma_wait3A_486 = arith.constant 0 : i32
    %dma_wait3A_487 = tpu.memref_slice %arg54[%dma_wait3A_485, %dma_wait3A_486] : memref<512x8xf32, #tpu.memory_space<vmem>> -> memref<128x8xf32, #tpu.memory_space<vmem>>
    %dma_wait3A_488 = arith.constant 0 : i32
    %dma_wait3A_489 = tpu.memref_slice %arg42[%dma_wait3A_488] : memref<512xi32, #tpu.memory_space<vmem>> -> memref<128xi32, #tpu.memory_space<vmem>>
    %dma_wait3A_490 = arith.constant 0 : i32
    %dma_wait3A_491 = arith.constant 0 : i32
    %dma_wait3A_492 = tpu.memref_slice %arg18[%dma_wait3A_490, %dma_wait3A_491] : memref<24x8xf32, #tpu.memory_space<hbm>> -> memref<24x8xf32, #tpu.memory_space<hbm>>
    tpu.wait_indirect_dma semaphore(%arg59 : memref<!tpu.dma_semaphore, #tpu.memory_space<semaphore_mem>>) src(%dma_wait3A_492 : memref<24x8xf32, #tpu.memory_space<hbm>>) dst(%dma_wait3A_487 : memref<128x8xf32, #tpu.memory_space<vmem>>)
    %dma_wait3A_493 = arith.constant 128 : i32
    %dma_wait3A_494 = arith.constant 0 : i32
    %dma_wait3A_495 = tpu.memref_slice %arg54[%dma_wait3A_493, %dma_wait3A_494] : memref<512x8xf32, #tpu.memory_space<vmem>> -> memref<128x8xf32, #tpu.memory_space<vmem>>
    %dma_wait3A_496 = arith.constant 128 : i32
    %dma_wait3A_497 = tpu.memref_slice %arg42[%dma_wait3A_496] : memref<512xi32, #tpu.memory_space<vmem>> -> memref<128xi32, #tpu.memory_space<vmem>>
    %dma_wait3A_498 = arith.constant 0 : i32
    %dma_wait3A_499 = arith.constant 0 : i32
    %dma_wait3A_500 = tpu.memref_slice %arg18[%dma_wait3A_498, %dma_wait3A_499] : memref<24x8xf32, #tpu.memory_space<hbm>> -> memref<24x8xf32, #tpu.memory_space<hbm>>
    tpu.wait_indirect_dma semaphore(%arg59 : memref<!tpu.dma_semaphore, #tpu.memory_space<semaphore_mem>>) src(%dma_wait3A_500 : memref<24x8xf32, #tpu.memory_space<hbm>>) dst(%dma_wait3A_495 : memref<128x8xf32, #tpu.memory_space<vmem>>)
    %dma_wait3A_501 = arith.constant 256 : i32
    %dma_wait3A_502 = arith.constant 0 : i32
    %dma_wait3A_503 = tpu.memref_slice %arg54[%dma_wait3A_501, %dma_wait3A_502] : memref<512x8xf32, #tpu.memory_space<vmem>> -> memref<128x8xf32, #tpu.memory_space<vmem>>
    %dma_wait3A_504 = arith.constant 256 : i32
    %dma_wait3A_505 = tpu.memref_slice %arg42[%dma_wait3A_504] : memref<512xi32, #tpu.memory_space<vmem>> -> memref<128xi32, #tpu.memory_space<vmem>>
    %dma_wait3A_506 = arith.constant 0 : i32
    %dma_wait3A_507 = arith.constant 0 : i32
    %dma_wait3A_508 = tpu.memref_slice %arg18[%dma_wait3A_506, %dma_wait3A_507] : memref<24x8xf32, #tpu.memory_space<hbm>> -> memref<24x8xf32, #tpu.memory_space<hbm>>
    tpu.wait_indirect_dma semaphore(%arg59 : memref<!tpu.dma_semaphore, #tpu.memory_space<semaphore_mem>>) src(%dma_wait3A_508 : memref<24x8xf32, #tpu.memory_space<hbm>>) dst(%dma_wait3A_503 : memref<128x8xf32, #tpu.memory_space<vmem>>)
    %dma_wait3A_509 = arith.constant 384 : i32
    %dma_wait3A_510 = arith.constant 0 : i32
    %dma_wait3A_511 = tpu.memref_slice %arg54[%dma_wait3A_509, %dma_wait3A_510] : memref<512x8xf32, #tpu.memory_space<vmem>> -> memref<128x8xf32, #tpu.memory_space<vmem>>
    %dma_wait3A_512 = arith.constant 384 : i32
    %dma_wait3A_513 = tpu.memref_slice %arg42[%dma_wait3A_512] : memref<512xi32, #tpu.memory_space<vmem>> -> memref<128xi32, #tpu.memory_space<vmem>>
    %dma_wait3A_514 = arith.constant 0 : i32
    %dma_wait3A_515 = arith.constant 0 : i32
    %dma_wait3A_516 = tpu.memref_slice %arg18[%dma_wait3A_514, %dma_wait3A_515] : memref<24x8xf32, #tpu.memory_space<hbm>> -> memref<24x8xf32, #tpu.memory_space<hbm>>
    tpu.wait_indirect_dma semaphore(%arg59 : memref<!tpu.dma_semaphore, #tpu.memory_space<semaphore_mem>>) src(%dma_wait3A_516 : memref<24x8xf32, #tpu.memory_space<hbm>>) dst(%dma_wait3A_511 : memref<128x8xf32, #tpu.memory_space<vmem>>)
    %dma_start3A_517 = arith.constant 0 : i32
    %dma_start3A_518 = arith.constant 0 : i32
    %dma_start3A_519 = tpu.memref_slice %arg55[%dma_start3A_517, %dma_start3A_518] : memref<512x8xf32, #tpu.memory_space<vmem>> -> memref<128x8xf32, #tpu.memory_space<vmem>>
    %dma_start3A_520 = arith.constant 0 : i32
    %dma_start3A_521 = tpu.memref_slice %arg43[%dma_start3A_520] : memref<512xi32, #tpu.memory_space<vmem>> -> memref<128xi32, #tpu.memory_space<vmem>>
    %dma_start3A_522 = arith.constant 0 : i32
    %dma_start3A_523 = arith.constant 0 : i32
    %dma_start3A_524 = tpu.memref_slice %arg19[%dma_start3A_522, %dma_start3A_523] : memref<4x8xf32, #tpu.memory_space<hbm>> -> memref<4x8xf32, #tpu.memory_space<hbm>>
    tpu.enqueue_indirect_dma source(%dma_start3A_524 : memref<4x8xf32, #tpu.memory_space<hbm>>) target(%dma_start3A_519 : memref<128x8xf32, #tpu.memory_space<vmem>>) offsets(%dma_start3A_521 : memref<128xi32, #tpu.memory_space<vmem>>) semaphore(%arg59 : memref<!tpu.dma_semaphore, #tpu.memory_space<semaphore_mem>>)
    %dma_start3A_525 = arith.constant 128 : i32
    %dma_start3A_526 = arith.constant 0 : i32
    %dma_start3A_527 = tpu.memref_slice %arg55[%dma_start3A_525, %dma_start3A_526] : memref<512x8xf32, #tpu.memory_space<vmem>> -> memref<128x8xf32, #tpu.memory_space<vmem>>
    %dma_start3A_528 = arith.constant 128 : i32
    %dma_start3A_529 = tpu.memref_slice %arg43[%dma_start3A_528] : memref<512xi32, #tpu.memory_space<vmem>> -> memref<128xi32, #tpu.memory_space<vmem>>
    %dma_start3A_530 = arith.constant 0 : i32
    %dma_start3A_531 = arith.constant 0 : i32
    %dma_start3A_532 = tpu.memref_slice %arg19[%dma_start3A_530, %dma_start3A_531] : memref<4x8xf32, #tpu.memory_space<hbm>> -> memref<4x8xf32, #tpu.memory_space<hbm>>
    tpu.enqueue_indirect_dma source(%dma_start3A_532 : memref<4x8xf32, #tpu.memory_space<hbm>>) target(%dma_start3A_527 : memref<128x8xf32, #tpu.memory_space<vmem>>) offsets(%dma_start3A_529 : memref<128xi32, #tpu.memory_space<vmem>>) semaphore(%arg59 : memref<!tpu.dma_semaphore, #tpu.memory_space<semaphore_mem>>)
    %dma_start3A_533 = arith.constant 256 : i32
    %dma_start3A_534 = arith.constant 0 : i32
    %dma_start3A_535 = tpu.memref_slice %arg55[%dma_start3A_533, %dma_start3A_534] : memref<512x8xf32, #tpu.memory_space<vmem>> -> memref<128x8xf32, #tpu.memory_space<vmem>>
    %dma_start3A_536 = arith.constant 256 : i32
    %dma_start3A_537 = tpu.memref_slice %arg43[%dma_start3A_536] : memref<512xi32, #tpu.memory_space<vmem>> -> memref<128xi32, #tpu.memory_space<vmem>>
    %dma_start3A_538 = arith.constant 0 : i32
    %dma_start3A_539 = arith.constant 0 : i32
    %dma_start3A_540 = tpu.memref_slice %arg19[%dma_start3A_538, %dma_start3A_539] : memref<4x8xf32, #tpu.memory_space<hbm>> -> memref<4x8xf32, #tpu.memory_space<hbm>>
    tpu.enqueue_indirect_dma source(%dma_start3A_540 : memref<4x8xf32, #tpu.memory_space<hbm>>) target(%dma_start3A_535 : memref<128x8xf32, #tpu.memory_space<vmem>>) offsets(%dma_start3A_537 : memref<128xi32, #tpu.memory_space<vmem>>) semaphore(%arg59 : memref<!tpu.dma_semaphore, #tpu.memory_space<semaphore_mem>>)
    %dma_start3A_541 = arith.constant 384 : i32
    %dma_start3A_542 = arith.constant 0 : i32
    %dma_start3A_543 = tpu.memref_slice %arg55[%dma_start3A_541, %dma_start3A_542] : memref<512x8xf32, #tpu.memory_space<vmem>> -> memref<128x8xf32, #tpu.memory_space<vmem>>
    %dma_start3A_544 = arith.constant 384 : i32
    %dma_start3A_545 = tpu.memref_slice %arg43[%dma_start3A_544] : memref<512xi32, #tpu.memory_space<vmem>> -> memref<128xi32, #tpu.memory_space<vmem>>
    %dma_start3A_546 = arith.constant 0 : i32
    %dma_start3A_547 = arith.constant 0 : i32
    %dma_start3A_548 = tpu.memref_slice %arg19[%dma_start3A_546, %dma_start3A_547] : memref<4x8xf32, #tpu.memory_space<hbm>> -> memref<4x8xf32, #tpu.memory_space<hbm>>
    tpu.enqueue_indirect_dma source(%dma_start3A_548 : memref<4x8xf32, #tpu.memory_space<hbm>>) target(%dma_start3A_543 : memref<128x8xf32, #tpu.memory_space<vmem>>) offsets(%dma_start3A_545 : memref<128xi32, #tpu.memory_space<vmem>>) semaphore(%arg59 : memref<!tpu.dma_semaphore, #tpu.memory_space<semaphore_mem>>)
    %dma_wait3A_549 = arith.constant 0 : i32
    %dma_wait3A_550 = arith.constant 0 : i32
    %dma_wait3A_551 = tpu.memref_slice %arg55[%dma_wait3A_549, %dma_wait3A_550] : memref<512x8xf32, #tpu.memory_space<vmem>> -> memref<128x8xf32, #tpu.memory_space<vmem>>
    %dma_wait3A_552 = arith.constant 0 : i32
    %dma_wait3A_553 = tpu.memref_slice %arg43[%dma_wait3A_552] : memref<512xi32, #tpu.memory_space<vmem>> -> memref<128xi32, #tpu.memory_space<vmem>>
    %dma_wait3A_554 = arith.constant 0 : i32
    %dma_wait3A_555 = arith.constant 0 : i32
    %dma_wait3A_556 = tpu.memref_slice %arg19[%dma_wait3A_554, %dma_wait3A_555] : memref<4x8xf32, #tpu.memory_space<hbm>> -> memref<4x8xf32, #tpu.memory_space<hbm>>
    tpu.wait_indirect_dma semaphore(%arg59 : memref<!tpu.dma_semaphore, #tpu.memory_space<semaphore_mem>>) src(%dma_wait3A_556 : memref<4x8xf32, #tpu.memory_space<hbm>>) dst(%dma_wait3A_551 : memref<128x8xf32, #tpu.memory_space<vmem>>)
    %dma_wait3A_557 = arith.constant 128 : i32
    %dma_wait3A_558 = arith.constant 0 : i32
    %dma_wait3A_559 = tpu.memref_slice %arg55[%dma_wait3A_557, %dma_wait3A_558] : memref<512x8xf32, #tpu.memory_space<vmem>> -> memref<128x8xf32, #tpu.memory_space<vmem>>
    %dma_wait3A_560 = arith.constant 128 : i32
    %dma_wait3A_561 = tpu.memref_slice %arg43[%dma_wait3A_560] : memref<512xi32, #tpu.memory_space<vmem>> -> memref<128xi32, #tpu.memory_space<vmem>>
    %dma_wait3A_562 = arith.constant 0 : i32
    %dma_wait3A_563 = arith.constant 0 : i32
    %dma_wait3A_564 = tpu.memref_slice %arg19[%dma_wait3A_562, %dma_wait3A_563] : memref<4x8xf32, #tpu.memory_space<hbm>> -> memref<4x8xf32, #tpu.memory_space<hbm>>
    tpu.wait_indirect_dma semaphore(%arg59 : memref<!tpu.dma_semaphore, #tpu.memory_space<semaphore_mem>>) src(%dma_wait3A_564 : memref<4x8xf32, #tpu.memory_space<hbm>>) dst(%dma_wait3A_559 : memref<128x8xf32, #tpu.memory_space<vmem>>)
    %dma_wait3A_565 = arith.constant 256 : i32
    %dma_wait3A_566 = arith.constant 0 : i32
    %dma_wait3A_567 = tpu.memref_slice %arg55[%dma_wait3A_565, %dma_wait3A_566] : memref<512x8xf32, #tpu.memory_space<vmem>> -> memref<128x8xf32, #tpu.memory_space<vmem>>
    %dma_wait3A_568 = arith.constant 256 : i32
    %dma_wait3A_569 = tpu.memref_slice %arg43[%dma_wait3A_568] : memref<512xi32, #tpu.memory_space<vmem>> -> memref<128xi32, #tpu.memory_space<vmem>>
    %dma_wait3A_570 = arith.constant 0 : i32
    %dma_wait3A_571 = arith.constant 0 : i32
    %dma_wait3A_572 = tpu.memref_slice %arg19[%dma_wait3A_570, %dma_wait3A_571] : memref<4x8xf32, #tpu.memory_space<hbm>> -> memref<4x8xf32, #tpu.memory_space<hbm>>
    tpu.wait_indirect_dma semaphore(%arg59 : memref<!tpu.dma_semaphore, #tpu.memory_space<semaphore_mem>>) src(%dma_wait3A_572 : memref<4x8xf32, #tpu.memory_space<hbm>>) dst(%dma_wait3A_567 : memref<128x8xf32, #tpu.memory_space<vmem>>)
    %dma_wait3A_573 = arith.constant 384 : i32
    %dma_wait3A_574 = arith.constant 0 : i32
    %dma_wait3A_575 = tpu.memref_slice %arg55[%dma_wait3A_573, %dma_wait3A_574] : memref<512x8xf32, #tpu.memory_space<vmem>> -> memref<128x8xf32, #tpu.memory_space<vmem>>
    %dma_wait3A_576 = arith.constant 384 : i32
    %dma_wait3A_577 = tpu.memref_slice %arg43[%dma_wait3A_576] : memref<512xi32, #tpu.memory_space<vmem>> -> memref<128xi32, #tpu.memory_space<vmem>>
    %dma_wait3A_578 = arith.constant 0 : i32
    %dma_wait3A_579 = arith.constant 0 : i32
    %dma_wait3A_580 = tpu.memref_slice %arg19[%dma_wait3A_578, %dma_wait3A_579] : memref<4x8xf32, #tpu.memory_space<hbm>> -> memref<4x8xf32, #tpu.memory_space<hbm>>
    tpu.wait_indirect_dma semaphore(%arg59 : memref<!tpu.dma_semaphore, #tpu.memory_space<semaphore_mem>>) src(%dma_wait3A_580 : memref<4x8xf32, #tpu.memory_space<hbm>>) dst(%dma_wait3A_575 : memref<128x8xf32, #tpu.memory_space<vmem>>)
    %dma_start3A_581 = arith.constant 0 : i32
    %dma_start3A_582 = arith.constant 0 : i32
    %dma_start3A_583 = tpu.memref_slice %arg56[%dma_start3A_581, %dma_start3A_582] : memref<512x8xf32, #tpu.memory_space<vmem>> -> memref<128x8xf32, #tpu.memory_space<vmem>>
    %dma_start3A_584 = arith.constant 0 : i32
    %dma_start3A_585 = tpu.memref_slice %arg44[%dma_start3A_584] : memref<512xi32, #tpu.memory_space<vmem>> -> memref<128xi32, #tpu.memory_space<vmem>>
    %dma_start3A_586 = arith.constant 0 : i32
    %dma_start3A_587 = arith.constant 0 : i32
    %dma_start3A_588 = tpu.memref_slice %arg20[%dma_start3A_586, %dma_start3A_587] : memref<30x8xf32, #tpu.memory_space<hbm>> -> memref<30x8xf32, #tpu.memory_space<hbm>>
    tpu.enqueue_indirect_dma source(%dma_start3A_588 : memref<30x8xf32, #tpu.memory_space<hbm>>) target(%dma_start3A_583 : memref<128x8xf32, #tpu.memory_space<vmem>>) offsets(%dma_start3A_585 : memref<128xi32, #tpu.memory_space<vmem>>) semaphore(%arg59 : memref<!tpu.dma_semaphore, #tpu.memory_space<semaphore_mem>>)
    %dma_start3A_589 = arith.constant 128 : i32
    %dma_start3A_590 = arith.constant 0 : i32
    %dma_start3A_591 = tpu.memref_slice %arg56[%dma_start3A_589, %dma_start3A_590] : memref<512x8xf32, #tpu.memory_space<vmem>> -> memref<128x8xf32, #tpu.memory_space<vmem>>
    %dma_start3A_592 = arith.constant 128 : i32
    %dma_start3A_593 = tpu.memref_slice %arg44[%dma_start3A_592] : memref<512xi32, #tpu.memory_space<vmem>> -> memref<128xi32, #tpu.memory_space<vmem>>
    %dma_start3A_594 = arith.constant 0 : i32
    %dma_start3A_595 = arith.constant 0 : i32
    %dma_start3A_596 = tpu.memref_slice %arg20[%dma_start3A_594, %dma_start3A_595] : memref<30x8xf32, #tpu.memory_space<hbm>> -> memref<30x8xf32, #tpu.memory_space<hbm>>
    tpu.enqueue_indirect_dma source(%dma_start3A_596 : memref<30x8xf32, #tpu.memory_space<hbm>>) target(%dma_start3A_591 : memref<128x8xf32, #tpu.memory_space<vmem>>) offsets(%dma_start3A_593 : memref<128xi32, #tpu.memory_space<vmem>>) semaphore(%arg59 : memref<!tpu.dma_semaphore, #tpu.memory_space<semaphore_mem>>)
    %dma_start3A_597 = arith.constant 256 : i32
    %dma_start3A_598 = arith.constant 0 : i32
    %dma_start3A_599 = tpu.memref_slice %arg56[%dma_start3A_597, %dma_start3A_598] : memref<512x8xf32, #tpu.memory_space<vmem>> -> memref<128x8xf32, #tpu.memory_space<vmem>>
    %dma_start3A_600 = arith.constant 256 : i32
    %dma_start3A_601 = tpu.memref_slice %arg44[%dma_start3A_600] : memref<512xi32, #tpu.memory_space<vmem>> -> memref<128xi32, #tpu.memory_space<vmem>>
    %dma_start3A_602 = arith.constant 0 : i32
    %dma_start3A_603 = arith.constant 0 : i32
    %dma_start3A_604 = tpu.memref_slice %arg20[%dma_start3A_602, %dma_start3A_603] : memref<30x8xf32, #tpu.memory_space<hbm>> -> memref<30x8xf32, #tpu.memory_space<hbm>>
    tpu.enqueue_indirect_dma source(%dma_start3A_604 : memref<30x8xf32, #tpu.memory_space<hbm>>) target(%dma_start3A_599 : memref<128x8xf32, #tpu.memory_space<vmem>>) offsets(%dma_start3A_601 : memref<128xi32, #tpu.memory_space<vmem>>) semaphore(%arg59 : memref<!tpu.dma_semaphore, #tpu.memory_space<semaphore_mem>>)
    %dma_start3A_605 = arith.constant 384 : i32
    %dma_start3A_606 = arith.constant 0 : i32
    %dma_start3A_607 = tpu.memref_slice %arg56[%dma_start3A_605, %dma_start3A_606] : memref<512x8xf32, #tpu.memory_space<vmem>> -> memref<128x8xf32, #tpu.memory_space<vmem>>
    %dma_start3A_608 = arith.constant 384 : i32
    %dma_start3A_609 = tpu.memref_slice %arg44[%dma_start3A_608] : memref<512xi32, #tpu.memory_space<vmem>> -> memref<128xi32, #tpu.memory_space<vmem>>
    %dma_start3A_610 = arith.constant 0 : i32
    %dma_start3A_611 = arith.constant 0 : i32
    %dma_start3A_612 = tpu.memref_slice %arg20[%dma_start3A_610, %dma_start3A_611] : memref<30x8xf32, #tpu.memory_space<hbm>> -> memref<30x8xf32, #tpu.memory_space<hbm>>
    tpu.enqueue_indirect_dma source(%dma_start3A_612 : memref<30x8xf32, #tpu.memory_space<hbm>>) target(%dma_start3A_607 : memref<128x8xf32, #tpu.memory_space<vmem>>) offsets(%dma_start3A_609 : memref<128xi32, #tpu.memory_space<vmem>>) semaphore(%arg59 : memref<!tpu.dma_semaphore, #tpu.memory_space<semaphore_mem>>)
    %dma_wait3A_613 = arith.constant 0 : i32
    %dma_wait3A_614 = arith.constant 0 : i32
    %dma_wait3A_615 = tpu.memref_slice %arg56[%dma_wait3A_613, %dma_wait3A_614] : memref<512x8xf32, #tpu.memory_space<vmem>> -> memref<128x8xf32, #tpu.memory_space<vmem>>
    %dma_wait3A_616 = arith.constant 0 : i32
    %dma_wait3A_617 = tpu.memref_slice %arg44[%dma_wait3A_616] : memref<512xi32, #tpu.memory_space<vmem>> -> memref<128xi32, #tpu.memory_space<vmem>>
    %dma_wait3A_618 = arith.constant 0 : i32
    %dma_wait3A_619 = arith.constant 0 : i32
    %dma_wait3A_620 = tpu.memref_slice %arg20[%dma_wait3A_618, %dma_wait3A_619] : memref<30x8xf32, #tpu.memory_space<hbm>> -> memref<30x8xf32, #tpu.memory_space<hbm>>
    tpu.wait_indirect_dma semaphore(%arg59 : memref<!tpu.dma_semaphore, #tpu.memory_space<semaphore_mem>>) src(%dma_wait3A_620 : memref<30x8xf32, #tpu.memory_space<hbm>>) dst(%dma_wait3A_615 : memref<128x8xf32, #tpu.memory_space<vmem>>)
    %dma_wait3A_621 = arith.constant 128 : i32
    %dma_wait3A_622 = arith.constant 0 : i32
    %dma_wait3A_623 = tpu.memref_slice %arg56[%dma_wait3A_621, %dma_wait3A_622] : memref<512x8xf32, #tpu.memory_space<vmem>> -> memref<128x8xf32, #tpu.memory_space<vmem>>
    %dma_wait3A_624 = arith.constant 128 : i32
    %dma_wait3A_625 = tpu.memref_slice %arg44[%dma_wait3A_624] : memref<512xi32, #tpu.memory_space<vmem>> -> memref<128xi32, #tpu.memory_space<vmem>>
    %dma_wait3A_626 = arith.constant 0 : i32
    %dma_wait3A_627 = arith.constant 0 : i32
    %dma_wait3A_628 = tpu.memref_slice %arg20[%dma_wait3A_626, %dma_wait3A_627] : memref<30x8xf32, #tpu.memory_space<hbm>> -> memref<30x8xf32, #tpu.memory_space<hbm>>
    tpu.wait_indirect_dma semaphore(%arg59 : memref<!tpu.dma_semaphore, #tpu.memory_space<semaphore_mem>>) src(%dma_wait3A_628 : memref<30x8xf32, #tpu.memory_space<hbm>>) dst(%dma_wait3A_623 : memref<128x8xf32, #tpu.memory_space<vmem>>)
    %dma_wait3A_629 = arith.constant 256 : i32
    %dma_wait3A_630 = arith.constant 0 : i32
    %dma_wait3A_631 = tpu.memref_slice %arg56[%dma_wait3A_629, %dma_wait3A_630] : memref<512x8xf32, #tpu.memory_space<vmem>> -> memref<128x8xf32, #tpu.memory_space<vmem>>
    %dma_wait3A_632 = arith.constant 256 : i32
    %dma_wait3A_633 = tpu.memref_slice %arg44[%dma_wait3A_632] : memref<512xi32, #tpu.memory_space<vmem>> -> memref<128xi32, #tpu.memory_space<vmem>>
    %dma_wait3A_634 = arith.constant 0 : i32
    %dma_wait3A_635 = arith.constant 0 : i32
    %dma_wait3A_636 = tpu.memref_slice %arg20[%dma_wait3A_634, %dma_wait3A_635] : memref<30x8xf32, #tpu.memory_space<hbm>> -> memref<30x8xf32, #tpu.memory_space<hbm>>
    tpu.wait_indirect_dma semaphore(%arg59 : memref<!tpu.dma_semaphore, #tpu.memory_space<semaphore_mem>>) src(%dma_wait3A_636 : memref<30x8xf32, #tpu.memory_space<hbm>>) dst(%dma_wait3A_631 : memref<128x8xf32, #tpu.memory_space<vmem>>)
    %dma_wait3A_637 = arith.constant 384 : i32
    %dma_wait3A_638 = arith.constant 0 : i32
    %dma_wait3A_639 = tpu.memref_slice %arg56[%dma_wait3A_637, %dma_wait3A_638] : memref<512x8xf32, #tpu.memory_space<vmem>> -> memref<128x8xf32, #tpu.memory_space<vmem>>
    %dma_wait3A_640 = arith.constant 384 : i32
    %dma_wait3A_641 = tpu.memref_slice %arg44[%dma_wait3A_640] : memref<512xi32, #tpu.memory_space<vmem>> -> memref<128xi32, #tpu.memory_space<vmem>>
    %dma_wait3A_642 = arith.constant 0 : i32
    %dma_wait3A_643 = arith.constant 0 : i32
    %dma_wait3A_644 = tpu.memref_slice %arg20[%dma_wait3A_642, %dma_wait3A_643] : memref<30x8xf32, #tpu.memory_space<hbm>> -> memref<30x8xf32, #tpu.memory_space<hbm>>
    tpu.wait_indirect_dma semaphore(%arg59 : memref<!tpu.dma_semaphore, #tpu.memory_space<semaphore_mem>>) src(%dma_wait3A_644 : memref<30x8xf32, #tpu.memory_space<hbm>>) dst(%dma_wait3A_639 : memref<128x8xf32, #tpu.memory_space<vmem>>)
    %dma_start3A_645 = arith.constant 0 : i32
    %dma_start3A_646 = arith.constant 0 : i32
    %dma_start3A_647 = tpu.memref_slice %arg57[%dma_start3A_645, %dma_start3A_646] : memref<512x8xf32, #tpu.memory_space<vmem>> -> memref<128x8xf32, #tpu.memory_space<vmem>>
    %dma_start3A_648 = arith.constant 0 : i32
    %dma_start3A_649 = tpu.memref_slice %arg45[%dma_start3A_648] : memref<512xi32, #tpu.memory_space<vmem>> -> memref<128xi32, #tpu.memory_space<vmem>>
    %dma_start3A_650 = arith.constant 0 : i32
    %dma_start3A_651 = arith.constant 0 : i32
    %dma_start3A_652 = tpu.memref_slice %arg21[%dma_start3A_650, %dma_start3A_651] : memref<300x8xf32, #tpu.memory_space<hbm>> -> memref<300x8xf32, #tpu.memory_space<hbm>>
    tpu.enqueue_indirect_dma source(%dma_start3A_652 : memref<300x8xf32, #tpu.memory_space<hbm>>) target(%dma_start3A_647 : memref<128x8xf32, #tpu.memory_space<vmem>>) offsets(%dma_start3A_649 : memref<128xi32, #tpu.memory_space<vmem>>) semaphore(%arg59 : memref<!tpu.dma_semaphore, #tpu.memory_space<semaphore_mem>>)
    %dma_start3A_653 = arith.constant 128 : i32
    %dma_start3A_654 = arith.constant 0 : i32
    %dma_start3A_655 = tpu.memref_slice %arg57[%dma_start3A_653, %dma_start3A_654] : memref<512x8xf32, #tpu.memory_space<vmem>> -> memref<128x8xf32, #tpu.memory_space<vmem>>
    %dma_start3A_656 = arith.constant 128 : i32
    %dma_start3A_657 = tpu.memref_slice %arg45[%dma_start3A_656] : memref<512xi32, #tpu.memory_space<vmem>> -> memref<128xi32, #tpu.memory_space<vmem>>
    %dma_start3A_658 = arith.constant 0 : i32
    %dma_start3A_659 = arith.constant 0 : i32
    %dma_start3A_660 = tpu.memref_slice %arg21[%dma_start3A_658, %dma_start3A_659] : memref<300x8xf32, #tpu.memory_space<hbm>> -> memref<300x8xf32, #tpu.memory_space<hbm>>
    tpu.enqueue_indirect_dma source(%dma_start3A_660 : memref<300x8xf32, #tpu.memory_space<hbm>>) target(%dma_start3A_655 : memref<128x8xf32, #tpu.memory_space<vmem>>) offsets(%dma_start3A_657 : memref<128xi32, #tpu.memory_space<vmem>>) semaphore(%arg59 : memref<!tpu.dma_semaphore, #tpu.memory_space<semaphore_mem>>)
    %dma_start3A_661 = arith.constant 256 : i32
    %dma_start3A_662 = arith.constant 0 : i32
    %dma_start3A_663 = tpu.memref_slice %arg57[%dma_start3A_661, %dma_start3A_662] : memref<512x8xf32, #tpu.memory_space<vmem>> -> memref<128x8xf32, #tpu.memory_space<vmem>>
    %dma_start3A_664 = arith.constant 256 : i32
    %dma_start3A_665 = tpu.memref_slice %arg45[%dma_start3A_664] : memref<512xi32, #tpu.memory_space<vmem>> -> memref<128xi32, #tpu.memory_space<vmem>>
    %dma_start3A_666 = arith.constant 0 : i32
    %dma_start3A_667 = arith.constant 0 : i32
    %dma_start3A_668 = tpu.memref_slice %arg21[%dma_start3A_666, %dma_start3A_667] : memref<300x8xf32, #tpu.memory_space<hbm>> -> memref<300x8xf32, #tpu.memory_space<hbm>>
    tpu.enqueue_indirect_dma source(%dma_start3A_668 : memref<300x8xf32, #tpu.memory_space<hbm>>) target(%dma_start3A_663 : memref<128x8xf32, #tpu.memory_space<vmem>>) offsets(%dma_start3A_665 : memref<128xi32, #tpu.memory_space<vmem>>) semaphore(%arg59 : memref<!tpu.dma_semaphore, #tpu.memory_space<semaphore_mem>>)
    %dma_start3A_669 = arith.constant 384 : i32
    %dma_start3A_670 = arith.constant 0 : i32
    %dma_start3A_671 = tpu.memref_slice %arg57[%dma_start3A_669, %dma_start3A_670] : memref<512x8xf32, #tpu.memory_space<vmem>> -> memref<128x8xf32, #tpu.memory_space<vmem>>
    %dma_start3A_672 = arith.constant 384 : i32
    %dma_start3A_673 = tpu.memref_slice %arg45[%dma_start3A_672] : memref<512xi32, #tpu.memory_space<vmem>> -> memref<128xi32, #tpu.memory_space<vmem>>
    %dma_start3A_674 = arith.constant 0 : i32
    %dma_start3A_675 = arith.constant 0 : i32
    %dma_start3A_676 = tpu.memref_slice %arg21[%dma_start3A_674, %dma_start3A_675] : memref<300x8xf32, #tpu.memory_space<hbm>> -> memref<300x8xf32, #tpu.memory_space<hbm>>
    tpu.enqueue_indirect_dma source(%dma_start3A_676 : memref<300x8xf32, #tpu.memory_space<hbm>>) target(%dma_start3A_671 : memref<128x8xf32, #tpu.memory_space<vmem>>) offsets(%dma_start3A_673 : memref<128xi32, #tpu.memory_space<vmem>>) semaphore(%arg59 : memref<!tpu.dma_semaphore, #tpu.memory_space<semaphore_mem>>)
    %dma_wait3A_677 = arith.constant 0 : i32
    %dma_wait3A_678 = arith.constant 0 : i32
    %dma_wait3A_679 = tpu.memref_slice %arg57[%dma_wait3A_677, %dma_wait3A_678] : memref<512x8xf32, #tpu.memory_space<vmem>> -> memref<128x8xf32, #tpu.memory_space<vmem>>
    %dma_wait3A_680 = arith.constant 0 : i32
    %dma_wait3A_681 = tpu.memref_slice %arg45[%dma_wait3A_680] : memref<512xi32, #tpu.memory_space<vmem>> -> memref<128xi32, #tpu.memory_space<vmem>>
    %dma_wait3A_682 = arith.constant 0 : i32
    %dma_wait3A_683 = arith.constant 0 : i32
    %dma_wait3A_684 = tpu.memref_slice %arg21[%dma_wait3A_682, %dma_wait3A_683] : memref<300x8xf32, #tpu.memory_space<hbm>> -> memref<300x8xf32, #tpu.memory_space<hbm>>
    tpu.wait_indirect_dma semaphore(%arg59 : memref<!tpu.dma_semaphore, #tpu.memory_space<semaphore_mem>>) src(%dma_wait3A_684 : memref<300x8xf32, #tpu.memory_space<hbm>>) dst(%dma_wait3A_679 : memref<128x8xf32, #tpu.memory_space<vmem>>)
    %dma_wait3A_685 = arith.constant 128 : i32
    %dma_wait3A_686 = arith.constant 0 : i32
    %dma_wait3A_687 = tpu.memref_slice %arg57[%dma_wait3A_685, %dma_wait3A_686] : memref<512x8xf32, #tpu.memory_space<vmem>> -> memref<128x8xf32, #tpu.memory_space<vmem>>
    %dma_wait3A_688 = arith.constant 128 : i32
    %dma_wait3A_689 = tpu.memref_slice %arg45[%dma_wait3A_688] : memref<512xi32, #tpu.memory_space<vmem>> -> memref<128xi32, #tpu.memory_space<vmem>>
    %dma_wait3A_690 = arith.constant 0 : i32
    %dma_wait3A_691 = arith.constant 0 : i32
    %dma_wait3A_692 = tpu.memref_slice %arg21[%dma_wait3A_690, %dma_wait3A_691] : memref<300x8xf32, #tpu.memory_space<hbm>> -> memref<300x8xf32, #tpu.memory_space<hbm>>
    tpu.wait_indirect_dma semaphore(%arg59 : memref<!tpu.dma_semaphore, #tpu.memory_space<semaphore_mem>>) src(%dma_wait3A_692 : memref<300x8xf32, #tpu.memory_space<hbm>>) dst(%dma_wait3A_687 : memref<128x8xf32, #tpu.memory_space<vmem>>)
    %dma_wait3A_693 = arith.constant 256 : i32
    %dma_wait3A_694 = arith.constant 0 : i32
    %dma_wait3A_695 = tpu.memref_slice %arg57[%dma_wait3A_693, %dma_wait3A_694] : memref<512x8xf32, #tpu.memory_space<vmem>> -> memref<128x8xf32, #tpu.memory_space<vmem>>
    %dma_wait3A_696 = arith.constant 256 : i32
    %dma_wait3A_697 = tpu.memref_slice %arg45[%dma_wait3A_696] : memref<512xi32, #tpu.memory_space<vmem>> -> memref<128xi32, #tpu.memory_space<vmem>>
    %dma_wait3A_698 = arith.constant 0 : i32
    %dma_wait3A_699 = arith.constant 0 : i32
    %dma_wait3A_700 = tpu.memref_slice %arg21[%dma_wait3A_698, %dma_wait3A_699] : memref<300x8xf32, #tpu.memory_space<hbm>> -> memref<300x8xf32, #tpu.memory_space<hbm>>
    tpu.wait_indirect_dma semaphore(%arg59 : memref<!tpu.dma_semaphore, #tpu.memory_space<semaphore_mem>>) src(%dma_wait3A_700 : memref<300x8xf32, #tpu.memory_space<hbm>>) dst(%dma_wait3A_695 : memref<128x8xf32, #tpu.memory_space<vmem>>)
    %dma_wait3A_701 = arith.constant 384 : i32
    %dma_wait3A_702 = arith.constant 0 : i32
    %dma_wait3A_703 = tpu.memref_slice %arg57[%dma_wait3A_701, %dma_wait3A_702] : memref<512x8xf32, #tpu.memory_space<vmem>> -> memref<128x8xf32, #tpu.memory_space<vmem>>
    %dma_wait3A_704 = arith.constant 384 : i32
    %dma_wait3A_705 = tpu.memref_slice %arg45[%dma_wait3A_704] : memref<512xi32, #tpu.memory_space<vmem>> -> memref<128xi32, #tpu.memory_space<vmem>>
    %dma_wait3A_706 = arith.constant 0 : i32
    %dma_wait3A_707 = arith.constant 0 : i32
    %dma_wait3A_708 = tpu.memref_slice %arg21[%dma_wait3A_706, %dma_wait3A_707] : memref<300x8xf32, #tpu.memory_space<hbm>> -> memref<300x8xf32, #tpu.memory_space<hbm>>
    tpu.wait_indirect_dma semaphore(%arg59 : memref<!tpu.dma_semaphore, #tpu.memory_space<semaphore_mem>>) src(%dma_wait3A_708 : memref<300x8xf32, #tpu.memory_space<hbm>>) dst(%dma_wait3A_703 : memref<128x8xf32, #tpu.memory_space<vmem>>)
    %dma_start3A_709 = arith.constant 0 : i32
    %dma_start3A_710 = arith.constant 0 : i32
    %dma_start3A_711 = tpu.memref_slice %arg58[%dma_start3A_709, %dma_start3A_710] : memref<512x8xf32, #tpu.memory_space<vmem>> -> memref<128x8xf32, #tpu.memory_space<vmem>>
    %dma_start3A_712 = arith.constant 0 : i32
    %dma_start3A_713 = tpu.memref_slice %arg46[%dma_start3A_712] : memref<512xi32, #tpu.memory_space<vmem>> -> memref<128xi32, #tpu.memory_space<vmem>>
    %dma_start3A_714 = arith.constant 0 : i32
    %dma_start3A_715 = arith.constant 0 : i32
    %dma_start3A_716 = tpu.memref_slice %arg22[%dma_start3A_714, %dma_start3A_715] : memref<96x8xf32, #tpu.memory_space<hbm>> -> memref<96x8xf32, #tpu.memory_space<hbm>>
    tpu.enqueue_indirect_dma source(%dma_start3A_716 : memref<96x8xf32, #tpu.memory_space<hbm>>) target(%dma_start3A_711 : memref<128x8xf32, #tpu.memory_space<vmem>>) offsets(%dma_start3A_713 : memref<128xi32, #tpu.memory_space<vmem>>) semaphore(%arg59 : memref<!tpu.dma_semaphore, #tpu.memory_space<semaphore_mem>>)
    %dma_start3A_717 = arith.constant 128 : i32
    %dma_start3A_718 = arith.constant 0 : i32
    %dma_start3A_719 = tpu.memref_slice %arg58[%dma_start3A_717, %dma_start3A_718] : memref<512x8xf32, #tpu.memory_space<vmem>> -> memref<128x8xf32, #tpu.memory_space<vmem>>
    %dma_start3A_720 = arith.constant 128 : i32
    %dma_start3A_721 = tpu.memref_slice %arg46[%dma_start3A_720] : memref<512xi32, #tpu.memory_space<vmem>> -> memref<128xi32, #tpu.memory_space<vmem>>
    %dma_start3A_722 = arith.constant 0 : i32
    %dma_start3A_723 = arith.constant 0 : i32
    %dma_start3A_724 = tpu.memref_slice %arg22[%dma_start3A_722, %dma_start3A_723] : memref<96x8xf32, #tpu.memory_space<hbm>> -> memref<96x8xf32, #tpu.memory_space<hbm>>
    tpu.enqueue_indirect_dma source(%dma_start3A_724 : memref<96x8xf32, #tpu.memory_space<hbm>>) target(%dma_start3A_719 : memref<128x8xf32, #tpu.memory_space<vmem>>) offsets(%dma_start3A_721 : memref<128xi32, #tpu.memory_space<vmem>>) semaphore(%arg59 : memref<!tpu.dma_semaphore, #tpu.memory_space<semaphore_mem>>)
    %dma_start3A_725 = arith.constant 256 : i32
    %dma_start3A_726 = arith.constant 0 : i32
    %dma_start3A_727 = tpu.memref_slice %arg58[%dma_start3A_725, %dma_start3A_726] : memref<512x8xf32, #tpu.memory_space<vmem>> -> memref<128x8xf32, #tpu.memory_space<vmem>>
    %dma_start3A_728 = arith.constant 256 : i32
    %dma_start3A_729 = tpu.memref_slice %arg46[%dma_start3A_728] : memref<512xi32, #tpu.memory_space<vmem>> -> memref<128xi32, #tpu.memory_space<vmem>>
    %dma_start3A_730 = arith.constant 0 : i32
    %dma_start3A_731 = arith.constant 0 : i32
    %dma_start3A_732 = tpu.memref_slice %arg22[%dma_start3A_730, %dma_start3A_731] : memref<96x8xf32, #tpu.memory_space<hbm>> -> memref<96x8xf32, #tpu.memory_space<hbm>>
    tpu.enqueue_indirect_dma source(%dma_start3A_732 : memref<96x8xf32, #tpu.memory_space<hbm>>) target(%dma_start3A_727 : memref<128x8xf32, #tpu.memory_space<vmem>>) offsets(%dma_start3A_729 : memref<128xi32, #tpu.memory_space<vmem>>) semaphore(%arg59 : memref<!tpu.dma_semaphore, #tpu.memory_space<semaphore_mem>>)
    %dma_start3A_733 = arith.constant 384 : i32
    %dma_start3A_734 = arith.constant 0 : i32
    %dma_start3A_735 = tpu.memref_slice %arg58[%dma_start3A_733, %dma_start3A_734] : memref<512x8xf32, #tpu.memory_space<vmem>> -> memref<128x8xf32, #tpu.memory_space<vmem>>
    %dma_start3A_736 = arith.constant 384 : i32
    %dma_start3A_737 = tpu.memref_slice %arg46[%dma_start3A_736] : memref<512xi32, #tpu.memory_space<vmem>> -> memref<128xi32, #tpu.memory_space<vmem>>
    %dma_start3A_738 = arith.constant 0 : i32
    %dma_start3A_739 = arith.constant 0 : i32
    %dma_start3A_740 = tpu.memref_slice %arg22[%dma_start3A_738, %dma_start3A_739] : memref<96x8xf32, #tpu.memory_space<hbm>> -> memref<96x8xf32, #tpu.memory_space<hbm>>
    tpu.enqueue_indirect_dma source(%dma_start3A_740 : memref<96x8xf32, #tpu.memory_space<hbm>>) target(%dma_start3A_735 : memref<128x8xf32, #tpu.memory_space<vmem>>) offsets(%dma_start3A_737 : memref<128xi32, #tpu.memory_space<vmem>>) semaphore(%arg59 : memref<!tpu.dma_semaphore, #tpu.memory_space<semaphore_mem>>)
    %dma_wait3A_741 = arith.constant 0 : i32
    %dma_wait3A_742 = arith.constant 0 : i32
    %dma_wait3A_743 = tpu.memref_slice %arg58[%dma_wait3A_741, %dma_wait3A_742] : memref<512x8xf32, #tpu.memory_space<vmem>> -> memref<128x8xf32, #tpu.memory_space<vmem>>
    %dma_wait3A_744 = arith.constant 0 : i32
    %dma_wait3A_745 = tpu.memref_slice %arg46[%dma_wait3A_744] : memref<512xi32, #tpu.memory_space<vmem>> -> memref<128xi32, #tpu.memory_space<vmem>>
    %dma_wait3A_746 = arith.constant 0 : i32
    %dma_wait3A_747 = arith.constant 0 : i32
    %dma_wait3A_748 = tpu.memref_slice %arg22[%dma_wait3A_746, %dma_wait3A_747] : memref<96x8xf32, #tpu.memory_space<hbm>> -> memref<96x8xf32, #tpu.memory_space<hbm>>
    tpu.wait_indirect_dma semaphore(%arg59 : memref<!tpu.dma_semaphore, #tpu.memory_space<semaphore_mem>>) src(%dma_wait3A_748 : memref<96x8xf32, #tpu.memory_space<hbm>>) dst(%dma_wait3A_743 : memref<128x8xf32, #tpu.memory_space<vmem>>)
    %dma_wait3A_749 = arith.constant 128 : i32
    %dma_wait3A_750 = arith.constant 0 : i32
    %dma_wait3A_751 = tpu.memref_slice %arg58[%dma_wait3A_749, %dma_wait3A_750] : memref<512x8xf32, #tpu.memory_space<vmem>> -> memref<128x8xf32, #tpu.memory_space<vmem>>
    %dma_wait3A_752 = arith.constant 128 : i32
    %dma_wait3A_753 = tpu.memref_slice %arg46[%dma_wait3A_752] : memref<512xi32, #tpu.memory_space<vmem>> -> memref<128xi32, #tpu.memory_space<vmem>>
    %dma_wait3A_754 = arith.constant 0 : i32
    %dma_wait3A_755 = arith.constant 0 : i32
    %dma_wait3A_756 = tpu.memref_slice %arg22[%dma_wait3A_754, %dma_wait3A_755] : memref<96x8xf32, #tpu.memory_space<hbm>> -> memref<96x8xf32, #tpu.memory_space<hbm>>
    tpu.wait_indirect_dma semaphore(%arg59 : memref<!tpu.dma_semaphore, #tpu.memory_space<semaphore_mem>>) src(%dma_wait3A_756 : memref<96x8xf32, #tpu.memory_space<hbm>>) dst(%dma_wait3A_751 : memref<128x8xf32, #tpu.memory_space<vmem>>)
    %dma_wait3A_757 = arith.constant 256 : i32
    %dma_wait3A_758 = arith.constant 0 : i32
    %dma_wait3A_759 = tpu.memref_slice %arg58[%dma_wait3A_757, %dma_wait3A_758] : memref<512x8xf32, #tpu.memory_space<vmem>> -> memref<128x8xf32, #tpu.memory_space<vmem>>
    %dma_wait3A_760 = arith.constant 256 : i32
    %dma_wait3A_761 = tpu.memref_slice %arg46[%dma_wait3A_760] : memref<512xi32, #tpu.memory_space<vmem>> -> memref<128xi32, #tpu.memory_space<vmem>>
    %dma_wait3A_762 = arith.constant 0 : i32
    %dma_wait3A_763 = arith.constant 0 : i32
    %dma_wait3A_764 = tpu.memref_slice %arg22[%dma_wait3A_762, %dma_wait3A_763] : memref<96x8xf32, #tpu.memory_space<hbm>> -> memref<96x8xf32, #tpu.memory_space<hbm>>
    tpu.wait_indirect_dma semaphore(%arg59 : memref<!tpu.dma_semaphore, #tpu.memory_space<semaphore_mem>>) src(%dma_wait3A_764 : memref<96x8xf32, #tpu.memory_space<hbm>>) dst(%dma_wait3A_759 : memref<128x8xf32, #tpu.memory_space<vmem>>)
    %dma_wait3A_765 = arith.constant 384 : i32
    %dma_wait3A_766 = arith.constant 0 : i32
    %dma_wait3A_767 = tpu.memref_slice %arg58[%dma_wait3A_765, %dma_wait3A_766] : memref<512x8xf32, #tpu.memory_space<vmem>> -> memref<128x8xf32, #tpu.memory_space<vmem>>
    %dma_wait3A_768 = arith.constant 384 : i32
    %dma_wait3A_769 = tpu.memref_slice %arg46[%dma_wait3A_768] : memref<512xi32, #tpu.memory_space<vmem>> -> memref<128xi32, #tpu.memory_space<vmem>>
    %dma_wait3A_770 = arith.constant 0 : i32
    %dma_wait3A_771 = arith.constant 0 : i32
    %dma_wait3A_772 = tpu.memref_slice %arg22[%dma_wait3A_770, %dma_wait3A_771] : memref<96x8xf32, #tpu.memory_space<hbm>> -> memref<96x8xf32, #tpu.memory_space<hbm>>
    tpu.wait_indirect_dma semaphore(%arg59 : memref<!tpu.dma_semaphore, #tpu.memory_space<semaphore_mem>>) src(%dma_wait3A_772 : memref<96x8xf32, #tpu.memory_space<hbm>>) dst(%dma_wait3A_767 : memref<128x8xf32, #tpu.memory_space<vmem>>)
    "tpu.region"() ({
      %run_scoped3A = tpu.sem_alloc : memref<!tpu.dma_semaphore, #tpu.memory_space<semaphore_mem>>
      %dma_start3A_773 = arith.constant 0 : i32
      %dma_start3A_774 = tpu.memref_slice %arg23[%mul3A_2, %dma_start3A_773] : memref<16384x16xf32, #tpu.memory_space<hbm>> -> memref<512x16xf32, #tpu.memory_space<hbm>>
      %dma_start3A_775 = arith.constant 0 : i32
      %dma_start3A_776 = tpu.memref_slice %arg23[%mul3A_2, %dma_start3A_775] : memref<16384x16xf32, #tpu.memory_space<hbm>> -> memref<512x16xf32, #tpu.memory_space<hbm>>
      tpu.enqueue_dma source(%arg47 : memref<512x16xf32, #tpu.memory_space<vmem>>) target(%dma_start3A_776 : memref<512x16xf32, #tpu.memory_space<hbm>>) target_semaphore(%run_scoped3A : memref<!tpu.dma_semaphore, #tpu.memory_space<semaphore_mem>>)
      %dma_wait3A_777 = arith.constant 0 : i32
      %dma_wait3A_778 = tpu.memref_slice %arg23[%mul3A_2, %dma_wait3A_777] : memref<16384x16xf32, #tpu.memory_space<hbm>> -> memref<512x16xf32, #tpu.memory_space<hbm>>
      %dma_wait3A_779 = arith.constant 0 : i32
      %dma_wait3A_780 = tpu.memref_slice %arg23[%mul3A_2, %dma_wait3A_779] : memref<16384x16xf32, #tpu.memory_space<hbm>> -> memref<512x16xf32, #tpu.memory_space<hbm>>
      tpu.wait_dma2 semaphore(%run_scoped3A : memref<!tpu.dma_semaphore, #tpu.memory_space<semaphore_mem>>) src(%arg47 : memref<512x16xf32, #tpu.memory_space<vmem>>) dst(%dma_wait3A_780 : memref<512x16xf32, #tpu.memory_space<hbm>>)
      tpu.yield
    }) : () -> ()
    "tpu.region"() ({
      %run_scoped3A = tpu.sem_alloc : memref<!tpu.dma_semaphore, #tpu.memory_space<semaphore_mem>>
      %dma_start3A_773 = arith.constant 0 : i32
      %dma_start3A_774 = tpu.memref_slice %arg24[%mul3A_2, %dma_start3A_773] : memref<16384x16xf32, #tpu.memory_space<hbm>> -> memref<512x16xf32, #tpu.memory_space<hbm>>
      %dma_start3A_775 = arith.constant 0 : i32
      %dma_start3A_776 = tpu.memref_slice %arg24[%mul3A_2, %dma_start3A_775] : memref<16384x16xf32, #tpu.memory_space<hbm>> -> memref<512x16xf32, #tpu.memory_space<hbm>>
      tpu.enqueue_dma source(%arg48 : memref<512x16xf32, #tpu.memory_space<vmem>>) target(%dma_start3A_776 : memref<512x16xf32, #tpu.memory_space<hbm>>) target_semaphore(%run_scoped3A : memref<!tpu.dma_semaphore, #tpu.memory_space<semaphore_mem>>)
      %dma_wait3A_777 = arith.constant 0 : i32
      %dma_wait3A_778 = tpu.memref_slice %arg24[%mul3A_2, %dma_wait3A_777] : memref<16384x16xf32, #tpu.memory_space<hbm>> -> memref<512x16xf32, #tpu.memory_space<hbm>>
      %dma_wait3A_779 = arith.constant 0 : i32
      %dma_wait3A_780 = tpu.memref_slice %arg24[%mul3A_2, %dma_wait3A_779] : memref<16384x16xf32, #tpu.memory_space<hbm>> -> memref<512x16xf32, #tpu.memory_space<hbm>>
      tpu.wait_dma2 semaphore(%run_scoped3A : memref<!tpu.dma_semaphore, #tpu.memory_space<semaphore_mem>>) src(%arg48 : memref<512x16xf32, #tpu.memory_space<vmem>>) dst(%dma_wait3A_780 : memref<512x16xf32, #tpu.memory_space<hbm>>)
      tpu.yield
    }) : () -> ()
    "tpu.region"() ({
      %run_scoped3A = tpu.sem_alloc : memref<!tpu.dma_semaphore, #tpu.memory_space<semaphore_mem>>
      %dma_start3A_773 = arith.constant 0 : i32
      %dma_start3A_774 = tpu.memref_slice %arg25[%mul3A_2, %dma_start3A_773] : memref<16384x8xf32, #tpu.memory_space<hbm>> -> memref<512x8xf32, #tpu.memory_space<hbm>>
      %dma_start3A_775 = arith.constant 0 : i32
      %dma_start3A_776 = tpu.memref_slice %arg25[%mul3A_2, %dma_start3A_775] : memref<16384x8xf32, #tpu.memory_space<hbm>> -> memref<512x8xf32, #tpu.memory_space<hbm>>
      tpu.enqueue_dma source(%arg49 : memref<512x8xf32, #tpu.memory_space<vmem>>) target(%dma_start3A_776 : memref<512x8xf32, #tpu.memory_space<hbm>>) target_semaphore(%run_scoped3A : memref<!tpu.dma_semaphore, #tpu.memory_space<semaphore_mem>>)
      %dma_wait3A_777 = arith.constant 0 : i32
      %dma_wait3A_778 = tpu.memref_slice %arg25[%mul3A_2, %dma_wait3A_777] : memref<16384x8xf32, #tpu.memory_space<hbm>> -> memref<512x8xf32, #tpu.memory_space<hbm>>
      %dma_wait3A_779 = arith.constant 0 : i32
      %dma_wait3A_780 = tpu.memref_slice %arg25[%mul3A_2, %dma_wait3A_779] : memref<16384x8xf32, #tpu.memory_space<hbm>> -> memref<512x8xf32, #tpu.memory_space<hbm>>
      tpu.wait_dma2 semaphore(%run_scoped3A : memref<!tpu.dma_semaphore, #tpu.memory_space<semaphore_mem>>) src(%arg49 : memref<512x8xf32, #tpu.memory_space<vmem>>) dst(%dma_wait3A_780 : memref<512x8xf32, #tpu.memory_space<hbm>>)
      tpu.yield
    }) : () -> ()
    "tpu.region"() ({
      %run_scoped3A = tpu.sem_alloc : memref<!tpu.dma_semaphore, #tpu.memory_space<semaphore_mem>>
      %dma_start3A_773 = arith.constant 0 : i32
      %dma_start3A_774 = tpu.memref_slice %arg26[%mul3A_2, %dma_start3A_773] : memref<16384x8xf32, #tpu.memory_space<hbm>> -> memref<512x8xf32, #tpu.memory_space<hbm>>
      %dma_start3A_775 = arith.constant 0 : i32
      %dma_start3A_776 = tpu.memref_slice %arg26[%mul3A_2, %dma_start3A_775] : memref<16384x8xf32, #tpu.memory_space<hbm>> -> memref<512x8xf32, #tpu.memory_space<hbm>>
      tpu.enqueue_dma source(%arg50 : memref<512x8xf32, #tpu.memory_space<vmem>>) target(%dma_start3A_776 : memref<512x8xf32, #tpu.memory_space<hbm>>) target_semaphore(%run_scoped3A : memref<!tpu.dma_semaphore, #tpu.memory_space<semaphore_mem>>)
      %dma_wait3A_777 = arith.constant 0 : i32
      %dma_wait3A_778 = tpu.memref_slice %arg26[%mul3A_2, %dma_wait3A_777] : memref<16384x8xf32, #tpu.memory_space<hbm>> -> memref<512x8xf32, #tpu.memory_space<hbm>>
      %dma_wait3A_779 = arith.constant 0 : i32
      %dma_wait3A_780 = tpu.memref_slice %arg26[%mul3A_2, %dma_wait3A_779] : memref<16384x8xf32, #tpu.memory_space<hbm>> -> memref<512x8xf32, #tpu.memory_space<hbm>>
      tpu.wait_dma2 semaphore(%run_scoped3A : memref<!tpu.dma_semaphore, #tpu.memory_space<semaphore_mem>>) src(%arg50 : memref<512x8xf32, #tpu.memory_space<vmem>>) dst(%dma_wait3A_780 : memref<512x8xf32, #tpu.memory_space<hbm>>)
      tpu.yield
    }) : () -> ()
    "tpu.region"() ({
      %run_scoped3A = tpu.sem_alloc : memref<!tpu.dma_semaphore, #tpu.memory_space<semaphore_mem>>
      %dma_start3A_773 = arith.constant 0 : i32
      %dma_start3A_774 = tpu.memref_slice %arg27[%mul3A_2, %dma_start3A_773] : memref<16384x8xf32, #tpu.memory_space<hbm>> -> memref<512x8xf32, #tpu.memory_space<hbm>>
      %dma_start3A_775 = arith.constant 0 : i32
      %dma_start3A_776 = tpu.memref_slice %arg27[%mul3A_2, %dma_start3A_775] : memref<16384x8xf32, #tpu.memory_space<hbm>> -> memref<512x8xf32, #tpu.memory_space<hbm>>
      tpu.enqueue_dma source(%arg51 : memref<512x8xf32, #tpu.memory_space<vmem>>) target(%dma_start3A_776 : memref<512x8xf32, #tpu.memory_space<hbm>>) target_semaphore(%run_scoped3A : memref<!tpu.dma_semaphore, #tpu.memory_space<semaphore_mem>>)
      %dma_wait3A_777 = arith.constant 0 : i32
      %dma_wait3A_778 = tpu.memref_slice %arg27[%mul3A_2, %dma_wait3A_777] : memref<16384x8xf32, #tpu.memory_space<hbm>> -> memref<512x8xf32, #tpu.memory_space<hbm>>
      %dma_wait3A_779 = arith.constant 0 : i32
      %dma_wait3A_780 = tpu.memref_slice %arg27[%mul3A_2, %dma_wait3A_779] : memref<16384x8xf32, #tpu.memory_space<hbm>> -> memref<512x8xf32, #tpu.memory_space<hbm>>
      tpu.wait_dma2 semaphore(%run_scoped3A : memref<!tpu.dma_semaphore, #tpu.memory_space<semaphore_mem>>) src(%arg51 : memref<512x8xf32, #tpu.memory_space<vmem>>) dst(%dma_wait3A_780 : memref<512x8xf32, #tpu.memory_space<hbm>>)
      tpu.yield
    }) : () -> ()
    "tpu.region"() ({
      %run_scoped3A = tpu.sem_alloc : memref<!tpu.dma_semaphore, #tpu.memory_space<semaphore_mem>>
      %dma_start3A_773 = arith.constant 0 : i32
      %dma_start3A_774 = tpu.memref_slice %arg28[%mul3A_2, %dma_start3A_773] : memref<16384x8xf32, #tpu.memory_space<hbm>> -> memref<512x8xf32, #tpu.memory_space<hbm>>
      %dma_start3A_775 = arith.constant 0 : i32
      %dma_start3A_776 = tpu.memref_slice %arg28[%mul3A_2, %dma_start3A_775] : memref<16384x8xf32, #tpu.memory_space<hbm>> -> memref<512x8xf32, #tpu.memory_space<hbm>>
      tpu.enqueue_dma source(%arg52 : memref<512x8xf32, #tpu.memory_space<vmem>>) target(%dma_start3A_776 : memref<512x8xf32, #tpu.memory_space<hbm>>) target_semaphore(%run_scoped3A : memref<!tpu.dma_semaphore, #tpu.memory_space<semaphore_mem>>)
      %dma_wait3A_777 = arith.constant 0 : i32
      %dma_wait3A_778 = tpu.memref_slice %arg28[%mul3A_2, %dma_wait3A_777] : memref<16384x8xf32, #tpu.memory_space<hbm>> -> memref<512x8xf32, #tpu.memory_space<hbm>>
      %dma_wait3A_779 = arith.constant 0 : i32
      %dma_wait3A_780 = tpu.memref_slice %arg28[%mul3A_2, %dma_wait3A_779] : memref<16384x8xf32, #tpu.memory_space<hbm>> -> memref<512x8xf32, #tpu.memory_space<hbm>>
      tpu.wait_dma2 semaphore(%run_scoped3A : memref<!tpu.dma_semaphore, #tpu.memory_space<semaphore_mem>>) src(%arg52 : memref<512x8xf32, #tpu.memory_space<vmem>>) dst(%dma_wait3A_780 : memref<512x8xf32, #tpu.memory_space<hbm>>)
      tpu.yield
    }) : () -> ()
    "tpu.region"() ({
      %run_scoped3A = tpu.sem_alloc : memref<!tpu.dma_semaphore, #tpu.memory_space<semaphore_mem>>
      %dma_start3A_773 = arith.constant 0 : i32
      %dma_start3A_774 = tpu.memref_slice %arg29[%mul3A_2, %dma_start3A_773] : memref<16384x8xf32, #tpu.memory_space<hbm>> -> memref<512x8xf32, #tpu.memory_space<hbm>>
      %dma_start3A_775 = arith.constant 0 : i32
      %dma_start3A_776 = tpu.memref_slice %arg29[%mul3A_2, %dma_start3A_775] : memref<16384x8xf32, #tpu.memory_space<hbm>> -> memref<512x8xf32, #tpu.memory_space<hbm>>
      tpu.enqueue_dma source(%arg53 : memref<512x8xf32, #tpu.memory_space<vmem>>) target(%dma_start3A_776 : memref<512x8xf32, #tpu.memory_space<hbm>>) target_semaphore(%run_scoped3A : memref<!tpu.dma_semaphore, #tpu.memory_space<semaphore_mem>>)
      %dma_wait3A_777 = arith.constant 0 : i32
      %dma_wait3A_778 = tpu.memref_slice %arg29[%mul3A_2, %dma_wait3A_777] : memref<16384x8xf32, #tpu.memory_space<hbm>> -> memref<512x8xf32, #tpu.memory_space<hbm>>
      %dma_wait3A_779 = arith.constant 0 : i32
      %dma_wait3A_780 = tpu.memref_slice %arg29[%mul3A_2, %dma_wait3A_779] : memref<16384x8xf32, #tpu.memory_space<hbm>> -> memref<512x8xf32, #tpu.memory_space<hbm>>
      tpu.wait_dma2 semaphore(%run_scoped3A : memref<!tpu.dma_semaphore, #tpu.memory_space<semaphore_mem>>) src(%arg53 : memref<512x8xf32, #tpu.memory_space<vmem>>) dst(%dma_wait3A_780 : memref<512x8xf32, #tpu.memory_space<hbm>>)
      tpu.yield
    }) : () -> ()
    "tpu.region"() ({
      %run_scoped3A = tpu.sem_alloc : memref<!tpu.dma_semaphore, #tpu.memory_space<semaphore_mem>>
      %dma_start3A_773 = arith.constant 0 : i32
      %dma_start3A_774 = tpu.memref_slice %arg30[%mul3A_2, %dma_start3A_773] : memref<16384x8xf32, #tpu.memory_space<hbm>> -> memref<512x8xf32, #tpu.memory_space<hbm>>
      %dma_start3A_775 = arith.constant 0 : i32
      %dma_start3A_776 = tpu.memref_slice %arg30[%mul3A_2, %dma_start3A_775] : memref<16384x8xf32, #tpu.memory_space<hbm>> -> memref<512x8xf32, #tpu.memory_space<hbm>>
      tpu.enqueue_dma source(%arg54 : memref<512x8xf32, #tpu.memory_space<vmem>>) target(%dma_start3A_776 : memref<512x8xf32, #tpu.memory_space<hbm>>) target_semaphore(%run_scoped3A : memref<!tpu.dma_semaphore, #tpu.memory_space<semaphore_mem>>)
      %dma_wait3A_777 = arith.constant 0 : i32
      %dma_wait3A_778 = tpu.memref_slice %arg30[%mul3A_2, %dma_wait3A_777] : memref<16384x8xf32, #tpu.memory_space<hbm>> -> memref<512x8xf32, #tpu.memory_space<hbm>>
      %dma_wait3A_779 = arith.constant 0 : i32
      %dma_wait3A_780 = tpu.memref_slice %arg30[%mul3A_2, %dma_wait3A_779] : memref<16384x8xf32, #tpu.memory_space<hbm>> -> memref<512x8xf32, #tpu.memory_space<hbm>>
      tpu.wait_dma2 semaphore(%run_scoped3A : memref<!tpu.dma_semaphore, #tpu.memory_space<semaphore_mem>>) src(%arg54 : memref<512x8xf32, #tpu.memory_space<vmem>>) dst(%dma_wait3A_780 : memref<512x8xf32, #tpu.memory_space<hbm>>)
      tpu.yield
    }) : () -> ()
    "tpu.region"() ({
      %run_scoped3A = tpu.sem_alloc : memref<!tpu.dma_semaphore, #tpu.memory_space<semaphore_mem>>
      %dma_start3A_773 = arith.constant 0 : i32
      %dma_start3A_774 = tpu.memref_slice %arg31[%mul3A_2, %dma_start3A_773] : memref<16384x8xf32, #tpu.memory_space<hbm>> -> memref<512x8xf32, #tpu.memory_space<hbm>>
      %dma_start3A_775 = arith.constant 0 : i32
      %dma_start3A_776 = tpu.memref_slice %arg31[%mul3A_2, %dma_start3A_775] : memref<16384x8xf32, #tpu.memory_space<hbm>> -> memref<512x8xf32, #tpu.memory_space<hbm>>
      tpu.enqueue_dma source(%arg55 : memref<512x8xf32, #tpu.memory_space<vmem>>) target(%dma_start3A_776 : memref<512x8xf32, #tpu.memory_space<hbm>>) target_semaphore(%run_scoped3A : memref<!tpu.dma_semaphore, #tpu.memory_space<semaphore_mem>>)
      %dma_wait3A_777 = arith.constant 0 : i32
      %dma_wait3A_778 = tpu.memref_slice %arg31[%mul3A_2, %dma_wait3A_777] : memref<16384x8xf32, #tpu.memory_space<hbm>> -> memref<512x8xf32, #tpu.memory_space<hbm>>
      %dma_wait3A_779 = arith.constant 0 : i32
      %dma_wait3A_780 = tpu.memref_slice %arg31[%mul3A_2, %dma_wait3A_779] : memref<16384x8xf32, #tpu.memory_space<hbm>> -> memref<512x8xf32, #tpu.memory_space<hbm>>
      tpu.wait_dma2 semaphore(%run_scoped3A : memref<!tpu.dma_semaphore, #tpu.memory_space<semaphore_mem>>) src(%arg55 : memref<512x8xf32, #tpu.memory_space<vmem>>) dst(%dma_wait3A_780 : memref<512x8xf32, #tpu.memory_space<hbm>>)
      tpu.yield
    }) : () -> ()
    "tpu.region"() ({
      %run_scoped3A = tpu.sem_alloc : memref<!tpu.dma_semaphore, #tpu.memory_space<semaphore_mem>>
      %dma_start3A_773 = arith.constant 0 : i32
      %dma_start3A_774 = tpu.memref_slice %arg32[%mul3A_2, %dma_start3A_773] : memref<16384x8xf32, #tpu.memory_space<hbm>> -> memref<512x8xf32, #tpu.memory_space<hbm>>
      %dma_start3A_775 = arith.constant 0 : i32
      %dma_start3A_776 = tpu.memref_slice %arg32[%mul3A_2, %dma_start3A_775] : memref<16384x8xf32, #tpu.memory_space<hbm>> -> memref<512x8xf32, #tpu.memory_space<hbm>>
      tpu.enqueue_dma source(%arg56 : memref<512x8xf32, #tpu.memory_space<vmem>>) target(%dma_start3A_776 : memref<512x8xf32, #tpu.memory_space<hbm>>) target_semaphore(%run_scoped3A : memref<!tpu.dma_semaphore, #tpu.memory_space<semaphore_mem>>)
      %dma_wait3A_777 = arith.constant 0 : i32
      %dma_wait3A_778 = tpu.memref_slice %arg32[%mul3A_2, %dma_wait3A_777] : memref<16384x8xf32, #tpu.memory_space<hbm>> -> memref<512x8xf32, #tpu.memory_space<hbm>>
      %dma_wait3A_779 = arith.constant 0 : i32
      %dma_wait3A_780 = tpu.memref_slice %arg32[%mul3A_2, %dma_wait3A_779] : memref<16384x8xf32, #tpu.memory_space<hbm>> -> memref<512x8xf32, #tpu.memory_space<hbm>>
      tpu.wait_dma2 semaphore(%run_scoped3A : memref<!tpu.dma_semaphore, #tpu.memory_space<semaphore_mem>>) src(%arg56 : memref<512x8xf32, #tpu.memory_space<vmem>>) dst(%dma_wait3A_780 : memref<512x8xf32, #tpu.memory_space<hbm>>)
      tpu.yield
    }) : () -> ()
    "tpu.region"() ({
      %run_scoped3A = tpu.sem_alloc : memref<!tpu.dma_semaphore, #tpu.memory_space<semaphore_mem>>
      %dma_start3A_773 = arith.constant 0 : i32
      %dma_start3A_774 = tpu.memref_slice %arg33[%mul3A_2, %dma_start3A_773] : memref<16384x8xf32, #tpu.memory_space<hbm>> -> memref<512x8xf32, #tpu.memory_space<hbm>>
      %dma_start3A_775 = arith.constant 0 : i32
      %dma_start3A_776 = tpu.memref_slice %arg33[%mul3A_2, %dma_start3A_775] : memref<16384x8xf32, #tpu.memory_space<hbm>> -> memref<512x8xf32, #tpu.memory_space<hbm>>
      tpu.enqueue_dma source(%arg57 : memref<512x8xf32, #tpu.memory_space<vmem>>) target(%dma_start3A_776 : memref<512x8xf32, #tpu.memory_space<hbm>>) target_semaphore(%run_scoped3A : memref<!tpu.dma_semaphore, #tpu.memory_space<semaphore_mem>>)
      %dma_wait3A_777 = arith.constant 0 : i32
      %dma_wait3A_778 = tpu.memref_slice %arg33[%mul3A_2, %dma_wait3A_777] : memref<16384x8xf32, #tpu.memory_space<hbm>> -> memref<512x8xf32, #tpu.memory_space<hbm>>
      %dma_wait3A_779 = arith.constant 0 : i32
      %dma_wait3A_780 = tpu.memref_slice %arg33[%mul3A_2, %dma_wait3A_779] : memref<16384x8xf32, #tpu.memory_space<hbm>> -> memref<512x8xf32, #tpu.memory_space<hbm>>
      tpu.wait_dma2 semaphore(%run_scoped3A : memref<!tpu.dma_semaphore, #tpu.memory_space<semaphore_mem>>) src(%arg57 : memref<512x8xf32, #tpu.memory_space<vmem>>) dst(%dma_wait3A_780 : memref<512x8xf32, #tpu.memory_space<hbm>>)
      tpu.yield
    }) : () -> ()
    "tpu.region"() ({
      %run_scoped3A = tpu.sem_alloc : memref<!tpu.dma_semaphore, #tpu.memory_space<semaphore_mem>>
      %dma_start3A_773 = arith.constant 0 : i32
      %dma_start3A_774 = tpu.memref_slice %arg34[%mul3A_2, %dma_start3A_773] : memref<16384x8xf32, #tpu.memory_space<hbm>> -> memref<512x8xf32, #tpu.memory_space<hbm>>
      %dma_start3A_775 = arith.constant 0 : i32
      %dma_start3A_776 = tpu.memref_slice %arg34[%mul3A_2, %dma_start3A_775] : memref<16384x8xf32, #tpu.memory_space<hbm>> -> memref<512x8xf32, #tpu.memory_space<hbm>>
      tpu.enqueue_dma source(%arg58 : memref<512x8xf32, #tpu.memory_space<vmem>>) target(%dma_start3A_776 : memref<512x8xf32, #tpu.memory_space<hbm>>) target_semaphore(%run_scoped3A : memref<!tpu.dma_semaphore, #tpu.memory_space<semaphore_mem>>)
      %dma_wait3A_777 = arith.constant 0 : i32
      %dma_wait3A_778 = tpu.memref_slice %arg34[%mul3A_2, %dma_wait3A_777] : memref<16384x8xf32, #tpu.memory_space<hbm>> -> memref<512x8xf32, #tpu.memory_space<hbm>>
      %dma_wait3A_779 = arith.constant 0 : i32
      %dma_wait3A_780 = tpu.memref_slice %arg34[%mul3A_2, %dma_wait3A_779] : memref<16384x8xf32, #tpu.memory_space<hbm>> -> memref<512x8xf32, #tpu.memory_space<hbm>>
      tpu.wait_dma2 semaphore(%run_scoped3A : memref<!tpu.dma_semaphore, #tpu.memory_space<semaphore_mem>>) src(%arg58 : memref<512x8xf32, #tpu.memory_space<vmem>>) dst(%dma_wait3A_780 : memref<512x8xf32, #tpu.memory_space<hbm>>)
      tpu.yield
    }) : () -> ()
    return
  }
}

module attributes {stable_mosaic.version = 14 : i64} {
  func.func @_mlp_kernel(%arg0: i32, %arg1: memref<512x16xf32, #tpu.memory_space<vmem>>, %arg2: memref<512x16xf32, #tpu.memory_space<vmem>>, %arg3: memref<512x8xf32, #tpu.memory_space<vmem>>, %arg4: memref<512x8xf32, #tpu.memory_space<vmem>>, %arg5: memref<512x8xf32, #tpu.memory_space<vmem>>, %arg6: memref<512x8xf32, #tpu.memory_space<vmem>>, %arg7: memref<512x8xf32, #tpu.memory_space<vmem>>, %arg8: memref<512x8xf32, #tpu.memory_space<vmem>>, %arg9: memref<512x8xf32, #tpu.memory_space<vmem>>, %arg10: memref<512x1xf32, #tpu.memory_space<vmem>>, %arg11: memref<512x8xf32, #tpu.memory_space<vmem>>, %arg12: memref<512x8xf32, #tpu.memory_space<vmem>>, %arg13: memref<512x8xf32, #tpu.memory_space<vmem>>, %arg14: memref<16x256xf32, #tpu.memory_space<vmem>>, %arg15: memref<16x256xf32, #tpu.memory_space<vmem>>, %arg16: memref<8x256xf32, #tpu.memory_space<vmem>>, %arg17: memref<8x256xf32, #tpu.memory_space<vmem>>, %arg18: memref<8x256xf32, #tpu.memory_space<vmem>>, %arg19: memref<8x256xf32, #tpu.memory_space<vmem>>, %arg20: memref<8x256xf32, #tpu.memory_space<vmem>>, %arg21: memref<8x256xf32, #tpu.memory_space<vmem>>, %arg22: memref<8x256xf32, #tpu.memory_space<vmem>>, %arg23: memref<1x256xf32, #tpu.memory_space<vmem>>, %arg24: memref<1x256xf32, #tpu.memory_space<vmem>>, %arg25: memref<256x128xf32, #tpu.memory_space<vmem>>, %arg26: memref<1x128xf32, #tpu.memory_space<vmem>>, %arg27: memref<128x64xf32, #tpu.memory_space<vmem>>, %arg28: memref<1x64xf32, #tpu.memory_space<vmem>>, %arg29: memref<64x1xf32, #tpu.memory_space<vmem>>, %arg30: memref<1x1xf32, #tpu.memory_space<vmem>>, %arg31: memref<24x1xf32, #tpu.memory_space<vmem>>, %arg32: memref<1x1xf32, #tpu.memory_space<vmem>>, %arg33: memref<512x1xf32, #tpu.memory_space<vmem>>) attributes {dimension_semantics = [#tpu.dimension_semantics<arbitrary>], iteration_bounds = array<i64: 32>, scalar_prefetch = 0 : i64, scratch_operands = 0 : i64, tpu.core_type = #tpu.core_type<tc>, window_params = [{transform_indices = @transform_0, window_bounds = array<i64: 512, 16>}, {transform_indices = @transform_1, window_bounds = array<i64: 512, 16>}, {transform_indices = @transform_2, window_bounds = array<i64: 512, 8>}, {transform_indices = @transform_3, window_bounds = array<i64: 512, 8>}, {transform_indices = @transform_4, window_bounds = array<i64: 512, 8>}, {transform_indices = @transform_5, window_bounds = array<i64: 512, 8>}, {transform_indices = @transform_6, window_bounds = array<i64: 512, 8>}, {transform_indices = @transform_7, window_bounds = array<i64: 512, 8>}, {transform_indices = @transform_8, window_bounds = array<i64: 512, 8>}, {transform_indices = @transform_9, window_bounds = array<i64: 512, 1>}, {transform_indices = @transform_10, window_bounds = array<i64: 512, 8>}, {transform_indices = @transform_11, window_bounds = array<i64: 512, 8>}, {transform_indices = @transform_12, window_bounds = array<i64: 512, 8>}, {pipeline_mode = #tpu.pipeline_mode<synchronous>, transform_indices = @transform_13, window_bounds = array<i64: 16, 256>}, {pipeline_mode = #tpu.pipeline_mode<synchronous>, transform_indices = @transform_14, window_bounds = array<i64: 16, 256>}, {pipeline_mode = #tpu.pipeline_mode<synchronous>, transform_indices = @transform_15, window_bounds = array<i64: 8, 256>}, {pipeline_mode = #tpu.pipeline_mode<synchronous>, transform_indices = @transform_16, window_bounds = array<i64: 8, 256>}, {pipeline_mode = #tpu.pipeline_mode<synchronous>, transform_indices = @transform_17, window_bounds = array<i64: 8, 256>}, {pipeline_mode = #tpu.pipeline_mode<synchronous>, transform_indices = @transform_18, window_bounds = array<i64: 8, 256>}, {pipeline_mode = #tpu.pipeline_mode<synchronous>, transform_indices = @transform_19, window_bounds = array<i64: 8, 256>}, {pipeline_mode = #tpu.pipeline_mode<synchronous>, transform_indices = @transform_20, window_bounds = array<i64: 8, 256>}, {pipeline_mode = #tpu.pipeline_mode<synchronous>, transform_indices = @transform_21, window_bounds = array<i64: 8, 256>}, {pipeline_mode = #tpu.pipeline_mode<synchronous>, transform_indices = @transform_22, window_bounds = array<i64: 1, 256>}, {pipeline_mode = #tpu.pipeline_mode<synchronous>, transform_indices = @transform_23, window_bounds = array<i64: 1, 256>}, {pipeline_mode = #tpu.pipeline_mode<synchronous>, transform_indices = @transform_24, window_bounds = array<i64: 256, 128>}, {pipeline_mode = #tpu.pipeline_mode<synchronous>, transform_indices = @transform_25, window_bounds = array<i64: 1, 128>}, {pipeline_mode = #tpu.pipeline_mode<synchronous>, transform_indices = @transform_26, window_bounds = array<i64: 128, 64>}, {pipeline_mode = #tpu.pipeline_mode<synchronous>, transform_indices = @transform_27, window_bounds = array<i64: 1, 64>}, {pipeline_mode = #tpu.pipeline_mode<synchronous>, transform_indices = @transform_28, window_bounds = array<i64: 64, 1>}, {pipeline_mode = #tpu.pipeline_mode<synchronous>, transform_indices = @transform_29, window_bounds = array<i64: 1, 1>}, {pipeline_mode = #tpu.pipeline_mode<synchronous>, transform_indices = @transform_30, window_bounds = array<i64: 24, 1>}, {pipeline_mode = #tpu.pipeline_mode<synchronous>, transform_indices = @transform_31, window_bounds = array<i64: 1, 1>}, {transform_indices = @transform_32, window_bounds = array<i64: 512, 1>}]} {
    %get3A = arith.constant 0 : index
    %get3A_0 = arith.constant 0 : index
    %get3A_1 = vector.load %arg1[%get3A, %get3A_0] : memref<512x16xf32, #tpu.memory_space<vmem>>, vector<512x16xf32>
    %get3A_2 = arith.constant 0 : index
    %get3A_3 = arith.constant 0 : index
    %get3A_4 = vector.load %arg14[%get3A_2, %get3A_3] : memref<16x256xf32, #tpu.memory_space<vmem>>, vector<16x256xf32>
    %dot_general3A = arith.constant dense<0.000000e+00> : vector<512x256xf32>
    %dot_general3A_5 = tpu.matmul %get3A_1, %get3A_4, %dot_general3A {dimension_numbers = #tpu.dot_dimension_numbers<[1], [0], [0], [1], [0, 0, 1, 1], [], []>, transpose_lhs_hint = false} : vector<512x16xf32>, vector<16x256xf32>, vector<512x256xf32> -> vector<512x256xf32>
    %get3A_6 = arith.constant 0 : index
    %get3A_7 = arith.constant 0 : index
    %get3A_8 = vector.load %arg2[%get3A_6, %get3A_7] : memref<512x16xf32, #tpu.memory_space<vmem>>, vector<512x16xf32>
    %get3A_9 = arith.constant 0 : index
    %get3A_10 = arith.constant 0 : index
    %get3A_11 = vector.load %arg15[%get3A_9, %get3A_10] : memref<16x256xf32, #tpu.memory_space<vmem>>, vector<16x256xf32>
    %dot_general3A_12 = arith.constant dense<0.000000e+00> : vector<512x256xf32>
    %dot_general3A_13 = tpu.matmul %get3A_8, %get3A_11, %dot_general3A_12 {dimension_numbers = #tpu.dot_dimension_numbers<[1], [0], [0], [1], [0, 0, 1, 1], [], []>, transpose_lhs_hint = false} : vector<512x16xf32>, vector<16x256xf32>, vector<512x256xf32> -> vector<512x256xf32>
    %add3A = arith.addf %dot_general3A_5, %dot_general3A_13 : vector<512x256xf32>
    %get3A_14 = arith.constant 0 : index
    %get3A_15 = arith.constant 0 : index
    %get3A_16 = vector.load %arg3[%get3A_14, %get3A_15] : memref<512x8xf32, #tpu.memory_space<vmem>>, vector<512x8xf32>
    %get3A_17 = arith.constant 0 : index
    %get3A_18 = arith.constant 0 : index
    %get3A_19 = vector.load %arg16[%get3A_17, %get3A_18] : memref<8x256xf32, #tpu.memory_space<vmem>>, vector<8x256xf32>
    %dot_general3A_20 = arith.constant dense<0.000000e+00> : vector<512x256xf32>
    %dot_general3A_21 = tpu.matmul %get3A_16, %get3A_19, %dot_general3A_20 {dimension_numbers = #tpu.dot_dimension_numbers<[1], [0], [0], [1], [0, 0, 1, 1], [], []>, transpose_lhs_hint = false} : vector<512x8xf32>, vector<8x256xf32>, vector<512x256xf32> -> vector<512x256xf32>
    %add3A_22 = arith.addf %add3A, %dot_general3A_21 : vector<512x256xf32>
    %get3A_23 = arith.constant 0 : index
    %get3A_24 = arith.constant 0 : index
    %get3A_25 = vector.load %arg4[%get3A_23, %get3A_24] : memref<512x8xf32, #tpu.memory_space<vmem>>, vector<512x8xf32>
    %get3A_26 = arith.constant 0 : index
    %get3A_27 = arith.constant 0 : index
    %get3A_28 = vector.load %arg17[%get3A_26, %get3A_27] : memref<8x256xf32, #tpu.memory_space<vmem>>, vector<8x256xf32>
    %dot_general3A_29 = arith.constant dense<0.000000e+00> : vector<512x256xf32>
    %dot_general3A_30 = tpu.matmul %get3A_25, %get3A_28, %dot_general3A_29 {dimension_numbers = #tpu.dot_dimension_numbers<[1], [0], [0], [1], [0, 0, 1, 1], [], []>, transpose_lhs_hint = false} : vector<512x8xf32>, vector<8x256xf32>, vector<512x256xf32> -> vector<512x256xf32>
    %add3A_31 = arith.addf %add3A_22, %dot_general3A_30 : vector<512x256xf32>
    %get3A_32 = arith.constant 0 : index
    %get3A_33 = arith.constant 0 : index
    %get3A_34 = vector.load %arg5[%get3A_32, %get3A_33] : memref<512x8xf32, #tpu.memory_space<vmem>>, vector<512x8xf32>
    %get3A_35 = arith.constant 0 : index
    %get3A_36 = arith.constant 0 : index
    %get3A_37 = vector.load %arg18[%get3A_35, %get3A_36] : memref<8x256xf32, #tpu.memory_space<vmem>>, vector<8x256xf32>
    %dot_general3A_38 = arith.constant dense<0.000000e+00> : vector<512x256xf32>
    %dot_general3A_39 = tpu.matmul %get3A_34, %get3A_37, %dot_general3A_38 {dimension_numbers = #tpu.dot_dimension_numbers<[1], [0], [0], [1], [0, 0, 1, 1], [], []>, transpose_lhs_hint = false} : vector<512x8xf32>, vector<8x256xf32>, vector<512x256xf32> -> vector<512x256xf32>
    %add3A_40 = arith.addf %add3A_31, %dot_general3A_39 : vector<512x256xf32>
    %get3A_41 = arith.constant 0 : index
    %get3A_42 = arith.constant 0 : index
    %get3A_43 = vector.load %arg6[%get3A_41, %get3A_42] : memref<512x8xf32, #tpu.memory_space<vmem>>, vector<512x8xf32>
    %get3A_44 = arith.constant 0 : index
    %get3A_45 = arith.constant 0 : index
    %get3A_46 = vector.load %arg19[%get3A_44, %get3A_45] : memref<8x256xf32, #tpu.memory_space<vmem>>, vector<8x256xf32>
    %dot_general3A_47 = arith.constant dense<0.000000e+00> : vector<512x256xf32>
    %dot_general3A_48 = tpu.matmul %get3A_43, %get3A_46, %dot_general3A_47 {dimension_numbers = #tpu.dot_dimension_numbers<[1], [0], [0], [1], [0, 0, 1, 1], [], []>, transpose_lhs_hint = false} : vector<512x8xf32>, vector<8x256xf32>, vector<512x256xf32> -> vector<512x256xf32>
    %add3A_49 = arith.addf %add3A_40, %dot_general3A_48 : vector<512x256xf32>
    %get3A_50 = arith.constant 0 : index
    %get3A_51 = arith.constant 0 : index
    %get3A_52 = vector.load %arg7[%get3A_50, %get3A_51] : memref<512x8xf32, #tpu.memory_space<vmem>>, vector<512x8xf32>
    %get3A_53 = arith.constant 0 : index
    %get3A_54 = arith.constant 0 : index
    %get3A_55 = vector.load %arg20[%get3A_53, %get3A_54] : memref<8x256xf32, #tpu.memory_space<vmem>>, vector<8x256xf32>
    %dot_general3A_56 = arith.constant dense<0.000000e+00> : vector<512x256xf32>
    %dot_general3A_57 = tpu.matmul %get3A_52, %get3A_55, %dot_general3A_56 {dimension_numbers = #tpu.dot_dimension_numbers<[1], [0], [0], [1], [0, 0, 1, 1], [], []>, transpose_lhs_hint = false} : vector<512x8xf32>, vector<8x256xf32>, vector<512x256xf32> -> vector<512x256xf32>
    %add3A_58 = arith.addf %add3A_49, %dot_general3A_57 : vector<512x256xf32>
    %get3A_59 = arith.constant 0 : index
    %get3A_60 = arith.constant 0 : index
    %get3A_61 = vector.load %arg8[%get3A_59, %get3A_60] : memref<512x8xf32, #tpu.memory_space<vmem>>, vector<512x8xf32>
    %get3A_62 = arith.constant 0 : index
    %get3A_63 = arith.constant 0 : index
    %get3A_64 = vector.load %arg21[%get3A_62, %get3A_63] : memref<8x256xf32, #tpu.memory_space<vmem>>, vector<8x256xf32>
    %dot_general3A_65 = arith.constant dense<0.000000e+00> : vector<512x256xf32>
    %dot_general3A_66 = tpu.matmul %get3A_61, %get3A_64, %dot_general3A_65 {dimension_numbers = #tpu.dot_dimension_numbers<[1], [0], [0], [1], [0, 0, 1, 1], [], []>, transpose_lhs_hint = false} : vector<512x8xf32>, vector<8x256xf32>, vector<512x256xf32> -> vector<512x256xf32>
    %add3A_67 = arith.addf %add3A_58, %dot_general3A_66 : vector<512x256xf32>
    %get3A_68 = arith.constant 0 : index
    %get3A_69 = arith.constant 0 : index
    %get3A_70 = vector.load %arg9[%get3A_68, %get3A_69] : memref<512x8xf32, #tpu.memory_space<vmem>>, vector<512x8xf32>
    %get3A_71 = arith.constant 0 : index
    %get3A_72 = arith.constant 0 : index
    %get3A_73 = vector.load %arg22[%get3A_71, %get3A_72] : memref<8x256xf32, #tpu.memory_space<vmem>>, vector<8x256xf32>
    %dot_general3A_74 = arith.constant dense<0.000000e+00> : vector<512x256xf32>
    %dot_general3A_75 = tpu.matmul %get3A_70, %get3A_73, %dot_general3A_74 {dimension_numbers = #tpu.dot_dimension_numbers<[1], [0], [0], [1], [0, 0, 1, 1], [], []>, transpose_lhs_hint = false} : vector<512x8xf32>, vector<8x256xf32>, vector<512x256xf32> -> vector<512x256xf32>
    %add3A_76 = arith.addf %add3A_67, %dot_general3A_75 : vector<512x256xf32>
    %get3A_77 = arith.constant 0 : index
    %get3A_78 = arith.constant 0 : index
    %get3A_79 = vector.load %arg10[%get3A_77, %get3A_78] : memref<512x1xf32, #tpu.memory_space<vmem>>, vector<512x1xf32>
    %get3A_80 = arith.constant 0 : index
    %get3A_81 = arith.constant 0 : index
    %get3A_82 = vector.load %arg23[%get3A_80, %get3A_81] : memref<1x256xf32, #tpu.memory_space<vmem>>, vector<1x256xf32>
    %mul3A = vector.broadcast %get3A_79 : vector<512x1xf32> to vector<512x256xf32>
    %mul3A_83 = vector.broadcast %get3A_82 : vector<1x256xf32> to vector<512x256xf32>
    %mul3A_84 = arith.mulf %mul3A, %mul3A_83 : vector<512x256xf32>
    %add3A_85 = arith.addf %add3A_76, %mul3A_84 : vector<512x256xf32>
    %get3A_86 = arith.constant 0 : index
    %get3A_87 = arith.constant 0 : index
    %get3A_88 = vector.load %arg24[%get3A_86, %get3A_87] : memref<1x256xf32, #tpu.memory_space<vmem>>, vector<1x256xf32>
    %add3A_89 = vector.broadcast %get3A_88 : vector<1x256xf32> to vector<512x256xf32>
    %add3A_90 = arith.addf %add3A_85, %add3A_89 : vector<512x256xf32>
    %max3A = arith.constant 0.000000e+00 : f32
    %max3A_91 = vector.broadcast %max3A : f32 to vector<512x256xf32>
    %max3A_92 = arith.maximumf %add3A_90, %max3A_91 : vector<512x256xf32>
    %get3A_93 = arith.constant 0 : index
    %get3A_94 = arith.constant 0 : index
    %get3A_95 = vector.load %arg25[%get3A_93, %get3A_94] : memref<256x128xf32, #tpu.memory_space<vmem>>, vector<256x128xf32>
    %dot_general3A_96 = arith.constant dense<0.000000e+00> : vector<512x128xf32>
    %dot_general3A_97 = tpu.matmul %max3A_92, %get3A_95, %dot_general3A_96 {dimension_numbers = #tpu.dot_dimension_numbers<[1], [0], [0], [1], [0, 0, 1, 1], [], []>, transpose_lhs_hint = false} : vector<512x256xf32>, vector<256x128xf32>, vector<512x128xf32> -> vector<512x128xf32>
    %get3A_98 = arith.constant 0 : index
    %get3A_99 = arith.constant 0 : index
    %get3A_100 = vector.load %arg26[%get3A_98, %get3A_99] : memref<1x128xf32, #tpu.memory_space<vmem>>, vector<1x128xf32>
    %add3A_101 = vector.broadcast %get3A_100 : vector<1x128xf32> to vector<512x128xf32>
    %add3A_102 = arith.addf %dot_general3A_97, %add3A_101 : vector<512x128xf32>
    %max3A_103 = arith.constant 0.000000e+00 : f32
    %max3A_104 = vector.broadcast %max3A_103 : f32 to vector<512x128xf32>
    %max3A_105 = arith.maximumf %add3A_102, %max3A_104 : vector<512x128xf32>
    %get3A_106 = arith.constant 0 : index
    %get3A_107 = arith.constant 0 : index
    %get3A_108 = vector.load %arg27[%get3A_106, %get3A_107] : memref<128x64xf32, #tpu.memory_space<vmem>>, vector<128x64xf32>
    %dot_general3A_109 = arith.constant dense<0.000000e+00> : vector<512x64xf32>
    %dot_general3A_110 = tpu.matmul %max3A_105, %get3A_108, %dot_general3A_109 {dimension_numbers = #tpu.dot_dimension_numbers<[1], [0], [0], [1], [0, 0, 1, 1], [], []>, transpose_lhs_hint = false} : vector<512x128xf32>, vector<128x64xf32>, vector<512x64xf32> -> vector<512x64xf32>
    %get3A_111 = arith.constant 0 : index
    %get3A_112 = arith.constant 0 : index
    %get3A_113 = vector.load %arg28[%get3A_111, %get3A_112] : memref<1x64xf32, #tpu.memory_space<vmem>>, vector<1x64xf32>
    %add3A_114 = vector.broadcast %get3A_113 : vector<1x64xf32> to vector<512x64xf32>
    %add3A_115 = arith.addf %dot_general3A_110, %add3A_114 : vector<512x64xf32>
    %max3A_116 = arith.constant 0.000000e+00 : f32
    %max3A_117 = vector.broadcast %max3A_116 : f32 to vector<512x64xf32>
    %max3A_118 = arith.maximumf %add3A_115, %max3A_117 : vector<512x64xf32>
    %get3A_119 = arith.constant 0 : index
    %get3A_120 = arith.constant 0 : index
    %get3A_121 = vector.load %arg29[%get3A_119, %get3A_120] : memref<64x1xf32, #tpu.memory_space<vmem>>, vector<64x1xf32>
    %dot_general3A_122 = arith.constant dense<0.000000e+00> : vector<512x1xf32>
    %dot_general3A_123 = tpu.matmul %max3A_118, %get3A_121, %dot_general3A_122 {dimension_numbers = #tpu.dot_dimension_numbers<[1], [0], [0], [1], [0, 0, 1, 1], [], []>, transpose_lhs_hint = false} : vector<512x64xf32>, vector<64x1xf32>, vector<512x1xf32> -> vector<512x1xf32>
    %get3A_124 = arith.constant 0 : index
    %get3A_125 = arith.constant 0 : index
    %get3A_126 = vector.load %arg30[%get3A_124, %get3A_125] : memref<1x1xf32, #tpu.memory_space<vmem>>, vector<1x1xf32>
    %add3A_127 = vector.broadcast %get3A_126 : vector<1x1xf32> to vector<512x1xf32>
    %add3A_128 = arith.addf %dot_general3A_123, %add3A_127 : vector<512x1xf32>
    %get3A_129 = arith.constant 0 : index
    %get3A_130 = arith.constant 0 : index
    %get3A_131 = vector.load %arg11[%get3A_129, %get3A_130] : memref<512x8xf32, #tpu.memory_space<vmem>>, vector<512x8xf32>
    %get3A_132 = arith.constant 0 : index
    %get3A_133 = arith.constant 0 : index
    %get3A_134 = vector.load %arg12[%get3A_132, %get3A_133] : memref<512x8xf32, #tpu.memory_space<vmem>>, vector<512x8xf32>
    %get3A_135 = arith.constant 0 : index
    %get3A_136 = arith.constant 0 : index
    %get3A_137 = vector.load %arg13[%get3A_135, %get3A_136] : memref<512x8xf32, #tpu.memory_space<vmem>>, vector<512x8xf32>
    %concatenate3A = tpu.concatenate %get3A_131, %get3A_134, %get3A_137 in 1 : vector<512x8xf32>, vector<512x8xf32>, vector<512x8xf32> -> vector<512x24xf32>
    %get3A_138 = arith.constant 0 : index
    %get3A_139 = arith.constant 0 : index
    %get3A_140 = vector.load %arg31[%get3A_138, %get3A_139] : memref<24x1xf32, #tpu.memory_space<vmem>>, vector<24x1xf32>
    %dot_general3A_141 = arith.constant dense<0.000000e+00> : vector<512x1xf32>
    %dot_general3A_142 = tpu.matmul %concatenate3A, %get3A_140, %dot_general3A_141 {dimension_numbers = #tpu.dot_dimension_numbers<[1], [0], [0], [1], [0, 0, 1, 1], [], []>, transpose_lhs_hint = false} : vector<512x24xf32>, vector<24x1xf32>, vector<512x1xf32> -> vector<512x1xf32>
    %get3A_143 = arith.constant 0 : index
    %get3A_144 = arith.constant 0 : index
    %get3A_145 = vector.load %arg32[%get3A_143, %get3A_144] : memref<1x1xf32, #tpu.memory_space<vmem>>, vector<1x1xf32>
    %add3A_146 = vector.broadcast %get3A_145 : vector<1x1xf32> to vector<512x1xf32>
    %add3A_147 = arith.addf %dot_general3A_142, %add3A_146 : vector<512x1xf32>
    %add3A_148 = arith.addf %add3A_128, %add3A_147 : vector<512x1xf32>
    %swap3A = arith.constant 0 : index
    %swap3A_149 = arith.constant 0 : index
    %swap3A_150 = vector.load %arg33[%swap3A, %swap3A_149] : memref<512x1xf32, #tpu.memory_space<vmem>>, vector<512x1xf32>
    tpu.vector_store %arg33[%swap3A, %swap3A_149], %add3A_148 {strides = array<i32>} : memref<512x1xf32, #tpu.memory_space<vmem>>, vector<512x1xf32>,
    return
  }
  func.func @transform_0(%arg0: i32) -> (i32, i32) {
    %c0_i32 = arith.constant 0 : i32
    %c0_i32_0 = arith.constant 0 : i32
    return %arg0, %c0_i32 : i32, i32
  }
  func.func @transform_1(%arg0: i32) -> (i32, i32) {
    %c0_i32 = arith.constant 0 : i32
    %c0_i32_0 = arith.constant 0 : i32
    return %arg0, %c0_i32 : i32, i32
  }
  func.func @transform_2(%arg0: i32) -> (i32, i32) {
    %c0_i32 = arith.constant 0 : i32
    %c0_i32_0 = arith.constant 0 : i32
    return %arg0, %c0_i32 : i32, i32
  }
  func.func @transform_3(%arg0: i32) -> (i32, i32) {
    %c0_i32 = arith.constant 0 : i32
    %c0_i32_0 = arith.constant 0 : i32
    return %arg0, %c0_i32 : i32, i32
  }
  func.func @transform_4(%arg0: i32) -> (i32, i32) {
    %c0_i32 = arith.constant 0 : i32
    %c0_i32_0 = arith.constant 0 : i32
    return %arg0, %c0_i32 : i32, i32
  }
  func.func @transform_5(%arg0: i32) -> (i32, i32) {
    %c0_i32 = arith.constant 0 : i32
    %c0_i32_0 = arith.constant 0 : i32
    return %arg0, %c0_i32 : i32, i32
  }
  func.func @transform_6(%arg0: i32) -> (i32, i32) {
    %c0_i32 = arith.constant 0 : i32
    %c0_i32_0 = arith.constant 0 : i32
    return %arg0, %c0_i32 : i32, i32
  }
  func.func @transform_7(%arg0: i32) -> (i32, i32) {
    %c0_i32 = arith.constant 0 : i32
    %c0_i32_0 = arith.constant 0 : i32
    return %arg0, %c0_i32 : i32, i32
  }
  func.func @transform_8(%arg0: i32) -> (i32, i32) {
    %c0_i32 = arith.constant 0 : i32
    %c0_i32_0 = arith.constant 0 : i32
    return %arg0, %c0_i32 : i32, i32
  }
  func.func @transform_9(%arg0: i32) -> (i32, i32) {
    %c0_i32 = arith.constant 0 : i32
    %c0_i32_0 = arith.constant 0 : i32
    return %arg0, %c0_i32 : i32, i32
  }
  func.func @transform_10(%arg0: i32) -> (i32, i32) {
    %c0_i32 = arith.constant 0 : i32
    %c0_i32_0 = arith.constant 0 : i32
    return %arg0, %c0_i32 : i32, i32
  }
  func.func @transform_11(%arg0: i32) -> (i32, i32) {
    %c0_i32 = arith.constant 0 : i32
    %c0_i32_0 = arith.constant 0 : i32
    return %arg0, %c0_i32 : i32, i32
  }
  func.func @transform_12(%arg0: i32) -> (i32, i32) {
    %c0_i32 = arith.constant 0 : i32
    %c0_i32_0 = arith.constant 0 : i32
    return %arg0, %c0_i32 : i32, i32
  }
  func.func @transform_13(%arg0: i32) -> (i32, i32) {
    %c0_i32 = arith.constant 0 : i32
    %c0_i32_0 = arith.constant 0 : i32
    %c0_i32_1 = arith.constant 0 : i32
    return %c0_i32, %c0_i32_0 : i32, i32
  }
  func.func @transform_14(%arg0: i32) -> (i32, i32) {
    %c0_i32 = arith.constant 0 : i32
    %c0_i32_0 = arith.constant 0 : i32
    %c0_i32_1 = arith.constant 0 : i32
    return %c0_i32, %c0_i32_0 : i32, i32
  }
  func.func @transform_15(%arg0: i32) -> (i32, i32) {
    %c0_i32 = arith.constant 0 : i32
    %c0_i32_0 = arith.constant 0 : i32
    %c0_i32_1 = arith.constant 0 : i32
    return %c0_i32, %c0_i32_0 : i32, i32
  }
  func.func @transform_16(%arg0: i32) -> (i32, i32) {
    %c0_i32 = arith.constant 0 : i32
    %c0_i32_0 = arith.constant 0 : i32
    %c0_i32_1 = arith.constant 0 : i32
    return %c0_i32, %c0_i32_0 : i32, i32
  }
  func.func @transform_17(%arg0: i32) -> (i32, i32) {
    %c0_i32 = arith.constant 0 : i32
    %c0_i32_0 = arith.constant 0 : i32
    %c0_i32_1 = arith.constant 0 : i32
    return %c0_i32, %c0_i32_0 : i32, i32
  }
  func.func @transform_18(%arg0: i32) -> (i32, i32) {
    %c0_i32 = arith.constant 0 : i32
    %c0_i32_0 = arith.constant 0 : i32
    %c0_i32_1 = arith.constant 0 : i32
    return %c0_i32, %c0_i32_0 : i32, i32
  }
  func.func @transform_19(%arg0: i32) -> (i32, i32) {
    %c0_i32 = arith.constant 0 : i32
    %c0_i32_0 = arith.constant 0 : i32
    %c0_i32_1 = arith.constant 0 : i32
    return %c0_i32, %c0_i32_0 : i32, i32
  }
  func.func @transform_20(%arg0: i32) -> (i32, i32) {
    %c0_i32 = arith.constant 0 : i32
    %c0_i32_0 = arith.constant 0 : i32
    %c0_i32_1 = arith.constant 0 : i32
    return %c0_i32, %c0_i32_0 : i32, i32
  }
  func.func @transform_21(%arg0: i32) -> (i32, i32) {
    %c0_i32 = arith.constant 0 : i32
    %c0_i32_0 = arith.constant 0 : i32
    %c0_i32_1 = arith.constant 0 : i32
    return %c0_i32, %c0_i32_0 : i32, i32
  }
  func.func @transform_22(%arg0: i32) -> (i32, i32) {
    %c0_i32 = arith.constant 0 : i32
    %c0_i32_0 = arith.constant 0 : i32
    %c0_i32_1 = arith.constant 0 : i32
    return %c0_i32, %c0_i32_0 : i32, i32
  }
  func.func @transform_23(%arg0: i32) -> (i32, i32) {
    %c0_i32 = arith.constant 0 : i32
    %c0_i32_0 = arith.constant 0 : i32
    %c0_i32_1 = arith.constant 0 : i32
    return %c0_i32, %c0_i32_0 : i32, i32
  }
  func.func @transform_24(%arg0: i32) -> (i32, i32) {
    %c0_i32 = arith.constant 0 : i32
    %c0_i32_0 = arith.constant 0 : i32
    %c0_i32_1 = arith.constant 0 : i32
    return %c0_i32, %c0_i32_0 : i32, i32
  }
  func.func @transform_25(%arg0: i32) -> (i32, i32) {
    %c0_i32 = arith.constant 0 : i32
    %c0_i32_0 = arith.constant 0 : i32
    %c0_i32_1 = arith.constant 0 : i32
    return %c0_i32, %c0_i32_0 : i32, i32
  }
  func.func @transform_26(%arg0: i32) -> (i32, i32) {
    %c0_i32 = arith.constant 0 : i32
    %c0_i32_0 = arith.constant 0 : i32
    %c0_i32_1 = arith.constant 0 : i32
    return %c0_i32, %c0_i32_0 : i32, i32
  }
  func.func @transform_27(%arg0: i32) -> (i32, i32) {
    %c0_i32 = arith.constant 0 : i32
    %c0_i32_0 = arith.constant 0 : i32
    %c0_i32_1 = arith.constant 0 : i32
    return %c0_i32, %c0_i32_0 : i32, i32
  }
  func.func @transform_28(%arg0: i32) -> (i32, i32) {
    %c0_i32 = arith.constant 0 : i32
    %c0_i32_0 = arith.constant 0 : i32
    %c0_i32_1 = arith.constant 0 : i32
    return %c0_i32, %c0_i32_0 : i32, i32
  }
  func.func @transform_29(%arg0: i32) -> (i32, i32) {
    %c0_i32 = arith.constant 0 : i32
    %c0_i32_0 = arith.constant 0 : i32
    %c0_i32_1 = arith.constant 0 : i32
    return %c0_i32, %c0_i32_0 : i32, i32
  }
  func.func @transform_30(%arg0: i32) -> (i32, i32) {
    %c0_i32 = arith.constant 0 : i32
    %c0_i32_0 = arith.constant 0 : i32
    %c0_i32_1 = arith.constant 0 : i32
    return %c0_i32, %c0_i32_0 : i32, i32
  }
  func.func @transform_31(%arg0: i32) -> (i32, i32) {
    %c0_i32 = arith.constant 0 : i32
    %c0_i32_0 = arith.constant 0 : i32
    %c0_i32_1 = arith.constant 0 : i32
    return %c0_i32, %c0_i32_0 : i32, i32
  }
  func.func @transform_32(%arg0: i32) -> (i32, i32) {
    %c0_i32 = arith.constant 0 : i32
    %c0_i32_0 = arith.constant 0 : i32
    return %arg0, %c0_i32 : i32, i32
  }
}

</mosaic_0001>

<sc_bundles>
// kernel: kernel.4.cloned.1.call-start
scs
__scs_entry_jumppad:
0x0: {  	(pc) =	sbr.rel $0x88, $3  }
0x1: {  	(tag) =	ssettag $0x0;
	lr =	simm.s32 $0x1  }
0x2: {  	[smem:$0x3F81] =	sst lr;
	_ =	strace $0xD0000000  }
0x3: {  	_ = 	snop  }
0x4: {  	_ = 	snop  }
0x5: {  	_ = 	snop  }
0x6: {  	_ = 	snop  }
0x7: {  	_ = 	snop  }
__scs_overlays_trampoline_lowered:
0x8: {  	[smem:$0x3F90] =	sst s0  }
0x9: {  	[smem:$0x3F91] =	sst s1  }
0xa: {  	[smem:$0x3F92] =	sst s2  }
0xb: {  	[smem:$0x3F93] =	sst s3  }
0xc: {  	[smem:$0x3F94] =	sst s4  }
0xd: {  	[smem:$0x3F95] =	sst s5  }
0xe: {  	[smem:$0x3F96] =	sst s6  }
0xf: {  	[smem:$0x3F97] =	sst s7  }
0x10: {  	[smem:$0x3F98] =	sst s8  }
0x11: {  	[smem:$0x3F99] =	sst s9;
	s0 =	simm.s32 @!p0 $0x0  }
0x12: {  	s1 =	sld [smem:$0x3F7F];
	s0 =	simm.s32 @p0 $0x1  }
0x13: {  	[smem:$0x3F9A] =	sst s0;
	s0 =	simm.s32 @!p1 $0x0  }
0x14: {  	s2 =	sld [smem:$0x3F7E];
	s0 =	simm.s32 @p1 $0x1  }
0x15: {  	[smem:$0x3F9B] =	sst s0;
	s0 =	simm.s32 @!p2 $0x0  }
0x16: {  	s3 =	sld [smem:$0x3FDB];
	s0 =	simm.s32 @p2 $0x1  }
0x17: {  	s4 =	simm.s32 $0x1BF5;
	[smem:$0x3F9D] =	sst s0  }
0x18: {  	s0 =	sld [smem:$0x3F80];
	_ =	swait.ge [sflag:s4], $0x0  }
0x19: {  	s7 =	sld [smem:$0x3F81]  }
0x1a: {  	s8 =	sadd.s32 $0xFFFFE003, lr  }
0x1b: {  	s9 =	sadd.s32 $0xFFFFFEF7, lr;
	s5 =	simm.s32 $0xFFFFFFFF;
	p2 =	slt.u32 s8, $0xFFFFF086  }
0x1c: {  	p1 =	slt.u32 s9, $0xF7A;
	s5 =	simm.s32 @!p2 $0x0  }
0x1d: {  	s5 =	simm.s32 @p1 $0x1;
	p0 =	seq.s32 s7, s2  }
0x1e: {  	s7 =	smul.u32 @!p0 $0xF7A, s2;
	p2 =	seq.s32 @!p0 s5, $0x0  }
0x1f: {  	s9 =	smul.u32 $0xF7A, s1;
	s8 =	simm.s32 @!p0 $0x1BF5;
	p2 =	por !p2, p0  }
0x20: {  	[sflag:s8] =	ssyncset.s32 @!p0 $0xFFFFF086;
	s6 =	sadd.s32 @!p0 s3, s7;
	s7 =	simm.s32 @!p0 $0x108  }
0x21: {  	s3 =	sadd.s32 s3, s9;
	s6 =	sadd.s32 @!p0 $0x88, s6;
	s7 =	simm.s32 @p2 $0x1082  }
0x22: {  	[simem:s7], [sflag:s8] =	dma.local @!p0 [hbm:s6], $0xF7A  }
0x23: {  	s9 =	sor.u32 $0xD0000000, s2;
	s6 =	simm.s32 $0x108;
	_ =	swait.ge @!p0 [sflag:s8], $0x0  }
0x24: {  	s3 =	sadd.s32 $0x88, s3;
	s6 =	simm.s32 @!p1 $0x1082;
	[sflag:s4] =	ssyncset.s32 $0xFFFFF086  }
0x25: {  	[simem:s6], [sflag:s4] =	dma.local [hbm:s3], $0xF7A  }
0x26: {  	[smem:$0x3F81] =	sst s1;
	(tag) =	ssettag s2;
	_ =	strace s9  }
0x27: {  	s1 =	sld [smem:$0x3F91]  }
0x28: {  	s2 =	sld [smem:$0x3F92]  }
0x29: {  	s4 =	sld [smem:$0x3F94]  }
0x2a: {  	p0 =	seq.s32 s5, $0x0;
	s5 =	sld [smem:$0x3F95]  }
0x2b: {  	s6 =	sld [smem:$0x3F96]  }
0x2c: {  	s7 =	sld [smem:$0x3F97]  }
0x2d: {  	s3 =	simm.s32 $0x108;
	s8 =	sld [smem:$0x3F98]  }
0x2e: {  	s3 =	simm.s32 @!p0 $0x1082;
	s9 =	sld [smem:$0x3F99]  }
0x2f: {  	lr =	sadd.s32 s0, s3;
	s0 =	sld [smem:$0x3F90]  }
0x30: {  	s3 =	sld [smem:$0x3F93]  }
0x31: {  	[smem:$0x3F9C] =	sst s10  }
0x32: {  	s10 =	sld [smem:$0x3F9A];
	_ =	sdelay $0x3  }
0x33: {  	p0 =	seq.s32 s10, $0x1;
	s10 =	sld [smem:$0x3F9C];
	_ =	sdelay $0x3  }
0x34: {  	[smem:$0x3F9C] =	sst s10  }
0x35: {  	s10 =	sld [smem:$0x3F9B];
	_ =	sdelay $0x3  }
0x36: {  	p1 =	seq.s32 s10, $0x1;
	s10 =	sld [smem:$0x3F9C];
	_ =	sdelay $0x3  }
0x37: {  	[smem:$0x3F9C] =	sst s10  }
0x38: {  	s10 =	sld [smem:$0x3F9D]  }
0x39: {  	_ = 	snop;
	(pc) =	sbr.ind lr, $3  }
0x3a: {  	_ = 	snop  }
0x3b: {  	_ = 	snop  }
0x3c: {  	p2 =	seq.s32 s10, $0x1;
	s10 =	sld [smem:$0x3F9C]  }
0x3d: {  	_ =	shalt  }
0x3e: {  	_ =	shalt  }
0x3f: {  	_ =	shalt  }
0x40: {  	_ =	shalt  }
0x41: {  	_ =	shalt  }
0x42: {  	_ =	shalt  }
0x43: {  	_ =	shalt  }
0x44: {  	_ =	shalt  }
0x45: {  	_ =	shalt  }
0x46: {  	_ =	shalt  }
0x47: {  	_ =	shalt  }
0x48: {  	_ =	shalt  }
0x49: {  	_ =	shalt  }
0x4a: {  	_ =	shalt  }
0x4b: {  	_ =	shalt  }
0x4c: {  	_ =	shalt  }
0x4d: {  	_ =	shalt  }
0x4e: {  	_ =	shalt  }
0x4f: {  	_ =	shalt  }
0x50: {  	_ =	shalt  }
0x51: {  	_ =	shalt  }
0x52: {  	_ =	shalt  }
0x53: {  	_ =	shalt  }
0x54: {  	_ =	shalt  }
0x55: {  	_ =	shalt  }
0x56: {  	_ =	shalt  }
0x57: {  	_ =	shalt  }
0x58: {  	_ =	shalt  }
0x59: {  	_ =	shalt  }
0x5a: {  	_ =	shalt  }
0x5b: {  	_ =	shalt  }
0x5c: {  	_ =	shalt  }
0x5d: {  	_ =	shalt  }
0x5e: {  	_ =	shalt  }
0x5f: {  	_ =	shalt  }
0x60: {  	_ =	shalt  }
0x61: {  	_ =	shalt  }
0x62: {  	_ =	shalt  }
0x63: {  	_ =	shalt  }
0x64: {  	_ =	shalt  }
0x65: {  	_ =	shalt  }
0x66: {  	_ =	shalt  }
0x67: {  	_ =	shalt  }
0x68: {  	_ =	shalt  }
0x69: {  	_ =	shalt  }
0x6a: {  	_ =	shalt  }
0x6b: {  	_ =	shalt  }
0x6c: {  	_ =	shalt  }
0x6d: {  	_ =	shalt  }
0x6e: {  	_ =	shalt  }
0x6f: {  	_ =	shalt  }
0x70: {  	_ =	shalt  }
0x71: {  	_ =	shalt  }
0x72: {  	_ =	shalt  }
0x73: {  	_ =	shalt  }
0x74: {  	_ =	shalt  }
0x75: {  	_ =	shalt  }
0x76: {  	_ =	shalt  }
0x77: {  	_ =	shalt  }
0x78: {  	_ =	shalt  }
0x79: {  	_ =	shalt  }
0x7a: {  	_ =	shalt  }
0x7b: {  	_ =	shalt  }
0x7c: {  	_ =	shalt  }
0x7d: {  	_ =	shalt  }
0x7e: {  	_ =	shalt  }
0x7f: {  	_ =	shalt  }
0x80: {  	_ =	shalt  }
0x81: {  	_ =	shalt  }
0x82: {  	_ =	shalt  }
0x83: {  	_ =	shalt  }
0x84: {  	_ =	shalt  }
0x85: {  	_ =	shalt  }
0x86: {  	_ =	shalt  }
0x87: {  	_ =	shalt  }
.Lfunc_end0:
.L_simem_size_0:
called_computation_lowered:
.L_overlay_start_0:
0x88: {  	s2 =	sld [smem:$0x3FD9]  }
0x89: {  	s3 =	sld [smem:$0x3FFE];
	_ =	sdelay $0x1  }
0x8a: {  	s1 =	srdreg.scid  }
0x8b: {  	s0 =	sand.u32 $0x1, s1  }
0x8c: {  	s17 =	sshll.u32 s0, $0xA;
	s2 =	sadd.s32 s3, s2  }
0x8d: {  	s2 =	sadd.s32 s2, s17  }
0x8e: {  	[smem:$0x3FA8] =	sst s2  }
0x8f: {  	_ = 	snop  }
0x90: {  	s2 =	sld [smem:$0x3FC9]  }
0x91: {  	s18 =	sld [smem:$0x3FC8]  }
0x92: {  	s4 =	sld [smem:$0x3FC7]  }
0x93: {  	s5 =	sld [smem:$0x3FC6]  }
0x94: {  	s6 =	sld [smem:$0x3FC5]  }
0x95: {  	s7 =	sld [smem:$0x3FC4]  }
0x96: {  	s8 =	sld [smem:$0x3FC3]  }
0x97: {  	s9 =	sld [smem:$0x3FC1]  }
0x98: {  	s10 =	sld [smem:$0x3FC0]  }
0x99: {  	s11 =	sld [smem:$0x3FD0];
	(tm) =	ssettm $0x1  }
0x9a: {  	s12 =	sld [smem:$0x3FFB];
	_ =	sdelay $0x3  }
0x9b: {  	_ =	strace s12  }
0x9c: {  	s12 =	sld [smem:$0x3FFC];
	_ =	sdelay $0x3  }
0x9d: {  	_ =	strace s12  }
0x9e: {  	s12 =	sld [smem:$0x3FFD];
	_ =	sdelay $0x3  }
0x9f: {  	_ =	strace s12  }
0xa0: {  	_ =	strace $0x8FFFFFFF  }
0xa1: {  	s19 =	sld [smem:$0x3FDB];
	_ =	sdelay $0x1  }
0xa2: {  	s13 =	simm.s32 $_scs_section_size  }
0xa3: {  	s14 =	simm.s32 $_size__tile_overlayer_lowered;
	s15 =	simm.s32 $_tile_overlayer_lowered  }
0xa4: {  	s22 =	simm.s32 $0x1BFF;
	s21 =	sshll.u32 s15, $0x1;
	s12 =	sadd.s32 s13, s19  }
0xa5: {  	s16 =	simm.s32 $0x0;
	s20 =	sshll.u32 s14, $0x1;
	s14 =	sadd.s32 s21, s12  }
0xa6: {  	[timem:s16], [sflag:s22] =	dma.local [hbm:s14], s20  }
0xa7: {  	_ =	swait.ge [sflag:s22], s20  }
0xa8: {  	s13 =	ssub.s32 $0x0, s20;
	[sflag:s22] =	ssyncset.done $0x0  }
0xa9: {  	[sflag:s22] =	ssyncadd.s32 s13;
	_ =	sdelay $0x1  }
0xaa: {  	s23 =	simm.s32 $0x1B8B  }
0xab: {  	_ =	swait.ge [sflag:s23], $0x1  }
0xac: {  	[sflag:s23] =	ssyncset.done $0x0  }
0xad: {  	s25 =	simm.s32 $0x1B8E;
	s24 =	sld [smem:$0x3FFE];
	[sflag:s23] =	ssyncadd.s32 $0xFFFFFFFF  }
0xae: {  	s26 =	simm.s32 $execute0_lowered;
	[smem:$0x3FD2] =	sst s25  }
0xaf: {  	s14 =	sshll.u32 s26, $0x1;
	_ =	strace $0x80000046;
	[dreg:$0x1] =	wrdreg $0xFFFFFFFF  }
0xb0: {  	s28 =	simm.s32 $_size_execute0_lowered;
	s12 =	sadd.s32 s12, s14;
	[dreg:$0x0] =	wrdreg $0x0  }
0xb1: {  	s14 =	sshll.u32 s28, $0x1;
	[dreg:$0x2] =	wrdreg s12  }
0xb2: {  	[dreg:$0x3] =	wrdreg s14  }
0xb3: {  	[dreg:$0x4] =	wrdreg $0xC0  }
0xb4: {  	_ =	task [dreg:s16], $0x5FFFF  }
0xb5: {  	[dreg:$0x1] =	wrdreg $0xFFFFFFFF  }
0xb6: {  	[dreg:$0x0] =	wrdreg $0x60  }
0xb7: {  	[dreg:$0x2] =	wrdreg s2  }
0xb8: {  	[dreg:$0x3] =	wrdreg s18  }
0xb9: {  	[dreg:$0x4] =	wrdreg s4  }
0xba: {  	[dreg:$0x5] =	wrdreg s5  }
0xbb: {  	[dreg:$0x6] =	wrdreg s6  }
0xbc: {  	[dreg:$0x7] =	wrdreg s7  }
0xbd: {  	[dreg:$0x8] =	wrdreg s8  }
0xbe: {  	[dreg:$0x9] =	wrdreg s9  }
0xbf: {  	[dreg:$0xa] =	wrdreg s10  }
0xc0: {  	[dreg:$0xb] =	wrdreg s24  }
0xc1: {  	[dreg:$0xc] =	wrdreg s11  }
0xc2: {  	[dreg:$0xd] =	wrdreg $0x9  }
0xc3: {  	_ =	task.clear_ibuf [dreg:s16], $0xEFFFF;
	_ =	strace $0x90000046  }
0xc4: {  	s29 =	simm.s32 $0x9;
	_ =	strace $0x80000048  }
0xc5: {  	_ =	swait.ge [sflag:s29], $0x1  }
0xc6: {  	[sflag:s29] =	ssyncadd.s32 $0xFFFFFFFF  }
0xc7: {  	_ =	strace $0x90000048  }
0xc8: {  	_ =	sfence  }
0xc9: {  	s30 =	sld [smem:$0x0];
	_ =	sdelay $0x2  }
0xca: {  	s31 =	sshll.u32 s1, $0xD;
	s1 =	sshrl.u32 s1, $0x2  }
0xcb: {  	s3 =	sand.u32 $0x4000, s31;
	s1 =	sadd.s32 s1, s30  }
0xcc: {  	s0 =	sor.u32 s3, s0;
	s1 =	sshll.u32 s1, $0x11  }
0xcd: {  	s0 =	sor.u32 s1, s0  }
0xce: {  	s0 =	sadd.s32 $0x8F2B, s0  }
0xcf: {  	[sflag:s0] =	ssyncadd.remote.s32 $0x1  }
0xd0: {  	_ =	sfence.sel $0xFFFF  }
0xd1: {  	[dreg:$0x0] =	wrdreg $0xFFFFFFFF;
	(pc) =	sbr.abs _section_cstart, $3  }
0xd2: {  	[dreg:$0x1] =	wrdreg $0xFFFFFFFF  }
0xd3: {  	_ =	task.clear_ibuf [dreg:s16], $0x2FFFF;
	_ =	strace $0x9FFFFFFF  }
0xd4: {  	(tm) =	ssettm $0x7FFFFFFF  }
0xd5: {  	_ =	shalt  }
tec
execute0_lowered:
.L_overlay_start_1:
0x0: {  	(tag) =	ssettag $0x1  }
0x1: {  	s0 =	rddreg [dreg:$0x0]  }
0x2: {  	s6 =	rddreg [dreg:$0x1]  }
0x3: {  	s12 =	rddreg [dreg:$0x2]  }
0x4: {  	s1 =	rddreg [dreg:$0x3]  }
0x5: {  	s13 =	rddreg [dreg:$0x4]  }
0x6: {  	s15 =	rddreg [dreg:$0x5]  }
0x7: {  	s16 =	rddreg [dreg:$0x6]  }
0x8: {  	s17 =	rddreg [dreg:$0x7]  }
0x9: {  	s18 =	rddreg [dreg:$0x8]  }
0xa: {  	s19 =	rddreg [dreg:$0x9];
	s2 =	simm.s32 $0x0;
	s10 =	srdreg.scid  }
0xb: {  	s11 =	stileid.u32;
	[smem:$0x7FF] =	sst s2;
	s3 =	sadd.s32 $0xF46E00, s19  }
0xc: {  	s23 =	sadd.s32 $0x18B400, s19;
	s10 =	sand.u32 $0x1, s10;
	s11 =	sshll.u32 s11, $0xA  }
0xd: {  	_ =	strace $0x80000047;
	[smem:$0x7F8] =	sst s3;
	s26 =	sshll.u32 s10, $0x9  }
0xe: {  	s24 =	sadd.s32 $0x7C00, s19;
	[smem:$0x7F9] =	sst s23;
	s3 =	sor.u32 s26, s11  }
0xf: {  	s25 =	sadd.s32 $0x8000, s19;
	[smem:$0x7FA] =	sst s24;
	s4 =	sshrl.u32 s3, $0x3  }
0x10: {  	s28 =	simm.s32 $0x200;
	[smem:$0x7FB] =	sst s25;
	s0 =	sadd.s32 s0, s4  }
0x11: {  	s30 =	simm.s32 $0x400;
	s7 =	sadd.s32 s6, s4;
	[dreg:$0xc] =	wrdreg s0  }
0x12: {  	s29 =	simm.s32 $0x80;
	s12 =	sadd.s32 s12, s4;
	[dreg:$0xd] =	wrdreg s7  }
0x13: {  	s31 =	simm.s32 $0x1;
	s14 =	sadd.s32 s1, s4;
	[dreg:$0xe] =	wrdreg s12  }
0x14: {  	s8 =	sadd.s32 $0x7600, s19;
	s20 =	sadd.s32 s13, s4;
	[dreg:$0xf] =	wrdreg s14  }
0x15: {  	s9 =	sadd.s32 $0x4A00, s19;
	s23 =	sadd.s32 s15, s4;
	[dreg:$0x10] =	wrdreg s20  }
0x16: {  	s21 =	ssub.s32 $0x2, s10;
	s25 =	sadd.s32 s16, s4;
	[dreg:$0x11] =	wrdreg s23  }
0x17: {  	s5 =	sshll.u32 s3, $0x1;
	s26 =	sadd.s32 s17, s4;
	[dreg:$0x12] =	wrdreg s25  }
0x18: {  	s1 =	sadd.s32 s18, s4;
	s4 =	sadd.s32 s5, s19;
	[dreg:$0x13] =	wrdreg s26  }
0x19: {  	s10 =	sadd.s32 $0x7A00, s19;
	[dreg:$0x14] =	wrdreg s1;
	s7 =	sadd.s32 $0x2C200, s4  }
0x1a: {  	s5 =	sadd.s32 s3, s19;
	s0 =	sadd.s32 $0x24200, s4;
	[dreg:$0x15] =	wrdreg s7  }
0x1b: {  	s22 =	sshrl.u32 s21, $0x1;
	s12 =	sadd.s32 $0x20200, s5;
	[dreg:$0x16] =	wrdreg s0  }
0x1c: {  	s11 =	sadd.s32 $0x7E00, s19;
	s13 =	sadd.s32 $0x1C200, s5;
	[dreg:$0x17] =	wrdreg s12  }
0x1d: {  	s24 =	ssub.s32 s21, s22;
	s14 =	sadd.s32 $0x18200, s5;
	[dreg:$0x18] =	wrdreg s13  }
0x1e: {  	s21 =	sadd.s32 $0x7800, s19;
	s15 =	sadd.s32 $0x14200, s5;
	[dreg:$0x19] =	wrdreg s14  }
0x1f: {  	s22 =	sadd.s32 $0x7200, s19;
	s16 =	sadd.s32 $0x10200, s5;
	[dreg:$0x1a] =	wrdreg s15  }
0x20: {  	s6 =	simm.s32 $0xA00;
	s17 =	sadd.s32 $0xC200, s5;
	[dreg:$0x1b] =	wrdreg s16  }
0x21: {  	s3 =	simm.s32 $0x9800;
	s18 =	sadd.s32 $0x8200, s5;
	[dreg:$0x1c] =	wrdreg s17  }
0x22: {  	s23 =	sadd.s32 $0x7400, s19;
	s19 =	sadd.s32 $0x3C200, s5;
	[dreg:$0x1d] =	wrdreg s18  }
0x23: {  	s20 =	sadd.s32 $0x38200, s5;
	s25 =	sadd.s32 $0x34200, s5;
	[dreg:$0x1e] =	wrdreg s19  }
0x24: {  	s26 =	smax.u32 s24, $0x1;
	s24 =	simm.s32 $0x6800;
	[dreg:$0x1f] =	wrdreg s20  }
0x25: {  	s4 =	simm.s32 $0xC800;
	s5 =	simm.s32 $0xD800;
	[smem:$0x7FC] =	sst s25  }
0x26: {  	[smem:$0x7FD] =	sst s26;
	s16 =	simm.s32 $0x2;
	s0 =	simm.s32 $0x600  }
0x27: {  	s17 =	simm.s32 $0x800;
	s18 =	simm.s32 $0xC00;
	s12 =	simm.s32 $0xE00  }
0x28: {  	s19 =	simm.s32 $0x1000;
	s25 =	simm.s32 $0x0;
	s15 =	simm.s32 $0x7800  }
0x29: {  	s13 =	simm.s32 $0xA800;
	s20 =	simm.s32 $0xB800;
	s7 =	simm.s32 $0xE800  }
.LBB2_1:
0x2a: {  	s26 =	rddreg [dreg:$0xc]  }
0x2b: {  	[tilespmem:s2], [sflag:$0x2] =	stream.linear.gather [hbm4b:s26+s2], $0x200, $0x38;
	[tilespmem:$0xF800] =	vst v63  }
0x2c: {  	_ =	swait.ge [sflag:s16], $0x200  }
0x2d: {  	[sflag:s16] =	ssyncset.done $0x0  }
0x2e: {  	s1 =	rddreg [dreg:$0xd];
	[sflag:s16] =	ssyncadd.s32 $0xFFFFFE00  }
0x2f: {  	[tilespmem:s28], [sflag:$0x2] =	stream.linear.gather [hbm4b:s1+s2], $0x200, $0x38;
	[tilespmem:$0xF800] =	vst v63  }
0x30: {  	_ =	swait.ge [sflag:s16], $0x200  }
0x31: {  	[sflag:s16] =	ssyncset.done $0x0  }
0x32: {  	s14 =	rddreg [dreg:$0xe];
	[sflag:s16] =	ssyncadd.s32 $0xFFFFFE00  }
0x33: {  	[tilespmem:s30], [sflag:$0x2] =	stream.linear.gather [hbm4b:s14+s2], $0x200, $0x38;
	[tilespmem:$0xF800] =	vst v63  }
0x34: {  	_ =	swait.ge [sflag:s16], $0x200  }
0x35: {  	[sflag:s16] =	ssyncset.done $0x0  }
0x36: {  	s30 =	rddreg [dreg:$0xf];
	[sflag:s16] =	ssyncadd.s32 $0xFFFFFE00  }
0x37: {  	[tilespmem:s0], [sflag:$0x2] =	stream.linear.gather [hbm4b:s30+s2], $0x200, $0x38;
	[tilespmem:$0xF800] =	vst v63  }
0x38: {  	_ =	swait.ge [sflag:s16], $0x200  }
0x39: {  	[sflag:s16] =	ssyncset.done $0x0  }
0x3a: {  	s1 =	rddreg [dreg:$0x10];
	[sflag:s16] =	ssyncadd.s32 $0xFFFFFE00  }
0x3b: {  	[tilespmem:s17], [sflag:$0x2] =	stream.linear.gather [hbm4b:s1+s2], $0x200, $0x38;
	[tilespmem:$0xF800] =	vst v63  }
0x3c: {  	_ =	swait.ge [sflag:s16], $0x200  }
0x3d: {  	[sflag:s16] =	ssyncset.done $0x0  }
0x3e: {  	s14 =	rddreg [dreg:$0x11];
	[sflag:s16] =	ssyncadd.s32 $0xFFFFFE00  }
0x3f: {  	[tilespmem:s6], [sflag:$0x2] =	stream.linear.gather [hbm4b:s14+s2], $0x200, $0x38;
	[tilespmem:$0xF800] =	vst v63  }
0x40: {  	_ =	swait.ge [sflag:s16], $0x200  }
0x41: {  	[sflag:s16] =	ssyncset.done $0x0  }
0x42: {  	s17 =	rddreg [dreg:$0x12];
	[sflag:s16] =	ssyncadd.s32 $0xFFFFFE00  }
0x43: {  	[tilespmem:s18], [sflag:$0x2] =	stream.linear.gather [hbm4b:s17+s2], $0x200, $0x38;
	[tilespmem:$0xF800] =	vst v63  }
0x44: {  	_ =	swait.ge [sflag:s16], $0x200  }
0x45: {  	[sflag:s16] =	ssyncset.done $0x0  }
0x46: {  	s18 =	rddreg [dreg:$0x13];
	[sflag:s16] =	ssyncadd.s32 $0xFFFFFE00  }
0x47: {  	[tilespmem:s12], [sflag:$0x2] =	stream.linear.gather [hbm4b:s18+s2], $0x200, $0x38;
	[tilespmem:$0xF800] =	vst v63  }
0x48: {  	_ =	swait.ge [sflag:s16], $0x200  }
0x49: {  	[sflag:s16] =	ssyncset.done $0x0  }
0x4a: {  	s30 =	rddreg [dreg:$0x14];
	[sflag:s16] =	ssyncadd.s32 $0xFFFFFE00  }
0x4b: {  	[tilespmem:s19], [sflag:$0x2] =	stream.linear.gather [hbm4b:s30+s2], $0x200, $0x38;
	[tilespmem:$0xF800] =	vst v63  }
0x4c: {  	_ =	swait.ge [sflag:s16], $0x200  }
0x4d: {  	[sflag:s16] =	ssyncset.done $0x0  }
0x4e: {  	s26 =	simm.s32 $0x0;
	[sflag:s16] =	ssyncadd.s32 $0xFFFFFE00  }
0x4f: {  	v3 =	vld [tilespmem:s26+$0xA00]  }
0x50: {  	v4 =	vld [tilespmem:s26+$0x400]  }
0x51: {  	v0 =	vld [tilespmem:s26+$0x600]  }
0x52: {  	v1 =	vld [tilespmem:s26+$0xE00]  }
0x53: {  	s28 =	simm.s32 $0x40;
	v2 =	vld [tilespmem:s26+$0x1000]  }
.LBB2_2:
0x54: {  	s30 =	sshra.s32 s28, $0x2;
	p0 =	sne.s32 s28, $0x7C0;
	s28 =	sadd.s32 $0x40, s28;
	v5 =	vmul.u32 $0x3, v3  }
.Ltmp0:
0x55: {  	v3 =	vld [tilespmem:s30+$0xA00];
	v6 =	vmul.u32 $0x3, v4;
	(pc) =	sbr.rel @p0 .LBB2_2-.Ltmp0, $4  }
0x56: {  	v4 =	vld [tilespmem:s30+$0x400];
	v5 =	vadd.s32 v0, v5  }
0x57: {  	v6 =	vadd.s32 v0, v6;
	v0 =	vld [tilespmem:s30+$0x600];
	[tilespmem:s26+$0x1400] =	vst v5;
	v5 =	vshll.u32 v1, $0x2  }
0x58: {  	v1 =	vld [tilespmem:s30+$0xE00];
	[tilespmem:s26+$0x1200] =	vst v6;
	v5 =	vadd.s32 v2, v5  }
0x59: {  	v2 =	vld [tilespmem:s30+$0x1000];
	[tilespmem:s26+$0x1600] =	vst v5;
	s26 =	smov.u32 s30  }
0x5a: {  	v3 =	vmul.u32 $0x3, v3  }
0x5b: {  	v4 =	vmul.u32 $0x3, v4  }
0x5c: {  	v3 =	vadd.s32 v0, v3  }
0x5d: {  	s1 =	sld [smem:$0x7F8];
	v62 =	vadd.s32 v0, v4;
	[tilespmem:s26+$0x1400] =	vst v3;
	v1 =	vshll.u32 v1, $0x2  }
0x5e: {  	[tilespmem:s26+$0x1200] =	vst v62;
	v63 =	vadd.s32 v2, v1  }
0x5f: {  	s0 =	simm.s32 $0x1800;
	[tilespmem:s26+$0x1600] =	vst v63  }
0x60: {  	[tilespmem:s0], [sflag:$0x1] =	stream.indirect.gather [hbm4b:s1+s29], $0x10, s2, s29, $0xb8;
	[tilespmem:$0xF800] =	vst v63  }
0x61: {  	s17 =	simm.s32 $0x2000  }
0x62: {  	[tilespmem:s17], [sflag:$0x1] =	stream.indirect.gather [hbm4b:s1+s29], $0x10, s29, s29, $0xb8;
	[tilespmem:$0xF800] =	vst v63  }
0x63: {  	s18 =	simm.s32 $0x100;
	s6 =	simm.s32 $0x2800  }
0x64: {  	[tilespmem:s6], [sflag:$0x1] =	stream.indirect.gather [hbm4b:s1+s29], $0x10, s18, s29, $0xb8;
	[tilespmem:$0xF800] =	vst v63  }
0x65: {  	s19 =	simm.s32 $0x180;
	s26 =	simm.s32 $0x3000  }
0x66: {  	[tilespmem:s26], [sflag:$0x1] =	stream.indirect.gather [hbm4b:s1+s29], $0x10, s19, s29, $0xb8;
	[tilespmem:$0xF800] =	vst v63  }
0x67: {  	_ =	swait.ge [sflag:s31], $0x800  }
0x68: {  	[sflag:s31] =	ssyncset.done $0x0  }
0x69: {  	[sflag:s31] =	ssyncadd.s32 $0xFFFFF800  }
0x6a: {  	_ =	swait.ge [sflag:s31], $0x800  }
0x6b: {  	[sflag:s31] =	ssyncset.done $0x0  }
0x6c: {  	[sflag:s31] =	ssyncadd.s32 $0xFFFFF800  }
0x6d: {  	_ =	swait.ge [sflag:s31], $0x800  }
0x6e: {  	[sflag:s31] =	ssyncset.done $0x0  }
0x6f: {  	[sflag:s31] =	ssyncadd.s32 $0xFFFFF800  }
0x70: {  	_ =	swait.ge [sflag:s31], $0x800  }
0x71: {  	s1 =	sld [smem:$0x7F9]  }
0x72: {  	[sflag:s31] =	ssyncset.done $0x0  }
0x73: {  	s28 =	simm.s32 $0x200;
	s6 =	simm.s32 $0x3800;
	[sflag:s31] =	ssyncadd.s32 $0xFFFFF800  }
0x74: {  	[tilespmem:s6], [sflag:$0x1] =	stream.indirect.gather [hbm4b:s1+s29], $0x10, s28, s29, $0xb8;
	[tilespmem:$0xF800] =	vst v63  }
0x75: {  	s12 =	simm.s32 $0x280;
	s14 =	simm.s32 $0x4000  }
0x76: {  	[tilespmem:s14], [sflag:$0x1] =	stream.indirect.gather [hbm4b:s1+s29], $0x10, s12, s29, $0xb8;
	[tilespmem:$0xF800] =	vst v63  }
0x77: {  	s17 =	simm.s32 $0x300;
	s18 =	simm.s32 $0x4800  }
0x78: {  	[tilespmem:s18], [sflag:$0x1] =	stream.indirect.gather [hbm4b:s1+s29], $0x10, s17, s29, $0xb8;
	[tilespmem:$0xF800] =	vst v63  }
0x79: {  	s19 =	simm.s32 $0x380;
	s26 =	simm.s32 $0x5000  }
0x7a: {  	[tilespmem:s26], [sflag:$0x1] =	stream.indirect.gather [hbm4b:s1+s29], $0x10, s19, s29, $0xb8;
	[tilespmem:$0xF800] =	vst v63  }
0x7b: {  	_ =	swait.ge [sflag:s31], $0x800  }
0x7c: {  	[sflag:s31] =	ssyncset.done $0x0  }
0x7d: {  	[sflag:s31] =	ssyncadd.s32 $0xFFFFF800  }
0x7e: {  	_ =	swait.ge [sflag:s31], $0x800  }
0x7f: {  	[sflag:s31] =	ssyncset.done $0x0  }
0x80: {  	[sflag:s31] =	ssyncadd.s32 $0xFFFFF800  }
0x81: {  	_ =	swait.ge [sflag:s31], $0x800  }
0x82: {  	[sflag:s31] =	ssyncset.done $0x0  }
0x83: {  	[sflag:s31] =	ssyncadd.s32 $0xFFFFF800  }
0x84: {  	_ =	swait.ge [sflag:s31], $0x800  }
0x85: {  	s14 =	sld [smem:$0x7FA]  }
0x86: {  	[sflag:s31] =	ssyncset.done $0x0  }
0x87: {  	s30 =	simm.s32 $0x400;
	s12 =	simm.s32 $0x5800;
	[sflag:s31] =	ssyncadd.s32 $0xFFFFF800  }
0x88: {  	[tilespmem:s12], [sflag:$0x1] =	stream.indirect.gather [hbm4b:s14+s29], $0x8, s30, s29, $0xb8;
	[tilespmem:$0xF800] =	vst v63  }
0x89: {  	s17 =	simm.s32 $0x480;
	s18 =	simm.s32 $0x5C00  }
0x8a: {  	[tilespmem:s18], [sflag:$0x1] =	stream.indirect.gather [hbm4b:s14+s29], $0x8, s17, s29, $0xb8;
	[tilespmem:$0xF800] =	vst v63  }
0x8b: {  	s19 =	simm.s32 $0x500;
	s26 =	simm.s32 $0x6000  }
0x8c: {  	[tilespmem:s26], [sflag:$0x1] =	stream.indirect.gather [hbm4b:s14+s29], $0x8, s19, s29, $0xb8;
	[tilespmem:$0xF800] =	vst v63  }
0x8d: {  	s6 =	simm.s32 $0x580;
	s12 =	simm.s32 $0x6400  }
0x8e: {  	[tilespmem:s12], [sflag:$0x1] =	stream.indirect.gather [hbm4b:s14+s29], $0x8, s6, s29, $0xb8;
	[tilespmem:$0xF800] =	vst v63  }
0x8f: {  	_ =	swait.ge [sflag:s31], $0x400  }
0x90: {  	[sflag:s31] =	ssyncset.done $0x0  }
0x91: {  	[sflag:s31] =	ssyncadd.s32 $0xFFFFFC00  }
0x92: {  	_ =	swait.ge [sflag:s31], $0x400  }
0x93: {  	[sflag:s31] =	ssyncset.done $0x0  }
0x94: {  	[sflag:s31] =	ssyncadd.s32 $0xFFFFFC00  }
0x95: {  	_ =	swait.ge [sflag:s31], $0x400  }
0x96: {  	[sflag:s31] =	ssyncset.done $0x0  }
0x97: {  	[sflag:s31] =	ssyncadd.s32 $0xFFFFFC00  }
0x98: {  	_ =	swait.ge [sflag:s31], $0x400  }
0x99: {  	s1 =	sld [smem:$0x7FB]  }
0x9a: {  	[sflag:s31] =	ssyncset.done $0x0  }
0x9b: {  	s0 =	simm.s32 $0x600;
	[sflag:s31] =	ssyncadd.s32 $0xFFFFFC00  }
0x9c: {  	[tilespmem:s24], [sflag:$0x1] =	stream.indirect.gather [hbm4b:s1+s29], $0x8, s0, s29, $0xb8;
	[tilespmem:$0xF800] =	vst v63  }
0x9d: {  	s14 =	simm.s32 $0x680;
	s12 =	simm.s32 $0x6C00  }
0x9e: {  	[tilespmem:s12], [sflag:$0x1] =	stream.indirect.gather [hbm4b:s1+s29], $0x8, s14, s29, $0xb8;
	[tilespmem:$0xF800] =	vst v63  }
0x9f: {  	s17 =	simm.s32 $0x700;
	s18 =	simm.s32 $0x7000  }
0xa0: {  	[tilespmem:s18], [sflag:$0x1] =	stream.indirect.gather [hbm4b:s1+s29], $0x8, s17, s29, $0xb8;
	[tilespmem:$0xF800] =	vst v63  }
0xa1: {  	s19 =	simm.s32 $0x780;
	s26 =	simm.s32 $0x7400  }
0xa2: {  	[tilespmem:s26], [sflag:$0x1] =	stream.indirect.gather [hbm4b:s1+s29], $0x8, s19, s29, $0xb8;
	[tilespmem:$0xF800] =	vst v63  }
0xa3: {  	_ =	swait.ge [sflag:s31], $0x400  }
0xa4: {  	[sflag:s31] =	ssyncset.done $0x0  }
0xa5: {  	[sflag:s31] =	ssyncadd.s32 $0xFFFFFC00  }
0xa6: {  	_ =	swait.ge [sflag:s31], $0x400  }
0xa7: {  	[sflag:s31] =	ssyncset.done $0x0  }
0xa8: {  	[sflag:s31] =	ssyncadd.s32 $0xFFFFFC00  }
0xa9: {  	_ =	swait.ge [sflag:s31], $0x400  }
0xaa: {  	[sflag:s31] =	ssyncset.done $0x0  }
0xab: {  	[sflag:s31] =	ssyncadd.s32 $0xFFFFFC00  }
0xac: {  	_ =	swait.ge [sflag:s31], $0x400  }
0xad: {  	[sflag:s31] =	ssyncset.done $0x0  }
0xae: {  	[sflag:s31] =	ssyncadd.s32 $0xFFFFFC00  }
0xaf: {  	s17 =	simm.s32 $0x800;
	s1 =	rddreg [dreg:$0xa]  }
0xb0: {  	[tilespmem:s15], [sflag:$0x1] =	stream.indirect.gather [hbm4b:s1+s29], $0x8, s17, s29, $0xb8;
	[tilespmem:$0xF800] =	vst v63  }
0xb1: {  	s14 =	simm.s32 $0x880;
	s18 =	simm.s32 $0x7C00  }
0xb2: {  	[tilespmem:s18], [sflag:$0x1] =	stream.indirect.gather [hbm4b:s1+s29], $0x8, s14, s29, $0xb8;
	[tilespmem:$0xF800] =	vst v63  }
0xb3: {  	s19 =	simm.s32 $0x900;
	s26 =	simm.s32 $0x8000  }
0xb4: {  	[tilespmem:s26], [sflag:$0x1] =	stream.indirect.gather [hbm4b:s1+s29], $0x8, s19, s29, $0xb8;
	[tilespmem:$0xF800] =	vst v63  }
0xb5: {  	s14 =	simm.s32 $0x980;
	s18 =	simm.s32 $0x8400  }
0xb6: {  	[tilespmem:s18], [sflag:$0x1] =	stream.indirect.gather [hbm4b:s1+s29], $0x8, s14, s29, $0xb8;
	[tilespmem:$0xF800] =	vst v63  }
0xb7: {  	_ =	swait.ge [sflag:s31], $0x400  }
0xb8: {  	[sflag:s31] =	ssyncset.done $0x0  }
0xb9: {  	[sflag:s31] =	ssyncadd.s32 $0xFFFFFC00  }
0xba: {  	_ =	swait.ge [sflag:s31], $0x400  }
0xbb: {  	[sflag:s31] =	ssyncset.done $0x0  }
0xbc: {  	[sflag:s31] =	ssyncadd.s32 $0xFFFFFC00  }
0xbd: {  	_ =	swait.ge [sflag:s31], $0x400  }
0xbe: {  	[sflag:s31] =	ssyncset.done $0x0  }
0xbf: {  	[sflag:s31] =	ssyncadd.s32 $0xFFFFFC00  }
0xc0: {  	_ =	swait.ge [sflag:s31], $0x400  }
0xc1: {  	[sflag:s31] =	ssyncset.done $0x0  }
0xc2: {  	s6 =	simm.s32 $0xA00;
	s1 =	simm.s32 $0x8800;
	[sflag:s31] =	ssyncadd.s32 $0xFFFFFC00  }
0xc3: {  	[tilespmem:s1], [sflag:$0x1] =	stream.indirect.gather [hbm4b:s8+s29], $0x8, s6, s29, $0xb8;
	[tilespmem:$0xF800] =	vst v63  }
0xc4: {  	s19 =	simm.s32 $0xA80;
	s18 =	simm.s32 $0x8C00  }
0xc5: {  	[tilespmem:s18], [sflag:$0x1] =	stream.indirect.gather [hbm4b:s8+s29], $0x8, s19, s29, $0xb8;
	[tilespmem:$0xF800] =	vst v63  }
0xc6: {  	s26 =	simm.s32 $0xB00;
	s14 =	simm.s32 $0x9000  }
0xc7: {  	[tilespmem:s14], [sflag:$0x1] =	stream.indirect.gather [hbm4b:s8+s29], $0x8, s26, s29, $0xb8;
	[tilespmem:$0xF800] =	vst v63  }
0xc8: {  	s19 =	simm.s32 $0xB80;
	s26 =	simm.s32 $0x9400  }
0xc9: {  	[tilespmem:s26], [sflag:$0x1] =	stream.indirect.gather [hbm4b:s8+s29], $0x8, s19, s29, $0xb8;
	[tilespmem:$0xF800] =	vst v63  }
0xca: {  	_ =	swait.ge [sflag:s31], $0x400  }
0xcb: {  	[sflag:s31] =	ssyncset.done $0x0  }
0xcc: {  	[sflag:s31] =	ssyncadd.s32 $0xFFFFFC00  }
0xcd: {  	_ =	swait.ge [sflag:s31], $0x400  }
0xce: {  	[sflag:s31] =	ssyncset.done $0x0  }
0xcf: {  	[sflag:s31] =	ssyncadd.s32 $0xFFFFFC00  }
0xd0: {  	_ =	swait.ge [sflag:s31], $0x400  }
0xd1: {  	[sflag:s31] =	ssyncset.done $0x0  }
0xd2: {  	[sflag:s31] =	ssyncadd.s32 $0xFFFFFC00  }
0xd3: {  	_ =	swait.ge [sflag:s31], $0x400  }
0xd4: {  	[sflag:s31] =	ssyncset.done $0x0  }
0xd5: {  	s18 =	simm.s32 $0xC00;
	[sflag:s31] =	ssyncadd.s32 $0xFFFFFC00  }
0xd6: {  	[tilespmem:s3], [sflag:$0x1] =	stream.indirect.gather [hbm4b:s9+s29], $0x8, s18, s29, $0xb8;
	[tilespmem:$0xF800] =	vst v63  }
0xd7: {  	s14 =	simm.s32 $0xC80;
	s19 =	simm.s32 $0x9C00  }
0xd8: {  	[tilespmem:s19], [sflag:$0x1] =	stream.indirect.gather [hbm4b:s9+s29], $0x8, s14, s29, $0xb8;
	[tilespmem:$0xF800] =	vst v63  }
0xd9: {  	s26 =	simm.s32 $0xD00;
	s14 =	simm.s32 $0xA000  }
0xda: {  	[tilespmem:s14], [sflag:$0x1] =	stream.indirect.gather [hbm4b:s9+s29], $0x8, s26, s29, $0xb8;
	[tilespmem:$0xF800] =	vst v63  }
0xdb: {  	s26 =	simm.s32 $0xD80;
	s14 =	simm.s32 $0xA400  }
0xdc: {  	[tilespmem:s14], [sflag:$0x1] =	stream.indirect.gather [hbm4b:s9+s29], $0x8, s26, s29, $0xb8;
	[tilespmem:$0xF800] =	vst v63  }
0xdd: {  	_ =	swait.ge [sflag:s31], $0x400  }
0xde: {  	[sflag:s31] =	ssyncset.done $0x0  }
0xdf: {  	[sflag:s31] =	ssyncadd.s32 $0xFFFFFC00  }
0xe0: {  	_ =	swait.ge [sflag:s31], $0x400  }
0xe1: {  	[sflag:s31] =	ssyncset.done $0x0  }
0xe2: {  	[sflag:s31] =	ssyncadd.s32 $0xFFFFFC00  }
0xe3: {  	_ =	swait.ge [sflag:s31], $0x400  }
0xe4: {  	[sflag:s31] =	ssyncset.done $0x0  }
0xe5: {  	[sflag:s31] =	ssyncadd.s32 $0xFFFFFC00  }
0xe6: {  	_ =	swait.ge [sflag:s31], $0x400  }
0xe7: {  	[sflag:s31] =	ssyncset.done $0x0  }
0xe8: {  	s12 =	simm.s32 $0xE00;
	[sflag:s31] =	ssyncadd.s32 $0xFFFFFC00  }
0xe9: {  	[tilespmem:s13], [sflag:$0x1] =	stream.indirect.gather [hbm4b:s10+s29], $0x8, s12, s29, $0xb8;
	[tilespmem:$0xF800] =	vst v63  }
0xea: {  	s26 =	simm.s32 $0xE80;
	s14 =	simm.s32 $0xAC00  }
0xeb: {  	[tilespmem:s14], [sflag:$0x1] =	stream.indirect.gather [hbm4b:s10+s29], $0x8, s26, s29, $0xb8;
	[tilespmem:$0xF800] =	vst v63  }
0xec: {  	s26 =	simm.s32 $0xF00;
	s14 =	simm.s32 $0xB000  }
0xed: {  	[tilespmem:s14], [sflag:$0x1] =	stream.indirect.gather [hbm4b:s10+s29], $0x8, s26, s29, $0xb8;
	[tilespmem:$0xF800] =	vst v63  }
0xee: {  	s26 =	simm.s32 $0xF80;
	s14 =	simm.s32 $0xB400  }
0xef: {  	[tilespmem:s14], [sflag:$0x1] =	stream.indirect.gather [hbm4b:s10+s29], $0x8, s26, s29, $0xb8;
	[tilespmem:$0xF800] =	vst v63  }
0xf0: {  	_ =	swait.ge [sflag:s31], $0x400  }
0xf1: {  	[sflag:s31] =	ssyncset.done $0x0  }
0xf2: {  	[sflag:s31] =	ssyncadd.s32 $0xFFFFFC00  }
0xf3: {  	_ =	swait.ge [sflag:s31], $0x400  }
0xf4: {  	[sflag:s31] =	ssyncset.done $0x0  }
0xf5: {  	[sflag:s31] =	ssyncadd.s32 $0xFFFFFC00  }
0xf6: {  	_ =	swait.ge [sflag:s31], $0x400  }
0xf7: {  	[sflag:s31] =	ssyncset.done $0x0  }
0xf8: {  	[sflag:s31] =	ssyncadd.s32 $0xFFFFFC00  }
0xf9: {  	_ =	swait.ge [sflag:s31], $0x400  }
0xfa: {  	[sflag:s31] =	ssyncset.done $0x0  }
0xfb: {  	s19 =	simm.s32 $0x1000;
	[sflag:s31] =	ssyncadd.s32 $0xFFFFFC00  }
0xfc: {  	[tilespmem:s20], [sflag:$0x1] =	stream.indirect.gather [hbm4b:s11+s29], $0x8, s19, s29, $0xb8;
	[tilespmem:$0xF800] =	vst v63  }
0xfd: {  	s26 =	simm.s32 $0x1080;
	s14 =	simm.s32 $0xBC00  }
0xfe: {  	[tilespmem:s14], [sflag:$0x1] =	stream.indirect.gather [hbm4b:s11+s29], $0x8, s26, s29, $0xb8;
	[tilespmem:$0xF800] =	vst v63  }
0xff: {  	s14 =	simm.s32 $0x1100;
	s26 =	simm.s32 $0xC000  }
0x100: {  	[tilespmem:s26], [sflag:$0x1] =	stream.indirect.gather [hbm4b:s11+s29], $0x8, s14, s29, $0xb8;
	[tilespmem:$0xF800] =	vst v63  }
0x101: {  	s14 =	simm.s32 $0x1180;
	s26 =	simm.s32 $0xC400  }
0x102: {  	[tilespmem:s26], [sflag:$0x1] =	stream.indirect.gather [hbm4b:s11+s29], $0x8, s14, s29, $0xb8;
	[tilespmem:$0xF800] =	vst v63  }
0x103: {  	_ =	swait.ge [sflag:s31], $0x400  }
0x104: {  	[sflag:s31] =	ssyncset.done $0x0  }
0x105: {  	[sflag:s31] =	ssyncadd.s32 $0xFFFFFC00  }
0x106: {  	_ =	swait.ge [sflag:s31], $0x400  }
0x107: {  	[sflag:s31] =	ssyncset.done $0x0  }
0x108: {  	[sflag:s31] =	ssyncadd.s32 $0xFFFFFC00  }
0x109: {  	_ =	swait.ge [sflag:s31], $0x400  }
0x10a: {  	[sflag:s31] =	ssyncset.done $0x0  }
0x10b: {  	[sflag:s31] =	ssyncadd.s32 $0xFFFFFC00  }
0x10c: {  	_ =	swait.ge [sflag:s31], $0x400  }
0x10d: {  	[sflag:s31] =	ssyncset.done $0x0  }
0x10e: {  	s26 =	simm.s32 $0x1200;
	[sflag:s31] =	ssyncadd.s32 $0xFFFFFC00  }
0x10f: {  	[tilespmem:s4], [sflag:$0x1] =	stream.indirect.gather [hbm4b:s21+s29], $0x8, s26, s29, $0xb8;
	[tilespmem:$0xF800] =	vst v63  }
0x110: {  	s14 =	simm.s32 $0x1280;
	s26 =	simm.s32 $0xCC00  }
0x111: {  	[tilespmem:s26], [sflag:$0x1] =	stream.indirect.gather [hbm4b:s21+s29], $0x8, s14, s29, $0xb8;
	[tilespmem:$0xF800] =	vst v63  }
0x112: {  	s14 =	simm.s32 $0x1300;
	s26 =	simm.s32 $0xD000  }
0x113: {  	[tilespmem:s26], [sflag:$0x1] =	stream.indirect.gather [hbm4b:s21+s29], $0x8, s14, s29, $0xb8;
	[tilespmem:$0xF800] =	vst v63  }
0x114: {  	s14 =	simm.s32 $0x1380;
	s26 =	simm.s32 $0xD400  }
0x115: {  	[tilespmem:s26], [sflag:$0x1] =	stream.indirect.gather [hbm4b:s21+s29], $0x8, s14, s29, $0xb8;
	[tilespmem:$0xF800] =	vst v63  }
0x116: {  	_ =	swait.ge [sflag:s31], $0x400  }
0x117: {  	[sflag:s31] =	ssyncset.done $0x0  }
0x118: {  	[sflag:s31] =	ssyncadd.s32 $0xFFFFFC00  }
0x119: {  	_ =	swait.ge [sflag:s31], $0x400  }
0x11a: {  	[sflag:s31] =	ssyncset.done $0x0  }
0x11b: {  	[sflag:s31] =	ssyncadd.s32 $0xFFFFFC00  }
0x11c: {  	_ =	swait.ge [sflag:s31], $0x400  }
0x11d: {  	[sflag:s31] =	ssyncset.done $0x0  }
0x11e: {  	[sflag:s31] =	ssyncadd.s32 $0xFFFFFC00  }
0x11f: {  	_ =	swait.ge [sflag:s31], $0x400  }
0x120: {  	[sflag:s31] =	ssyncset.done $0x0  }
0x121: {  	s26 =	simm.s32 $0x1400;
	[sflag:s31] =	ssyncadd.s32 $0xFFFFFC00  }
0x122: {  	[tilespmem:s5], [sflag:$0x1] =	stream.indirect.gather [hbm4b:s22+s29], $0x8, s26, s29, $0xb8;
	[tilespmem:$0xF800] =	vst v63  }
0x123: {  	s14 =	simm.s32 $0x1480;
	s26 =	simm.s32 $0xDC00  }
0x124: {  	[tilespmem:s26], [sflag:$0x1] =	stream.indirect.gather [hbm4b:s22+s29], $0x8, s14, s29, $0xb8;
	[tilespmem:$0xF800] =	vst v63  }
0x125: {  	s14 =	simm.s32 $0x1500;
	s26 =	simm.s32 $0xE000  }
0x126: {  	[tilespmem:s26], [sflag:$0x1] =	stream.indirect.gather [hbm4b:s22+s29], $0x8, s14, s29, $0xb8;
	[tilespmem:$0xF800] =	vst v63  }
0x127: {  	s14 =	simm.s32 $0x1580;
	s26 =	simm.s32 $0xE400  }
0x128: {  	[tilespmem:s26], [sflag:$0x1] =	stream.indirect.gather [hbm4b:s22+s29], $0x8, s14, s29, $0xb8;
	[tilespmem:$0xF800] =	vst v63  }
0x129: {  	_ =	swait.ge [sflag:s31], $0x400  }
0x12a: {  	[sflag:s31] =	ssyncset.done $0x0  }
0x12b: {  	[sflag:s31] =	ssyncadd.s32 $0xFFFFFC00  }
0x12c: {  	_ =	swait.ge [sflag:s31], $0x400  }
0x12d: {  	[sflag:s31] =	ssyncset.done $0x0  }
0x12e: {  	[sflag:s31] =	ssyncadd.s32 $0xFFFFFC00  }
0x12f: {  	_ =	swait.ge [sflag:s31], $0x400  }
0x130: {  	[sflag:s31] =	ssyncset.done $0x0  }
0x131: {  	[sflag:s31] =	ssyncadd.s32 $0xFFFFFC00  }
0x132: {  	_ =	swait.ge [sflag:s31], $0x400  }
0x133: {  	[sflag:s31] =	ssyncset.done $0x0  }
0x134: {  	s26 =	simm.s32 $0x1600;
	[sflag:s31] =	ssyncadd.s32 $0xFFFFFC00  }
0x135: {  	[tilespmem:s7], [sflag:$0x1] =	stream.indirect.gather [hbm4b:s23+s29], $0x8, s26, s29, $0xb8;
	[tilespmem:$0xF800] =	vst v63  }
0x136: {  	s14 =	simm.s32 $0x1680;
	s26 =	simm.s32 $0xEC00  }
0x137: {  	[tilespmem:s26], [sflag:$0x1] =	stream.indirect.gather [hbm4b:s23+s29], $0x8, s14, s29, $0xb8;
	[tilespmem:$0xF800] =	vst v63  }
0x138: {  	s14 =	simm.s32 $0x1700;
	s26 =	simm.s32 $0xF000  }
0x139: {  	[tilespmem:s26], [sflag:$0x1] =	stream.indirect.gather [hbm4b:s23+s29], $0x8, s14, s29, $0xb8;
	[tilespmem:$0xF800] =	vst v63  }
0x13a: {  	s14 =	simm.s32 $0x1780;
	s26 =	simm.s32 $0xF400  }
0x13b: {  	[tilespmem:s26], [sflag:$0x1] =	stream.indirect.gather [hbm4b:s23+s29], $0x8, s14, s29, $0xb8;
	[tilespmem:$0xF800] =	vst v63  }
0x13c: {  	_ =	swait.ge [sflag:s31], $0x400  }
0x13d: {  	[sflag:s31] =	ssyncset.done $0x0  }
0x13e: {  	[sflag:s31] =	ssyncadd.s32 $0xFFFFFC00  }
0x13f: {  	_ =	swait.ge [sflag:s31], $0x400  }
0x140: {  	[sflag:s31] =	ssyncset.done $0x0  }
0x141: {  	[sflag:s31] =	ssyncadd.s32 $0xFFFFFC00  }
0x142: {  	_ =	swait.ge [sflag:s31], $0x400  }
0x143: {  	[sflag:s31] =	ssyncset.done $0x0  }
0x144: {  	[sflag:s31] =	ssyncadd.s32 $0xFFFFFC00  }
0x145: {  	_ =	swait.ge [sflag:s31], $0x400  }
0x146: {  	[sflag:s31] =	ssyncset.done $0x0  }
0x147: {  	s14 =	simm.s32 $0x1800;
	s26 =	rddreg [dreg:$0x15];
	[sflag:s31] =	ssyncadd.s32 $0xFFFFFC00  }
0x148: {  	[hbm4b:s26+s2] =	stream.linear.scatter [tilespmem:s14], [sflag:$0x2], $0x2000, $0x38;
	[tilespmem:$0xF800] =	vst v63  }
0x149: {  	_ =	swait.ge [sflag:s16], $0x2000  }
0x14a: {  	[sflag:s16] =	ssyncset.done $0x0  }
0x14b: {  	s14 =	simm.s32 $0x3800;
	s26 =	rddreg [dreg:$0x16];
	[sflag:s16] =	ssyncadd.s32 $0xFFFFE000  }
0x14c: {  	[hbm4b:s26+s2] =	stream.linear.scatter [tilespmem:s14], [sflag:$0x2], $0x2000, $0x38;
	[tilespmem:$0xF800] =	vst v63  }
0x14d: {  	_ =	swait.ge [sflag:s16], $0x2000  }
0x14e: {  	[sflag:s16] =	ssyncset.done $0x0  }
0x14f: {  	s14 =	simm.s32 $0x5800;
	s26 =	rddreg [dreg:$0x17];
	[sflag:s16] =	ssyncadd.s32 $0xFFFFE000  }
0x150: {  	[hbm4b:s26+s2] =	stream.linear.scatter [tilespmem:s14], [sflag:$0x2], $0x1000, $0x38;
	[tilespmem:$0xF800] =	vst v63  }
0x151: {  	_ =	swait.ge [sflag:s16], $0x1000  }
0x152: {  	[sflag:s16] =	ssyncset.done $0x0  }
0x153: {  	s14 =	rddreg [dreg:$0x18];
	[sflag:s16] =	ssyncadd.s32 $0xFFFFF000  }
0x154: {  	[hbm4b:s14+s2] =	stream.linear.scatter [tilespmem:s24], [sflag:$0x2], $0x1000, $0x38;
	[tilespmem:$0xF800] =	vst v63  }
0x155: {  	_ =	swait.ge [sflag:s16], $0x1000  }
0x156: {  	[sflag:s16] =	ssyncset.done $0x0  }
0x157: {  	s14 =	rddreg [dreg:$0x19];
	[sflag:s16] =	ssyncadd.s32 $0xFFFFF000  }
0x158: {  	[hbm4b:s14+s2] =	stream.linear.scatter [tilespmem:s15], [sflag:$0x2], $0x1000, $0x38;
	[tilespmem:$0xF800] =	vst v63  }
0x159: {  	_ =	swait.ge [sflag:s16], $0x1000  }
0x15a: {  	[sflag:s16] =	ssyncset.done $0x0  }
0x15b: {  	s14 =	rddreg [dreg:$0x1a];
	[sflag:s16] =	ssyncadd.s32 $0xFFFFF000  }
0x15c: {  	[hbm4b:s14+s2] =	stream.linear.scatter [tilespmem:s1], [sflag:$0x2], $0x1000, $0x38;
	[tilespmem:$0xF800] =	vst v63  }
0x15d: {  	_ =	swait.ge [sflag:s16], $0x1000  }
0x15e: {  	[sflag:s16] =	ssyncset.done $0x0  }
0x15f: {  	s14 =	rddreg [dreg:$0x1b];
	[sflag:s16] =	ssyncadd.s32 $0xFFFFF000  }
0x160: {  	[hbm4b:s14+s2] =	stream.linear.scatter [tilespmem:s3], [sflag:$0x2], $0x1000, $0x38;
	[tilespmem:$0xF800] =	vst v63  }
0x161: {  	_ =	swait.ge [sflag:s16], $0x1000  }
0x162: {  	[sflag:s16] =	ssyncset.done $0x0  }
0x163: {  	s1 =	rddreg [dreg:$0x1c];
	[sflag:s16] =	ssyncadd.s32 $0xFFFFF000  }
0x164: {  	[hbm4b:s1+s2] =	stream.linear.scatter [tilespmem:s13], [sflag:$0x2], $0x1000, $0x38;
	[tilespmem:$0xF800] =	vst v63  }
0x165: {  	_ =	swait.ge [sflag:s16], $0x1000  }
0x166: {  	[sflag:s16] =	ssyncset.done $0x0  }
0x167: {  	s14 =	rddreg [dreg:$0x1d];
	[sflag:s16] =	ssyncadd.s32 $0xFFFFF000  }
0x168: {  	[hbm4b:s14+s2] =	stream.linear.scatter [tilespmem:s20], [sflag:$0x2], $0x1000, $0x38;
	[tilespmem:$0xF800] =	vst v63  }
0x169: {  	_ =	swait.ge [sflag:s16], $0x1000  }
0x16a: {  	[sflag:s16] =	ssyncset.done $0x0  }
0x16b: {  	s1 =	rddreg [dreg:$0x1e];
	[sflag:s16] =	ssyncadd.s32 $0xFFFFF000  }
0x16c: {  	[hbm4b:s1+s2] =	stream.linear.scatter [tilespmem:s4], [sflag:$0x2], $0x1000, $0x38;
	[tilespmem:$0xF800] =	vst v63  }
0x16d: {  	_ =	swait.ge [sflag:s16], $0x1000  }
0x16e: {  	[sflag:s16] =	ssyncset.done $0x0  }
0x16f: {  	s14 =	rddreg [dreg:$0x1f];
	[sflag:s16] =	ssyncadd.s32 $0xFFFFF000  }
0x170: {  	[hbm4b:s14+s2] =	stream.linear.scatter [tilespmem:s5], [sflag:$0x2], $0x1000, $0x38;
	[tilespmem:$0xF800] =	vst v63  }
0x171: {  	_ =	swait.ge [sflag:s16], $0x1000  }
0x172: {  	s1 =	sld [smem:$0x7FC]  }
0x173: {  	[sflag:s16] =	ssyncset.done $0x0  }
0x174: {  	[sflag:s16] =	ssyncadd.s32 $0xFFFFF000  }
0x175: {  	[hbm4b:s1+s2] =	stream.linear.scatter [tilespmem:s7], [sflag:$0x2], $0x1000, $0x38;
	[tilespmem:$0xF800] =	vst v63  }
0x176: {  	_ =	swait.ge [sflag:s16], $0x1000  }
0x177: {  	s14 =	sld [smem:$0x7FD];
	_ =	sdelay $0x1  }
0x178: {  	s25 =	sadd.s32 $0x1, s25  }
0x179: {  	p0 =	sne.s32 s25, s14  }
.Ltmp1:
0x17a: {  	_ = 	snop;
	(pc) =	sbr.rel @p0 .LBB2_1-.Ltmp1, $3  }
0x17b: {  	_ =	sdelay $0x1  }
0x17c: {  	[sflag:s16] =	ssyncset.done $0x0  }
0x17d: {  	[sflag:s16] =	ssyncadd.s32 $0xFFFFF000  }
0x17e: {  	_ =	sfence.sel $0x180000  }
0x17f: {  	[bflag:$0x0] =	sbarrier.arrive $0xFFFF  }
0x180: {  	_ =	strace $0x90000047  }
0x181: {  	s0 =	stileid.u32;
	[bflag:$0x2] =	sbarrier.arrive $0xFFFF  }
0x182: {  	p0 =	sne.s32 s0, $0x0;
	s0 =	rddreg [dreg:$0xb]  }
0x183: {  	s0 =	sadd.s32 @!p0 $0x100000, s0  }
0x184: {  	[sflag:s0] =	ssyncadd.tile.s32 @!p0 $0x1;
	_ =	shalt  }
.Lfunc_end2:
_tile_overlayer_lowered:
.L_overlay_start_2:
0x185: {  	(tag) =	ssettag $0x2  }
0x186: {  	s0 =	rddreg [dreg:$0x0];
	s2 =	stileid.u32  }
0x187: {  	s1 =	rddreg [dreg:$0x1];
	p0 =	sne.s32 s2, $0x0  }
0x188: {  	s3 =	rddreg [dreg:$0x2];
	[bflag:$0x3] =	sbarrier.arrive $0xFFFF;
	s2 =	simm.s32 @!p0 $0x1C02  }
0x189: {  	[timem:s3], [sflag:s2] =	dma.local @!p0 [hbm:s0], s1  }
0x18a: {  	s0 =	simm.s32 @!p0 $0x2  }
0x18b: {  	_ =	swait.ge @!p0 [sflag:s0], s1  }
0x18c: {  	s1 =	ssub.s32 @!p0 $0x0, s1;
	[sflag:s0] =	ssyncset.done @!p0 $0x0  }
0x18d: {  	[sflag:s0] =	ssyncadd.s32 @!p0 s1  }
0x18e: {  	[bflag:$0x3] =	sbarrier.arrive $0xFFFF  }
0x18f: {  	_ =	shalt  }

</sc_bundles>
